<compile_context>
chip_gen: v7x
topology: tpu7x:2x2x1
jax: 0.10.2.dev20260603
libtpu: 0.0.44.dev20260713+nightly
codegen_flags: <defaults>
</compile_context>

<pallas_src>
import functools

import jax
import jax.numpy as jnp
from jax import lax
from jax.experimental import pallas as pl
from jax.experimental.pallas import tpu as pltpu
import jax.experimental.pallas.tpu_sc as plsc

B, T, C, Q, V, D = 1024, 50, 2, 8, 8192, 64
NC, NS = 2, 16
NW = NC * NS
N = B * T * C * Q
RPW = N // NW
CH = 640
GSUB = 128
NSPLIT = 1


def _expand_body(tab_ref, ch_ref, out_ref):
    q = pl.program_id(0)
    t = tab_ref[0]
    b0 = ch_ref[pl.ds(q, 1), :]
    b1 = ch_ref[pl.ds(Q + q, 1), :]
    out_ref[...] = jnp.concatenate([t + b0, t + b1], axis=1)


def _expand_table(tables, channel_emb):
    return pl.pallas_call(
        _expand_body,
        grid=(Q,),
        in_specs=[
            pl.BlockSpec((1, V, D), lambda q: (q, 0, 0)),
            pl.BlockSpec((C * Q, D), lambda q: (0, 0)),
        ],
        out_specs=pl.BlockSpec((V, 2 * D), lambda q: (q, 0)),
        out_shape=jax.ShapeDtypeStruct((Q * V, 2 * D), jnp.float32),
    )(tables, channel_emb.reshape(C * Q, D))


def _gather_body(codes_hbm, exp_hbm, out_hbm, idx_a, idx_b, rows_a, rows_b,
                 sem_a, sem_b, *, ch, nchunk, sub):
    CH, NCHUNK, SUB = ch, nchunk, sub
    wid = lax.axis_index("s") * NC + lax.axis_index("c")
    base = wid * (NCHUNK * CH)
    lane = lax.iota(jnp.int32, 16)
    offs = ((lane & (Q - 1)) << 14) + (lane >> 3)

    def fire(g, idx_v, rows_v, sem):
        row0 = pl.multiple_of(base + g * CH, CH)
        pltpu.sync_copy(
            codes_hbm.at[pl.ds(pl.multiple_of(row0 // GSUB, SUB), SUB)], idx_v
        )
        for i in range(SUB):
            for j in range(GSUB // 16):
                sl = pl.ds(j * 16, 16)
                idx_v[i, sl] = idx_v[i, sl] * 2 + offs
        for i in range(SUB):
            pltpu.async_copy(
                exp_hbm.at[idx_v.at[i]], rows_v.at[pl.ds(i * GSUB, GSUB)], sem
            )

    def drain(idx_v, rows_v, sem):
        for i in range(SUB):
            pltpu.make_async_copy(
                exp_hbm.at[idx_v.at[i]], rows_v.at[pl.ds(i * GSUB, GSUB)], sem
            ).wait()

    def write(g, rows_v):
        row0 = pl.multiple_of(base + g * CH, CH)
        pltpu.sync_copy(rows_v, out_hbm.at[pl.ds(row0, CH)])

    fire(0, idx_a, rows_a, sem_a)

    @pl.loop(0, NCHUNK, step=2)
    def _pair(g):
        fire(g + 1, idx_b, rows_b, sem_b)
        drain(idx_a, rows_a, sem_a)
        write(g, rows_a)
        @pl.when(g + 2 < NCHUNK)
        def _():
            fire(g + 2, idx_a, rows_a, sem_a)

        drain(idx_b, rows_b, sem_b)
        write(g + 1, rows_b)


@functools.cache
def _make_gather(nrows):
    rpw = nrows // NW
    ch = CH if rpw % (2 * CH) == 0 else CH // 2
    nchunk = rpw // ch
    sub = ch // GSUB
    body = functools.partial(_gather_body, ch=ch, nchunk=nchunk, sub=sub)
    return pl.kernel(
        body,
        out_type=jax.ShapeDtypeStruct((nrows, D), jnp.float32),
        mesh=plsc.VectorSubcoreMesh(
            core_axis_name="c", subcore_axis_name="s", num_cores=NC, num_subcores=NS
        ),
        scratch_types=[
            pltpu.VMEM((sub, GSUB), jnp.int32),
            pltpu.VMEM((sub, GSUB), jnp.int32),
            pltpu.VMEM((ch, D), jnp.float32),
            pltpu.VMEM((ch, D), jnp.float32),
            pltpu.SemaphoreType.DMA,
            pltpu.SemaphoreType.DMA,
        ],
        compiler_params=pltpu.CompilerParams(use_tc_tiling_on_sc=False),
    )


def kernel(codes, tables, channel_emb):
    exp = _expand_table(tables, channel_emb).reshape(C * Q * V, D)
    nrows = N // NSPLIT
    _gather = _make_gather(nrows)
    bsplit = B // NSPLIT
    parts = []
    for s in range(NSPLIT):
        codes_s = lax.slice_in_dim(codes, s * bsplit, (s + 1) * bsplit, axis=0)
        codes2 = codes_s.astype(jnp.int32).reshape(nrows // GSUB, GSUB)
        if parts:
            codes2, _ = lax.optimization_barrier((codes2, parts[-1]))
        parts.append(_gather(codes2, exp).reshape(bsplit, T, C * Q * D))
    return jnp.concatenate(parts, axis=0)

# --- scband reference (transcript-rebuilt; emitter-appended) ---
"""Pipeline reference for scband-mix-quantizer-embedding-29171417875035 (READ-ONLY COPY).

The authoritative reference and input builder live on the scoring server;
editing this copy changes nothing except your own understanding.
"""

import jax, jax.numpy as jnp
import numpy as np

B, T, C, Q, V, D = 1024, 50, 2, 8, 8192, 64

def setup_inputs(seed: int = 0) -> dict:
    key = jax.random.key(seed)
    k1, k2, k3 = jax.random.split(key, 3)
    codes = jax.random.randint(k1, (B, T, C, Q), 0, V)
    tables = jax.random.normal(k2, (Q, V, D), dtype=jnp.float32) * 0.02
    channel_emb = jax.random.normal(k3, (C, Q * D), dtype=jnp.float32) * 0.02
    return {"codes": codes, "tables": tables, "channel_emb": channel_emb}

def reference(codes, tables, channel_emb):
    b, t, c, q = codes.shape
    d = tables.shape[-1]
    # rearrange 'b t c q -> (b c) t q'
    codes2 = jnp.transpose(codes, (0, 2, 1, 3)).reshape(b * c, t, q)
    # per-level embedding lookup, concat along feature dim -> (b*c, t, q*d)
    embeds = jnp.concatenate([jnp.take(tables[i], codes2[..., i], axis=0) for i in range(q)], axis=-1)
    # channel-aware offsets: channel ids [0,1,...,c-1] tiled batch times
    channel_ids = jnp.tile(jnp.arange(c), b)
    embeds = embeds + channel_emb[channel_ids][:, None, :]
    # rearrange '(b c) t (q d) -> b t (c q d)'
    out = embeds.reshape(b, c, t, q, d).transpose(0, 2, 1, 3, 4).reshape(b, t, c * q * d)
    return out

if __name__ == "__main__":
    import jax
    _d = setup_inputs()
    print(jax.jit(kernel)(*tuple(_d.values())))

</pallas_src>

<mosaic_0001>
#map = affine_map<(d0, d1) -> (0, 0)>
module attributes {stable_mosaic.version = 14 : i64} {
  func.func @_gather_body(%arg0: i32, %arg1: i32, %arg2: memref<6400x128xi32, #tpu.memory_space<hbm>>, %arg3: memref<131072x64xf32, #tpu.memory_space<hbm>>, %arg4: memref<819200x64xf32, #tpu.memory_space<hbm>>, %arg5: memref<5x128xi32, #tpu.memory_space<vmem>>, %arg6: memref<5x128xi32, #tpu.memory_space<vmem>>, %arg7: memref<640x64xf32, #tpu.memory_space<vmem>>, %arg8: memref<640x64xf32, #tpu.memory_space<vmem>>, %arg9: memref<!tpu.dma_semaphore, #tpu.memory_space<semaphore_mem>>, %arg10: memref<!tpu.dma_semaphore, #tpu.memory_space<semaphore_mem>>) attributes {dimension_semantics = [#tpu.dimension_semantics<core_parallel>, #tpu.dimension_semantics<subcore_parallel>], iteration_bounds = array<i64: 2, 16>, scalar_prefetch = 0 : i64, scratch_operands = 6 : i64, tpu.core_type = #tpu.core_type<sc_vector_subcore>, window_params = [{transform_indices = #map}, {transform_indices = #map}, {transform_indices = #map}]} {
    %mul3A = arith.constant 2 : i32
    %mul3A_0 = arith.muli %arg1, %mul3A : i32
    %add3A = arith.addi %mul3A_0, %arg0 : i32
    %mul3A_1 = arith.constant 25600 : i32
    %mul3A_2 = arith.muli %add3A, %mul3A_1 : i32
    %iota3A = tpu.iota {dimensions = array<i32: 0>} : vector<16xi32>
    %and3A = arith.constant 7 : i32
    %and3A_3 = vector.broadcast %and3A : i32 to vector<16xi32>
    %and3A_4 = arith.andi %iota3A, %and3A_3 : vector<16xi32>
    %shift_left3A = arith.constant 14 : i32
    %shift_left3A_5 = vector.broadcast %shift_left3A : i32 to vector<16xi32>
    %shift_left3A_6 = arith.shli %and3A_4, %shift_left3A_5 : vector<16xi32>
    %shift_right_arithmetic3A = arith.constant 3 : i32
    %shift_right_arithmetic3A_7 = vector.broadcast %shift_right_arithmetic3A : i32 to vector<16xi32>
    %shift_right_arithmetic3A_8 = arith.shrsi %iota3A, %shift_right_arithmetic3A_7 : vector<16xi32>
    %add3A_9 = arith.addi %shift_left3A_6, %shift_right_arithmetic3A_8 : vector<16xi32>
    %add3A_10 = arith.constant 0 : i32
    %add3A_11 = arith.addi %mul3A_2, %add3A_10 : i32
    %multiple_of3A = tpu.assume_multiple %add3A_11, 640 : i32
    %jit3A = arith.constant 128 : i32
    %div3A = arith.divsi %multiple_of3A, %jit3A : i32
    %sign3A = arith.constant 0 : i32
    %sign3A_12 = arith.cmpi sgt, %multiple_of3A, %sign3A : i32
    %sign3A_13 = arith.extui %sign3A_12 : i1 to i32
    %sign3A_14 = arith.constant 0 : i32
    %sign3A_15 = arith.cmpi slt, %multiple_of3A, %sign3A_14 : i32
    %sign3A_16 = arith.extui %sign3A_15 : i1 to i32
    %sign3A_17 = arith.subi %sign3A_13, %sign3A_16 : i32
    %sign3A_18 = arith.constant 0 : i32
    %sign3A_19 = arith.cmpi sgt, %jit3A, %sign3A_18 : i32
    %sign3A_20 = arith.extui %sign3A_19 : i1 to i32
    %sign3A_21 = arith.constant 0 : i32
    %sign3A_22 = arith.cmpi slt, %jit3A, %sign3A_21 : i32
    %sign3A_23 = arith.extui %sign3A_22 : i1 to i32
    %sign3A_24 = arith.subi %sign3A_20, %sign3A_23 : i32
    %ne3A = arith.cmpi ne, %sign3A_17, %sign3A_24 : i32
    %rem3A = arith.remsi %multiple_of3A, %jit3A : i32
    %ne3A_25 = arith.constant 0 : i32
    %ne3A_26 = arith.cmpi ne, %rem3A, %ne3A_25 : i32
    %and3A_27 = arith.andi %ne3A, %ne3A_26 : i1
    %sub3A = arith.constant 1 : i32
    %sub3A_28 = arith.subi %div3A, %sub3A : i32
    %select_n3A = arith.select %and3A_27, %sub3A_28, %div3A : i32
    %multiple_of3A_29 = tpu.assume_multiple %select_n3A, 5 : i32
    "tpu.region"() ({
      %run_scoped3A = tpu.sem_alloc : memref<!tpu.dma_semaphore, #tpu.memory_space<semaphore_mem>>
      %dma_start3A_681 = arith.constant 0 : i32
      %dma_start3A_682 = tpu.memref_slice %arg2[%multiple_of3A_29, %dma_start3A_681] : memref<6400x128xi32, #tpu.memory_space<hbm>> -> memref<5x128xi32, #tpu.memory_space<hbm>>
      %dma_start3A_683 = arith.constant 0 : i32
      %dma_start3A_684 = tpu.memref_slice %arg2[%multiple_of3A_29, %dma_start3A_683] : memref<6400x128xi32, #tpu.memory_space<hbm>> -> memref<5x128xi32, #tpu.memory_space<hbm>>
      tpu.enqueue_dma source(%dma_start3A_684 : memref<5x128xi32, #tpu.memory_space<hbm>>) target(%arg5 : memref<5x128xi32, #tpu.memory_space<vmem>>) target_semaphore(%run_scoped3A : memref<!tpu.dma_semaphore, #tpu.memory_space<semaphore_mem>>)
      %dma_wait3A = arith.constant 0 : i32
      %dma_wait3A_685 = tpu.memref_slice %arg2[%multiple_of3A_29, %dma_wait3A] : memref<6400x128xi32, #tpu.memory_space<hbm>> -> memref<5x128xi32, #tpu.memory_space<hbm>>
      %dma_wait3A_686 = arith.constant 0 : i32
      %dma_wait3A_687 = tpu.memref_slice %arg2[%multiple_of3A_29, %dma_wait3A_686] : memref<6400x128xi32, #tpu.memory_space<hbm>> -> memref<5x128xi32, #tpu.memory_space<hbm>>
      tpu.wait_dma2 semaphore(%run_scoped3A : memref<!tpu.dma_semaphore, #tpu.memory_space<semaphore_mem>>) src(%dma_wait3A_687 : memref<5x128xi32, #tpu.memory_space<hbm>>) dst(%arg5 : memref<5x128xi32, #tpu.memory_space<vmem>>)
      tpu.yield
    }) : () -> ()
    %get3A = arith.constant 0 : i32
    %get3A_30 = arith.index_cast %get3A : i32 to index
    %get3A_31 = arith.constant 0 : index
    %get3A_32 = tpu.vector_load %arg5[%get3A_30, %get3A_31] {strides = array<i32>} : memref<5x128xi32, #tpu.memory_space<vmem>>, vector<1x16xi32>,
    %get3A_33 = vector.shape_cast %get3A_32 : vector<1x16xi32> to vector<16xi32>
    %mul3A_34 = arith.constant 2 : i32
    %mul3A_35 = vector.broadcast %mul3A_34 : i32 to vector<16xi32>
    %mul3A_36 = arith.muli %get3A_33, %mul3A_35 : vector<16xi32>
    %add3A_37 = arith.addi %mul3A_36, %add3A_9 : vector<16xi32>
    %swap3A = arith.constant 0 : i32
    %swap3A_38 = arith.index_cast %swap3A : i32 to index
    %swap3A_39 = arith.constant 0 : index
    %swap3A_40 = tpu.vector_load %arg5[%swap3A_38, %swap3A_39] {strides = array<i32>} : memref<5x128xi32, #tpu.memory_space<vmem>>, vector<1x16xi32>,
    %swap3A_41 = vector.shape_cast %swap3A_40 : vector<1x16xi32> to vector<16xi32>
    %swap3A_42 = vector.shape_cast %add3A_37 : vector<16xi32> to vector<1x16xi32>
    tpu.vector_store %arg5[%swap3A_38, %swap3A_39], %swap3A_42 {strides = array<i32>} : memref<5x128xi32, #tpu.memory_space<vmem>>, vector<1x16xi32>,
    %get3A_43 = arith.constant 0 : i32
    %get3A_44 = arith.index_cast %get3A_43 : i32 to index
    %get3A_45 = arith.constant 16 : index
    %get3A_46 = tpu.vector_load %arg5[%get3A_44, %get3A_45] {strides = array<i32>} : memref<5x128xi32, #tpu.memory_space<vmem>>, vector<1x16xi32>,
    %get3A_47 = vector.shape_cast %get3A_46 : vector<1x16xi32> to vector<16xi32>
    %mul3A_48 = arith.constant 2 : i32
    %mul3A_49 = vector.broadcast %mul3A_48 : i32 to vector<16xi32>
    %mul3A_50 = arith.muli %get3A_47, %mul3A_49 : vector<16xi32>
    %add3A_51 = arith.addi %mul3A_50, %add3A_9 : vector<16xi32>
    %swap3A_52 = arith.constant 0 : i32
    %swap3A_53 = arith.index_cast %swap3A_52 : i32 to index
    %swap3A_54 = arith.constant 16 : index
    %swap3A_55 = tpu.vector_load %arg5[%swap3A_53, %swap3A_54] {strides = array<i32>} : memref<5x128xi32, #tpu.memory_space<vmem>>, vector<1x16xi32>,
    %swap3A_56 = vector.shape_cast %swap3A_55 : vector<1x16xi32> to vector<16xi32>
    %swap3A_57 = vector.shape_cast %add3A_51 : vector<16xi32> to vector<1x16xi32>
    tpu.vector_store %arg5[%swap3A_53, %swap3A_54], %swap3A_57 {strides = array<i32>} : memref<5x128xi32, #tpu.memory_space<vmem>>, vector<1x16xi32>,
    %get3A_58 = arith.constant 0 : i32
    %get3A_59 = arith.index_cast %get3A_58 : i32 to index
    %get3A_60 = arith.constant 32 : index
    %get3A_61 = tpu.vector_load %arg5[%get3A_59, %get3A_60] {strides = array<i32>} : memref<5x128xi32, #tpu.memory_space<vmem>>, vector<1x16xi32>,
    %get3A_62 = vector.shape_cast %get3A_61 : vector<1x16xi32> to vector<16xi32>
    %mul3A_63 = arith.constant 2 : i32
    %mul3A_64 = vector.broadcast %mul3A_63 : i32 to vector<16xi32>
    %mul3A_65 = arith.muli %get3A_62, %mul3A_64 : vector<16xi32>
    %add3A_66 = arith.addi %mul3A_65, %add3A_9 : vector<16xi32>
    %swap3A_67 = arith.constant 0 : i32
    %swap3A_68 = arith.index_cast %swap3A_67 : i32 to index
    %swap3A_69 = arith.constant 32 : index
    %swap3A_70 = tpu.vector_load %arg5[%swap3A_68, %swap3A_69] {strides = array<i32>} : memref<5x128xi32, #tpu.memory_space<vmem>>, vector<1x16xi32>,
    %swap3A_71 = vector.shape_cast %swap3A_70 : vector<1x16xi32> to vector<16xi32>
    %swap3A_72 = vector.shape_cast %add3A_66 : vector<16xi32> to vector<1x16xi32>
    tpu.vector_store %arg5[%swap3A_68, %swap3A_69], %swap3A_72 {strides = array<i32>} : memref<5x128xi32, #tpu.memory_space<vmem>>, vector<1x16xi32>,
    %get3A_73 = arith.constant 0 : i32
    %get3A_74 = arith.index_cast %get3A_73 : i32 to index
    %get3A_75 = arith.constant 48 : index
    %get3A_76 = tpu.vector_load %arg5[%get3A_74, %get3A_75] {strides = array<i32>} : memref<5x128xi32, #tpu.memory_space<vmem>>, vector<1x16xi32>,
    %get3A_77 = vector.shape_cast %get3A_76 : vector<1x16xi32> to vector<16xi32>
    %mul3A_78 = arith.constant 2 : i32
    %mul3A_79 = vector.broadcast %mul3A_78 : i32 to vector<16xi32>
    %mul3A_80 = arith.muli %get3A_77, %mul3A_79 : vector<16xi32>
    %add3A_81 = arith.addi %mul3A_80, %add3A_9 : vector<16xi32>
    %swap3A_82 = arith.constant 0 : i32
    %swap3A_83 = arith.index_cast %swap3A_82 : i32 to index
    %swap3A_84 = arith.constant 48 : index
    %swap3A_85 = tpu.vector_load %arg5[%swap3A_83, %swap3A_84] {strides = array<i32>} : memref<5x128xi32, #tpu.memory_space<vmem>>, vector<1x16xi32>,
    %swap3A_86 = vector.shape_cast %swap3A_85 : vector<1x16xi32> to vector<16xi32>
    %swap3A_87 = vector.shape_cast %add3A_81 : vector<16xi32> to vector<1x16xi32>
    tpu.vector_store %arg5[%swap3A_83, %swap3A_84], %swap3A_87 {strides = array<i32>} : memref<5x128xi32, #tpu.memory_space<vmem>>, vector<1x16xi32>,
    %get3A_88 = arith.constant 0 : i32
    %get3A_89 = arith.index_cast %get3A_88 : i32 to index
    %get3A_90 = arith.constant 64 : index
    %get3A_91 = tpu.vector_load %arg5[%get3A_89, %get3A_90] {strides = array<i32>} : memref<5x128xi32, #tpu.memory_space<vmem>>, vector<1x16xi32>,
    %get3A_92 = vector.shape_cast %get3A_91 : vector<1x16xi32> to vector<16xi32>
    %mul3A_93 = arith.constant 2 : i32
    %mul3A_94 = vector.broadcast %mul3A_93 : i32 to vector<16xi32>
    %mul3A_95 = arith.muli %get3A_92, %mul3A_94 : vector<16xi32>
    %add3A_96 = arith.addi %mul3A_95, %add3A_9 : vector<16xi32>
    %swap3A_97 = arith.constant 0 : i32
    %swap3A_98 = arith.index_cast %swap3A_97 : i32 to index
    %swap3A_99 = arith.constant 64 : index
    %swap3A_100 = tpu.vector_load %arg5[%swap3A_98, %swap3A_99] {strides = array<i32>} : memref<5x128xi32, #tpu.memory_space<vmem>>, vector<1x16xi32>,
    %swap3A_101 = vector.shape_cast %swap3A_100 : vector<1x16xi32> to vector<16xi32>
    %swap3A_102 = vector.shape_cast %add3A_96 : vector<16xi32> to vector<1x16xi32>
    tpu.vector_store %arg5[%swap3A_98, %swap3A_99], %swap3A_102 {strides = array<i32>} : memref<5x128xi32, #tpu.memory_space<vmem>>, vector<1x16xi32>,
    %get3A_103 = arith.constant 0 : i32
    %get3A_104 = arith.index_cast %get3A_103 : i32 to index
    %get3A_105 = arith.constant 80 : index
    %get3A_106 = tpu.vector_load %arg5[%get3A_104, %get3A_105] {strides = array<i32>} : memref<5x128xi32, #tpu.memory_space<vmem>>, vector<1x16xi32>,
    %get3A_107 = vector.shape_cast %get3A_106 : vector<1x16xi32> to vector<16xi32>
    %mul3A_108 = arith.constant 2 : i32
    %mul3A_109 = vector.broadcast %mul3A_108 : i32 to vector<16xi32>
    %mul3A_110 = arith.muli %get3A_107, %mul3A_109 : vector<16xi32>
    %add3A_111 = arith.addi %mul3A_110, %add3A_9 : vector<16xi32>
    %swap3A_112 = arith.constant 0 : i32
    %swap3A_113 = arith.index_cast %swap3A_112 : i32 to index
    %swap3A_114 = arith.constant 80 : index
    %swap3A_115 = tpu.vector_load %arg5[%swap3A_113, %swap3A_114] {strides = array<i32>} : memref<5x128xi32, #tpu.memory_space<vmem>>, vector<1x16xi32>,
    %swap3A_116 = vector.shape_cast %swap3A_115 : vector<1x16xi32> to vector<16xi32>
    %swap3A_117 = vector.shape_cast %add3A_111 : vector<16xi32> to vector<1x16xi32>
    tpu.vector_store %arg5[%swap3A_113, %swap3A_114], %swap3A_117 {strides = array<i32>} : memref<5x128xi32, #tpu.memory_space<vmem>>, vector<1x16xi32>,
    %get3A_118 = arith.constant 0 : i32
    %get3A_119 = arith.index_cast %get3A_118 : i32 to index
    %get3A_120 = arith.constant 96 : index
    %get3A_121 = tpu.vector_load %arg5[%get3A_119, %get3A_120] {strides = array<i32>} : memref<5x128xi32, #tpu.memory_space<vmem>>, vector<1x16xi32>,
    %get3A_122 = vector.shape_cast %get3A_121 : vector<1x16xi32> to vector<16xi32>
    %mul3A_123 = arith.constant 2 : i32
    %mul3A_124 = vector.broadcast %mul3A_123 : i32 to vector<16xi32>
    %mul3A_125 = arith.muli %get3A_122, %mul3A_124 : vector<16xi32>
    %add3A_126 = arith.addi %mul3A_125, %add3A_9 : vector<16xi32>
    %swap3A_127 = arith.constant 0 : i32
    %swap3A_128 = arith.index_cast %swap3A_127 : i32 to index
    %swap3A_129 = arith.constant 96 : index
    %swap3A_130 = tpu.vector_load %arg5[%swap3A_128, %swap3A_129] {strides = array<i32>} : memref<5x128xi32, #tpu.memory_space<vmem>>, vector<1x16xi32>,
    %swap3A_131 = vector.shape_cast %swap3A_130 : vector<1x16xi32> to vector<16xi32>
    %swap3A_132 = vector.shape_cast %add3A_126 : vector<16xi32> to vector<1x16xi32>
    tpu.vector_store %arg5[%swap3A_128, %swap3A_129], %swap3A_132 {strides = array<i32>} : memref<5x128xi32, #tpu.memory_space<vmem>>, vector<1x16xi32>,
    %get3A_133 = arith.constant 0 : i32
    %get3A_134 = arith.index_cast %get3A_133 : i32 to index
    %get3A_135 = arith.constant 112 : index
    %get3A_136 = tpu.vector_load %arg5[%get3A_134, %get3A_135] {strides = array<i32>} : memref<5x128xi32, #tpu.memory_space<vmem>>, vector<1x16xi32>,
    %get3A_137 = vector.shape_cast %get3A_136 : vector<1x16xi32> to vector<16xi32>
    %mul3A_138 = arith.constant 2 : i32
    %mul3A_139 = vector.broadcast %mul3A_138 : i32 to vector<16xi32>
    %mul3A_140 = arith.muli %get3A_137, %mul3A_139 : vector<16xi32>
    %add3A_141 = arith.addi %mul3A_140, %add3A_9 : vector<16xi32>
    %swap3A_142 = arith.constant 0 : i32
    %swap3A_143 = arith.index_cast %swap3A_142 : i32 to index
    %swap3A_144 = arith.constant 112 : index
    %swap3A_145 = tpu.vector_load %arg5[%swap3A_143, %swap3A_144] {strides = array<i32>} : memref<5x128xi32, #tpu.memory_space<vmem>>, vector<1x16xi32>,
    %swap3A_146 = vector.shape_cast %swap3A_145 : vector<1x16xi32> to vector<16xi32>
    %swap3A_147 = vector.shape_cast %add3A_141 : vector<16xi32> to vector<1x16xi32>
    tpu.vector_store %arg5[%swap3A_143, %swap3A_144], %swap3A_147 {strides = array<i32>} : memref<5x128xi32, #tpu.memory_space<vmem>>, vector<1x16xi32>,
    %get3A_148 = arith.constant 1 : i32
    %get3A_149 = arith.index_cast %get3A_148 : i32 to index
    %get3A_150 = arith.constant 0 : index
    %get3A_151 = tpu.vector_load %arg5[%get3A_149, %get3A_150] {strides = array<i32>} : memref<5x128xi32, #tpu.memory_space<vmem>>, vector<1x16xi32>,
    %get3A_152 = vector.shape_cast %get3A_151 : vector<1x16xi32> to vector<16xi32>
    %mul3A_153 = arith.constant 2 : i32
    %mul3A_154 = vector.broadcast %mul3A_153 : i32 to vector<16xi32>
    %mul3A_155 = arith.muli %get3A_152, %mul3A_154 : vector<16xi32>
    %add3A_156 = arith.addi %mul3A_155, %add3A_9 : vector<16xi32>
    %swap3A_157 = arith.constant 1 : i32
    %swap3A_158 = arith.index_cast %swap3A_157 : i32 to index
    %swap3A_159 = arith.constant 0 : index
    %swap3A_160 = tpu.vector_load %arg5[%swap3A_158, %swap3A_159] {strides = array<i32>} : memref<5x128xi32, #tpu.memory_space<vmem>>, vector<1x16xi32>,
    %swap3A_161 = vector.shape_cast %swap3A_160 : vector<1x16xi32> to vector<16xi32>
    %swap3A_162 = vector.shape_cast %add3A_156 : vector<16xi32> to vector<1x16xi32>
    tpu.vector_store %arg5[%swap3A_158, %swap3A_159], %swap3A_162 {strides = array<i32>} : memref<5x128xi32, #tpu.memory_space<vmem>>, vector<1x16xi32>,
    %get3A_163 = arith.constant 1 : i32
    %get3A_164 = arith.index_cast %get3A_163 : i32 to index
    %get3A_165 = arith.constant 16 : index
    %get3A_166 = tpu.vector_load %arg5[%get3A_164, %get3A_165] {strides = array<i32>} : memref<5x128xi32, #tpu.memory_space<vmem>>, vector<1x16xi32>,
    %get3A_167 = vector.shape_cast %get3A_166 : vector<1x16xi32> to vector<16xi32>
    %mul3A_168 = arith.constant 2 : i32
    %mul3A_169 = vector.broadcast %mul3A_168 : i32 to vector<16xi32>
    %mul3A_170 = arith.muli %get3A_167, %mul3A_169 : vector<16xi32>
    %add3A_171 = arith.addi %mul3A_170, %add3A_9 : vector<16xi32>
    %swap3A_172 = arith.constant 1 : i32
    %swap3A_173 = arith.index_cast %swap3A_172 : i32 to index
    %swap3A_174 = arith.constant 16 : index
    %swap3A_175 = tpu.vector_load %arg5[%swap3A_173, %swap3A_174] {strides = array<i32>} : memref<5x128xi32, #tpu.memory_space<vmem>>, vector<1x16xi32>,
    %swap3A_176 = vector.shape_cast %swap3A_175 : vector<1x16xi32> to vector<16xi32>
    %swap3A_177 = vector.shape_cast %add3A_171 : vector<16xi32> to vector<1x16xi32>
    tpu.vector_store %arg5[%swap3A_173, %swap3A_174], %swap3A_177 {strides = array<i32>} : memref<5x128xi32, #tpu.memory_space<vmem>>, vector<1x16xi32>,
    %get3A_178 = arith.constant 1 : i32
    %get3A_179 = arith.index_cast %get3A_178 : i32 to index
    %get3A_180 = arith.constant 32 : index
    %get3A_181 = tpu.vector_load %arg5[%get3A_179, %get3A_180] {strides = array<i32>} : memref<5x128xi32, #tpu.memory_space<vmem>>, vector<1x16xi32>,
    %get3A_182 = vector.shape_cast %get3A_181 : vector<1x16xi32> to vector<16xi32>
    %mul3A_183 = arith.constant 2 : i32
    %mul3A_184 = vector.broadcast %mul3A_183 : i32 to vector<16xi32>
    %mul3A_185 = arith.muli %get3A_182, %mul3A_184 : vector<16xi32>
    %add3A_186 = arith.addi %mul3A_185, %add3A_9 : vector<16xi32>
    %swap3A_187 = arith.constant 1 : i32
    %swap3A_188 = arith.index_cast %swap3A_187 : i32 to index
    %swap3A_189 = arith.constant 32 : index
    %swap3A_190 = tpu.vector_load %arg5[%swap3A_188, %swap3A_189] {strides = array<i32>} : memref<5x128xi32, #tpu.memory_space<vmem>>, vector<1x16xi32>,
    %swap3A_191 = vector.shape_cast %swap3A_190 : vector<1x16xi32> to vector<16xi32>
    %swap3A_192 = vector.shape_cast %add3A_186 : vector<16xi32> to vector<1x16xi32>
    tpu.vector_store %arg5[%swap3A_188, %swap3A_189], %swap3A_192 {strides = array<i32>} : memref<5x128xi32, #tpu.memory_space<vmem>>, vector<1x16xi32>,
    %get3A_193 = arith.constant 1 : i32
    %get3A_194 = arith.index_cast %get3A_193 : i32 to index
    %get3A_195 = arith.constant 48 : index
    %get3A_196 = tpu.vector_load %arg5[%get3A_194, %get3A_195] {strides = array<i32>} : memref<5x128xi32, #tpu.memory_space<vmem>>, vector<1x16xi32>,
    %get3A_197 = vector.shape_cast %get3A_196 : vector<1x16xi32> to vector<16xi32>
    %mul3A_198 = arith.constant 2 : i32
    %mul3A_199 = vector.broadcast %mul3A_198 : i32 to vector<16xi32>
    %mul3A_200 = arith.muli %get3A_197, %mul3A_199 : vector<16xi32>
    %add3A_201 = arith.addi %mul3A_200, %add3A_9 : vector<16xi32>
    %swap3A_202 = arith.constant 1 : i32
    %swap3A_203 = arith.index_cast %swap3A_202 : i32 to index
    %swap3A_204 = arith.constant 48 : index
    %swap3A_205 = tpu.vector_load %arg5[%swap3A_203, %swap3A_204] {strides = array<i32>} : memref<5x128xi32, #tpu.memory_space<vmem>>, vector<1x16xi32>,
    %swap3A_206 = vector.shape_cast %swap3A_205 : vector<1x16xi32> to vector<16xi32>
    %swap3A_207 = vector.shape_cast %add3A_201 : vector<16xi32> to vector<1x16xi32>
    tpu.vector_store %arg5[%swap3A_203, %swap3A_204], %swap3A_207 {strides = array<i32>} : memref<5x128xi32, #tpu.memory_space<vmem>>, vector<1x16xi32>,
    %get3A_208 = arith.constant 1 : i32
    %get3A_209 = arith.index_cast %get3A_208 : i32 to index
    %get3A_210 = arith.constant 64 : index
    %get3A_211 = tpu.vector_load %arg5[%get3A_209, %get3A_210] {strides = array<i32>} : memref<5x128xi32, #tpu.memory_space<vmem>>, vector<1x16xi32>,
    %get3A_212 = vector.shape_cast %get3A_211 : vector<1x16xi32> to vector<16xi32>
    %mul3A_213 = arith.constant 2 : i32
    %mul3A_214 = vector.broadcast %mul3A_213 : i32 to vector<16xi32>
    %mul3A_215 = arith.muli %get3A_212, %mul3A_214 : vector<16xi32>
    %add3A_216 = arith.addi %mul3A_215, %add3A_9 : vector<16xi32>
    %swap3A_217 = arith.constant 1 : i32
    %swap3A_218 = arith.index_cast %swap3A_217 : i32 to index
    %swap3A_219 = arith.constant 64 : index
    %swap3A_220 = tpu.vector_load %arg5[%swap3A_218, %swap3A_219] {strides = array<i32>} : memref<5x128xi32, #tpu.memory_space<vmem>>, vector<1x16xi32>,
    %swap3A_221 = vector.shape_cast %swap3A_220 : vector<1x16xi32> to vector<16xi32>
    %swap3A_222 = vector.shape_cast %add3A_216 : vector<16xi32> to vector<1x16xi32>
    tpu.vector_store %arg5[%swap3A_218, %swap3A_219], %swap3A_222 {strides = array<i32>} : memref<5x128xi32, #tpu.memory_space<vmem>>, vector<1x16xi32>,
    %get3A_223 = arith.constant 1 : i32
    %get3A_224 = arith.index_cast %get3A_223 : i32 to index
    %get3A_225 = arith.constant 80 : index
    %get3A_226 = tpu.vector_load %arg5[%get3A_224, %get3A_225] {strides = array<i32>} : memref<5x128xi32, #tpu.memory_space<vmem>>, vector<1x16xi32>,
    %get3A_227 = vector.shape_cast %get3A_226 : vector<1x16xi32> to vector<16xi32>
    %mul3A_228 = arith.constant 2 : i32
    %mul3A_229 = vector.broadcast %mul3A_228 : i32 to vector<16xi32>
    %mul3A_230 = arith.muli %get3A_227, %mul3A_229 : vector<16xi32>
    %add3A_231 = arith.addi %mul3A_230, %add3A_9 : vector<16xi32>
    %swap3A_232 = arith.constant 1 : i32
    %swap3A_233 = arith.index_cast %swap3A_232 : i32 to index
    %swap3A_234 = arith.constant 80 : index
    %swap3A_235 = tpu.vector_load %arg5[%swap3A_233, %swap3A_234] {strides = array<i32>} : memref<5x128xi32, #tpu.memory_space<vmem>>, vector<1x16xi32>,
    %swap3A_236 = vector.shape_cast %swap3A_235 : vector<1x16xi32> to vector<16xi32>
    %swap3A_237 = vector.shape_cast %add3A_231 : vector<16xi32> to vector<1x16xi32>
    tpu.vector_store %arg5[%swap3A_233, %swap3A_234], %swap3A_237 {strides = array<i32>} : memref<5x128xi32, #tpu.memory_space<vmem>>, vector<1x16xi32>,
    %get3A_238 = arith.constant 1 : i32
    %get3A_239 = arith.index_cast %get3A_238 : i32 to index
    %get3A_240 = arith.constant 96 : index
    %get3A_241 = tpu.vector_load %arg5[%get3A_239, %get3A_240] {strides = array<i32>} : memref<5x128xi32, #tpu.memory_space<vmem>>, vector<1x16xi32>,
    %get3A_242 = vector.shape_cast %get3A_241 : vector<1x16xi32> to vector<16xi32>
    %mul3A_243 = arith.constant 2 : i32
    %mul3A_244 = vector.broadcast %mul3A_243 : i32 to vector<16xi32>
    %mul3A_245 = arith.muli %get3A_242, %mul3A_244 : vector<16xi32>
    %add3A_246 = arith.addi %mul3A_245, %add3A_9 : vector<16xi32>
    %swap3A_247 = arith.constant 1 : i32
    %swap3A_248 = arith.index_cast %swap3A_247 : i32 to index
    %swap3A_249 = arith.constant 96 : index
    %swap3A_250 = tpu.vector_load %arg5[%swap3A_248, %swap3A_249] {strides = array<i32>} : memref<5x128xi32, #tpu.memory_space<vmem>>, vector<1x16xi32>,
    %swap3A_251 = vector.shape_cast %swap3A_250 : vector<1x16xi32> to vector<16xi32>
    %swap3A_252 = vector.shape_cast %add3A_246 : vector<16xi32> to vector<1x16xi32>
    tpu.vector_store %arg5[%swap3A_248, %swap3A_249], %swap3A_252 {strides = array<i32>} : memref<5x128xi32, #tpu.memory_space<vmem>>, vector<1x16xi32>,
    %get3A_253 = arith.constant 1 : i32
    %get3A_254 = arith.index_cast %get3A_253 : i32 to index
    %get3A_255 = arith.constant 112 : index
    %get3A_256 = tpu.vector_load %arg5[%get3A_254, %get3A_255] {strides = array<i32>} : memref<5x128xi32, #tpu.memory_space<vmem>>, vector<1x16xi32>,
    %get3A_257 = vector.shape_cast %get3A_256 : vector<1x16xi32> to vector<16xi32>
    %mul3A_258 = arith.constant 2 : i32
    %mul3A_259 = vector.broadcast %mul3A_258 : i32 to vector<16xi32>
    %mul3A_260 = arith.muli %get3A_257, %mul3A_259 : vector<16xi32>
    %add3A_261 = arith.addi %mul3A_260, %add3A_9 : vector<16xi32>
    %swap3A_262 = arith.constant 1 : i32
    %swap3A_263 = arith.index_cast %swap3A_262 : i32 to index
    %swap3A_264 = arith.constant 112 : index
    %swap3A_265 = tpu.vector_load %arg5[%swap3A_263, %swap3A_264] {strides = array<i32>} : memref<5x128xi32, #tpu.memory_space<vmem>>, vector<1x16xi32>,
    %swap3A_266 = vector.shape_cast %swap3A_265 : vector<1x16xi32> to vector<16xi32>
    %swap3A_267 = vector.shape_cast %add3A_261 : vector<16xi32> to vector<1x16xi32>
    tpu.vector_store %arg5[%swap3A_263, %swap3A_264], %swap3A_267 {strides = array<i32>} : memref<5x128xi32, #tpu.memory_space<vmem>>, vector<1x16xi32>,
    %get3A_268 = arith.constant 2 : i32
    %get3A_269 = arith.index_cast %get3A_268 : i32 to index
    %get3A_270 = arith.constant 0 : index
    %get3A_271 = tpu.vector_load %arg5[%get3A_269, %get3A_270] {strides = array<i32>} : memref<5x128xi32, #tpu.memory_space<vmem>>, vector<1x16xi32>,
    %get3A_272 = vector.shape_cast %get3A_271 : vector<1x16xi32> to vector<16xi32>
    %mul3A_273 = arith.constant 2 : i32
    %mul3A_274 = vector.broadcast %mul3A_273 : i32 to vector<16xi32>
    %mul3A_275 = arith.muli %get3A_272, %mul3A_274 : vector<16xi32>
    %add3A_276 = arith.addi %mul3A_275, %add3A_9 : vector<16xi32>
    %swap3A_277 = arith.constant 2 : i32
    %swap3A_278 = arith.index_cast %swap3A_277 : i32 to index
    %swap3A_279 = arith.constant 0 : index
    %swap3A_280 = tpu.vector_load %arg5[%swap3A_278, %swap3A_279] {strides = array<i32>} : memref<5x128xi32, #tpu.memory_space<vmem>>, vector<1x16xi32>,
    %swap3A_281 = vector.shape_cast %swap3A_280 : vector<1x16xi32> to vector<16xi32>
    %swap3A_282 = vector.shape_cast %add3A_276 : vector<16xi32> to vector<1x16xi32>
    tpu.vector_store %arg5[%swap3A_278, %swap3A_279], %swap3A_282 {strides = array<i32>} : memref<5x128xi32, #tpu.memory_space<vmem>>, vector<1x16xi32>,
    %get3A_283 = arith.constant 2 : i32
    %get3A_284 = arith.index_cast %get3A_283 : i32 to index
    %get3A_285 = arith.constant 16 : index
    %get3A_286 = tpu.vector_load %arg5[%get3A_284, %get3A_285] {strides = array<i32>} : memref<5x128xi32, #tpu.memory_space<vmem>>, vector<1x16xi32>,
    %get3A_287 = vector.shape_cast %get3A_286 : vector<1x16xi32> to vector<16xi32>
    %mul3A_288 = arith.constant 2 : i32
    %mul3A_289 = vector.broadcast %mul3A_288 : i32 to vector<16xi32>
    %mul3A_290 = arith.muli %get3A_287, %mul3A_289 : vector<16xi32>
    %add3A_291 = arith.addi %mul3A_290, %add3A_9 : vector<16xi32>
    %swap3A_292 = arith.constant 2 : i32
    %swap3A_293 = arith.index_cast %swap3A_292 : i32 to index
    %swap3A_294 = arith.constant 16 : index
    %swap3A_295 = tpu.vector_load %arg5[%swap3A_293, %swap3A_294] {strides = array<i32>} : memref<5x128xi32, #tpu.memory_space<vmem>>, vector<1x16xi32>,
    %swap3A_296 = vector.shape_cast %swap3A_295 : vector<1x16xi32> to vector<16xi32>
    %swap3A_297 = vector.shape_cast %add3A_291 : vector<16xi32> to vector<1x16xi32>
    tpu.vector_store %arg5[%swap3A_293, %swap3A_294], %swap3A_297 {strides = array<i32>} : memref<5x128xi32, #tpu.memory_space<vmem>>, vector<1x16xi32>,
    %get3A_298 = arith.constant 2 : i32
    %get3A_299 = arith.index_cast %get3A_298 : i32 to index
    %get3A_300 = arith.constant 32 : index
    %get3A_301 = tpu.vector_load %arg5[%get3A_299, %get3A_300] {strides = array<i32>} : memref<5x128xi32, #tpu.memory_space<vmem>>, vector<1x16xi32>,
    %get3A_302 = vector.shape_cast %get3A_301 : vector<1x16xi32> to vector<16xi32>
    %mul3A_303 = arith.constant 2 : i32
    %mul3A_304 = vector.broadcast %mul3A_303 : i32 to vector<16xi32>
    %mul3A_305 = arith.muli %get3A_302, %mul3A_304 : vector<16xi32>
    %add3A_306 = arith.addi %mul3A_305, %add3A_9 : vector<16xi32>
    %swap3A_307 = arith.constant 2 : i32
    %swap3A_308 = arith.index_cast %swap3A_307 : i32 to index
    %swap3A_309 = arith.constant 32 : index
    %swap3A_310 = tpu.vector_load %arg5[%swap3A_308, %swap3A_309] {strides = array<i32>} : memref<5x128xi32, #tpu.memory_space<vmem>>, vector<1x16xi32>,
    %swap3A_311 = vector.shape_cast %swap3A_310 : vector<1x16xi32> to vector<16xi32>
    %swap3A_312 = vector.shape_cast %add3A_306 : vector<16xi32> to vector<1x16xi32>
    tpu.vector_store %arg5[%swap3A_308, %swap3A_309], %swap3A_312 {strides = array<i32>} : memref<5x128xi32, #tpu.memory_space<vmem>>, vector<1x16xi32>,
    %get3A_313 = arith.constant 2 : i32
    %get3A_314 = arith.index_cast %get3A_313 : i32 to index
    %get3A_315 = arith.constant 48 : index
    %get3A_316 = tpu.vector_load %arg5[%get3A_314, %get3A_315] {strides = array<i32>} : memref<5x128xi32, #tpu.memory_space<vmem>>, vector<1x16xi32>,
    %get3A_317 = vector.shape_cast %get3A_316 : vector<1x16xi32> to vector<16xi32>
    %mul3A_318 = arith.constant 2 : i32
    %mul3A_319 = vector.broadcast %mul3A_318 : i32 to vector<16xi32>
    %mul3A_320 = arith.muli %get3A_317, %mul3A_319 : vector<16xi32>
    %add3A_321 = arith.addi %mul3A_320, %add3A_9 : vector<16xi32>
    %swap3A_322 = arith.constant 2 : i32
    %swap3A_323 = arith.index_cast %swap3A_322 : i32 to index
    %swap3A_324 = arith.constant 48 : index
    %swap3A_325 = tpu.vector_load %arg5[%swap3A_323, %swap3A_324] {strides = array<i32>} : memref<5x128xi32, #tpu.memory_space<vmem>>, vector<1x16xi32>,
    %swap3A_326 = vector.shape_cast %swap3A_325 : vector<1x16xi32> to vector<16xi32>
    %swap3A_327 = vector.shape_cast %add3A_321 : vector<16xi32> to vector<1x16xi32>
    tpu.vector_store %arg5[%swap3A_323, %swap3A_324], %swap3A_327 {strides = array<i32>} : memref<5x128xi32, #tpu.memory_space<vmem>>, vector<1x16xi32>,
    %get3A_328 = arith.constant 2 : i32
    %get3A_329 = arith.index_cast %get3A_328 : i32 to index
    %get3A_330 = arith.constant 64 : index
    %get3A_331 = tpu.vector_load %arg5[%get3A_329, %get3A_330] {strides = array<i32>} : memref<5x128xi32, #tpu.memory_space<vmem>>, vector<1x16xi32>,
    %get3A_332 = vector.shape_cast %get3A_331 : vector<1x16xi32> to vector<16xi32>
    %mul3A_333 = arith.constant 2 : i32
    %mul3A_334 = vector.broadcast %mul3A_333 : i32 to vector<16xi32>
    %mul3A_335 = arith.muli %get3A_332, %mul3A_334 : vector<16xi32>
    %add3A_336 = arith.addi %mul3A_335, %add3A_9 : vector<16xi32>
    %swap3A_337 = arith.constant 2 : i32
    %swap3A_338 = arith.index_cast %swap3A_337 : i32 to index
    %swap3A_339 = arith.constant 64 : index
    %swap3A_340 = tpu.vector_load %arg5[%swap3A_338, %swap3A_339] {strides = array<i32>} : memref<5x128xi32, #tpu.memory_space<vmem>>, vector<1x16xi32>,
    %swap3A_341 = vector.shape_cast %swap3A_340 : vector<1x16xi32> to vector<16xi32>
    %swap3A_342 = vector.shape_cast %add3A_336 : vector<16xi32> to vector<1x16xi32>
    tpu.vector_store %arg5[%swap3A_338, %swap3A_339], %swap3A_342 {strides = array<i32>} : memref<5x128xi32, #tpu.memory_space<vmem>>, vector<1x16xi32>,
    %get3A_343 = arith.constant 2 : i32
    %get3A_344 = arith.index_cast %get3A_343 : i32 to index
    %get3A_345 = arith.constant 80 : index
    %get3A_346 = tpu.vector_load %arg5[%get3A_344, %get3A_345] {strides = array<i32>} : memref<5x128xi32, #tpu.memory_space<vmem>>, vector<1x16xi32>,
    %get3A_347 = vector.shape_cast %get3A_346 : vector<1x16xi32> to vector<16xi32>
    %mul3A_348 = arith.constant 2 : i32
    %mul3A_349 = vector.broadcast %mul3A_348 : i32 to vector<16xi32>
    %mul3A_350 = arith.muli %get3A_347, %mul3A_349 : vector<16xi32>
    %add3A_351 = arith.addi %mul3A_350, %add3A_9 : vector<16xi32>
    %swap3A_352 = arith.constant 2 : i32
    %swap3A_353 = arith.index_cast %swap3A_352 : i32 to index
    %swap3A_354 = arith.constant 80 : index
    %swap3A_355 = tpu.vector_load %arg5[%swap3A_353, %swap3A_354] {strides = array<i32>} : memref<5x128xi32, #tpu.memory_space<vmem>>, vector<1x16xi32>,
    %swap3A_356 = vector.shape_cast %swap3A_355 : vector<1x16xi32> to vector<16xi32>
    %swap3A_357 = vector.shape_cast %add3A_351 : vector<16xi32> to vector<1x16xi32>
    tpu.vector_store %arg5[%swap3A_353, %swap3A_354], %swap3A_357 {strides = array<i32>} : memref<5x128xi32, #tpu.memory_space<vmem>>, vector<1x16xi32>,
    %get3A_358 = arith.constant 2 : i32
    %get3A_359 = arith.index_cast %get3A_358 : i32 to index
    %get3A_360 = arith.constant 96 : index
    %get3A_361 = tpu.vector_load %arg5[%get3A_359, %get3A_360] {strides = array<i32>} : memref<5x128xi32, #tpu.memory_space<vmem>>, vector<1x16xi32>,
    %get3A_362 = vector.shape_cast %get3A_361 : vector<1x16xi32> to vector<16xi32>
    %mul3A_363 = arith.constant 2 : i32
    %mul3A_364 = vector.broadcast %mul3A_363 : i32 to vector<16xi32>
    %mul3A_365 = arith.muli %get3A_362, %mul3A_364 : vector<16xi32>
    %add3A_366 = arith.addi %mul3A_365, %add3A_9 : vector<16xi32>
    %swap3A_367 = arith.constant 2 : i32
    %swap3A_368 = arith.index_cast %swap3A_367 : i32 to index
    %swap3A_369 = arith.constant 96 : index
    %swap3A_370 = tpu.vector_load %arg5[%swap3A_368, %swap3A_369] {strides = array<i32>} : memref<5x128xi32, #tpu.memory_space<vmem>>, vector<1x16xi32>,
    %swap3A_371 = vector.shape_cast %swap3A_370 : vector<1x16xi32> to vector<16xi32>
    %swap3A_372 = vector.shape_cast %add3A_366 : vector<16xi32> to vector<1x16xi32>
    tpu.vector_store %arg5[%swap3A_368, %swap3A_369], %swap3A_372 {strides = array<i32>} : memref<5x128xi32, #tpu.memory_space<vmem>>, vector<1x16xi32>,
    %get3A_373 = arith.constant 2 : i32
    %get3A_374 = arith.index_cast %get3A_373 : i32 to index
    %get3A_375 = arith.constant 112 : index
    %get3A_376 = tpu.vector_load %arg5[%get3A_374, %get3A_375] {strides = array<i32>} : memref<5x128xi32, #tpu.memory_space<vmem>>, vector<1x16xi32>,
    %get3A_377 = vector.shape_cast %get3A_376 : vector<1x16xi32> to vector<16xi32>
    %mul3A_378 = arith.constant 2 : i32
    %mul3A_379 = vector.broadcast %mul3A_378 : i32 to vector<16xi32>
    %mul3A_380 = arith.muli %get3A_377, %mul3A_379 : vector<16xi32>
    %add3A_381 = arith.addi %mul3A_380, %add3A_9 : vector<16xi32>
    %swap3A_382 = arith.constant 2 : i32
    %swap3A_383 = arith.index_cast %swap3A_382 : i32 to index
    %swap3A_384 = arith.constant 112 : index
    %swap3A_385 = tpu.vector_load %arg5[%swap3A_383, %swap3A_384] {strides = array<i32>} : memref<5x128xi32, #tpu.memory_space<vmem>>, vector<1x16xi32>,
    %swap3A_386 = vector.shape_cast %swap3A_385 : vector<1x16xi32> to vector<16xi32>
    %swap3A_387 = vector.shape_cast %add3A_381 : vector<16xi32> to vector<1x16xi32>
    tpu.vector_store %arg5[%swap3A_383, %swap3A_384], %swap3A_387 {strides = array<i32>} : memref<5x128xi32, #tpu.memory_space<vmem>>, vector<1x16xi32>,
    %get3A_388 = arith.constant 3 : i32
    %get3A_389 = arith.index_cast %get3A_388 : i32 to index
    %get3A_390 = arith.constant 0 : index
    %get3A_391 = tpu.vector_load %arg5[%get3A_389, %get3A_390] {strides = array<i32>} : memref<5x128xi32, #tpu.memory_space<vmem>>, vector<1x16xi32>,
    %get3A_392 = vector.shape_cast %get3A_391 : vector<1x16xi32> to vector<16xi32>
    %mul3A_393 = arith.constant 2 : i32
    %mul3A_394 = vector.broadcast %mul3A_393 : i32 to vector<16xi32>
    %mul3A_395 = arith.muli %get3A_392, %mul3A_394 : vector<16xi32>
    %add3A_396 = arith.addi %mul3A_395, %add3A_9 : vector<16xi32>
    %swap3A_397 = arith.constant 3 : i32
    %swap3A_398 = arith.index_cast %swap3A_397 : i32 to index
    %swap3A_399 = arith.constant 0 : index
    %swap3A_400 = tpu.vector_load %arg5[%swap3A_398, %swap3A_399] {strides = array<i32>} : memref<5x128xi32, #tpu.memory_space<vmem>>, vector<1x16xi32>,
    %swap3A_401 = vector.shape_cast %swap3A_400 : vector<1x16xi32> to vector<16xi32>
    %swap3A_402 = vector.shape_cast %add3A_396 : vector<16xi32> to vector<1x16xi32>
    tpu.vector_store %arg5[%swap3A_398, %swap3A_399], %swap3A_402 {strides = array<i32>} : memref<5x128xi32, #tpu.memory_space<vmem>>, vector<1x16xi32>,
    %get3A_403 = arith.constant 3 : i32
    %get3A_404 = arith.index_cast %get3A_403 : i32 to index
    %get3A_405 = arith.constant 16 : index
    %get3A_406 = tpu.vector_load %arg5[%get3A_404, %get3A_405] {strides = array<i32>} : memref<5x128xi32, #tpu.memory_space<vmem>>, vector<1x16xi32>,
    %get3A_407 = vector.shape_cast %get3A_406 : vector<1x16xi32> to vector<16xi32>
    %mul3A_408 = arith.constant 2 : i32
    %mul3A_409 = vector.broadcast %mul3A_408 : i32 to vector<16xi32>
    %mul3A_410 = arith.muli %get3A_407, %mul3A_409 : vector<16xi32>
    %add3A_411 = arith.addi %mul3A_410, %add3A_9 : vector<16xi32>
    %swap3A_412 = arith.constant 3 : i32
    %swap3A_413 = arith.index_cast %swap3A_412 : i32 to index
    %swap3A_414 = arith.constant 16 : index
    %swap3A_415 = tpu.vector_load %arg5[%swap3A_413, %swap3A_414] {strides = array<i32>} : memref<5x128xi32, #tpu.memory_space<vmem>>, vector<1x16xi32>,
    %swap3A_416 = vector.shape_cast %swap3A_415 : vector<1x16xi32> to vector<16xi32>
    %swap3A_417 = vector.shape_cast %add3A_411 : vector<16xi32> to vector<1x16xi32>
    tpu.vector_store %arg5[%swap3A_413, %swap3A_414], %swap3A_417 {strides = array<i32>} : memref<5x128xi32, #tpu.memory_space<vmem>>, vector<1x16xi32>,
    %get3A_418 = arith.constant 3 : i32
    %get3A_419 = arith.index_cast %get3A_418 : i32 to index
    %get3A_420 = arith.constant 32 : index
    %get3A_421 = tpu.vector_load %arg5[%get3A_419, %get3A_420] {strides = array<i32>} : memref<5x128xi32, #tpu.memory_space<vmem>>, vector<1x16xi32>,
    %get3A_422 = vector.shape_cast %get3A_421 : vector<1x16xi32> to vector<16xi32>
    %mul3A_423 = arith.constant 2 : i32
    %mul3A_424 = vector.broadcast %mul3A_423 : i32 to vector<16xi32>
    %mul3A_425 = arith.muli %get3A_422, %mul3A_424 : vector<16xi32>
    %add3A_426 = arith.addi %mul3A_425, %add3A_9 : vector<16xi32>
    %swap3A_427 = arith.constant 3 : i32
    %swap3A_428 = arith.index_cast %swap3A_427 : i32 to index
    %swap3A_429 = arith.constant 32 : index
    %swap3A_430 = tpu.vector_load %arg5[%swap3A_428, %swap3A_429] {strides = array<i32>} : memref<5x128xi32, #tpu.memory_space<vmem>>, vector<1x16xi32>,
    %swap3A_431 = vector.shape_cast %swap3A_430 : vector<1x16xi32> to vector<16xi32>
    %swap3A_432 = vector.shape_cast %add3A_426 : vector<16xi32> to vector<1x16xi32>
    tpu.vector_store %arg5[%swap3A_428, %swap3A_429], %swap3A_432 {strides = array<i32>} : memref<5x128xi32, #tpu.memory_space<vmem>>, vector<1x16xi32>,
    %get3A_433 = arith.constant 3 : i32
    %get3A_434 = arith.index_cast %get3A_433 : i32 to index
    %get3A_435 = arith.constant 48 : index
    %get3A_436 = tpu.vector_load %arg5[%get3A_434, %get3A_435] {strides = array<i32>} : memref<5x128xi32, #tpu.memory_space<vmem>>, vector<1x16xi32>,
    %get3A_437 = vector.shape_cast %get3A_436 : vector<1x16xi32> to vector<16xi32>
    %mul3A_438 = arith.constant 2 : i32
    %mul3A_439 = vector.broadcast %mul3A_438 : i32 to vector<16xi32>
    %mul3A_440 = arith.muli %get3A_437, %mul3A_439 : vector<16xi32>
    %add3A_441 = arith.addi %mul3A_440, %add3A_9 : vector<16xi32>
    %swap3A_442 = arith.constant 3 : i32
    %swap3A_443 = arith.index_cast %swap3A_442 : i32 to index
    %swap3A_444 = arith.constant 48 : index
    %swap3A_445 = tpu.vector_load %arg5[%swap3A_443, %swap3A_444] {strides = array<i32>} : memref<5x128xi32, #tpu.memory_space<vmem>>, vector<1x16xi32>,
    %swap3A_446 = vector.shape_cast %swap3A_445 : vector<1x16xi32> to vector<16xi32>
    %swap3A_447 = vector.shape_cast %add3A_441 : vector<16xi32> to vector<1x16xi32>
    tpu.vector_store %arg5[%swap3A_443, %swap3A_444], %swap3A_447 {strides = array<i32>} : memref<5x128xi32, #tpu.memory_space<vmem>>, vector<1x16xi32>,
    %get3A_448 = arith.constant 3 : i32
    %get3A_449 = arith.index_cast %get3A_448 : i32 to index
    %get3A_450 = arith.constant 64 : index
    %get3A_451 = tpu.vector_load %arg5[%get3A_449, %get3A_450] {strides = array<i32>} : memref<5x128xi32, #tpu.memory_space<vmem>>, vector<1x16xi32>,
    %get3A_452 = vector.shape_cast %get3A_451 : vector<1x16xi32> to vector<16xi32>
    %mul3A_453 = arith.constant 2 : i32
    %mul3A_454 = vector.broadcast %mul3A_453 : i32 to vector<16xi32>
    %mul3A_455 = arith.muli %get3A_452, %mul3A_454 : vector<16xi32>
    %add3A_456 = arith.addi %mul3A_455, %add3A_9 : vector<16xi32>
    %swap3A_457 = arith.constant 3 : i32
    %swap3A_458 = arith.index_cast %swap3A_457 : i32 to index
    %swap3A_459 = arith.constant 64 : index
    %swap3A_460 = tpu.vector_load %arg5[%swap3A_458, %swap3A_459] {strides = array<i32>} : memref<5x128xi32, #tpu.memory_space<vmem>>, vector<1x16xi32>,
    %swap3A_461 = vector.shape_cast %swap3A_460 : vector<1x16xi32> to vector<16xi32>
    %swap3A_462 = vector.shape_cast %add3A_456 : vector<16xi32> to vector<1x16xi32>
    tpu.vector_store %arg5[%swap3A_458, %swap3A_459], %swap3A_462 {strides = array<i32>} : memref<5x128xi32, #tpu.memory_space<vmem>>, vector<1x16xi32>,
    %get3A_463 = arith.constant 3 : i32
    %get3A_464 = arith.index_cast %get3A_463 : i32 to index
    %get3A_465 = arith.constant 80 : index
    %get3A_466 = tpu.vector_load %arg5[%get3A_464, %get3A_465] {strides = array<i32>} : memref<5x128xi32, #tpu.memory_space<vmem>>, vector<1x16xi32>,
    %get3A_467 = vector.shape_cast %get3A_466 : vector<1x16xi32> to vector<16xi32>
    %mul3A_468 = arith.constant 2 : i32
    %mul3A_469 = vector.broadcast %mul3A_468 : i32 to vector<16xi32>
    %mul3A_470 = arith.muli %get3A_467, %mul3A_469 : vector<16xi32>
    %add3A_471 = arith.addi %mul3A_470, %add3A_9 : vector<16xi32>
    %swap3A_472 = arith.constant 3 : i32
    %swap3A_473 = arith.index_cast %swap3A_472 : i32 to index
    %swap3A_474 = arith.constant 80 : index
    %swap3A_475 = tpu.vector_load %arg5[%swap3A_473, %swap3A_474] {strides = array<i32>} : memref<5x128xi32, #tpu.memory_space<vmem>>, vector<1x16xi32>,
    %swap3A_476 = vector.shape_cast %swap3A_475 : vector<1x16xi32> to vector<16xi32>
    %swap3A_477 = vector.shape_cast %add3A_471 : vector<16xi32> to vector<1x16xi32>
    tpu.vector_store %arg5[%swap3A_473, %swap3A_474], %swap3A_477 {strides = array<i32>} : memref<5x128xi32, #tpu.memory_space<vmem>>, vector<1x16xi32>,
    %get3A_478 = arith.constant 3 : i32
    %get3A_479 = arith.index_cast %get3A_478 : i32 to index
    %get3A_480 = arith.constant 96 : index
    %get3A_481 = tpu.vector_load %arg5[%get3A_479, %get3A_480] {strides = array<i32>} : memref<5x128xi32, #tpu.memory_space<vmem>>, vector<1x16xi32>,
    %get3A_482 = vector.shape_cast %get3A_481 : vector<1x16xi32> to vector<16xi32>
    %mul3A_483 = arith.constant 2 : i32
    %mul3A_484 = vector.broadcast %mul3A_483 : i32 to vector<16xi32>
    %mul3A_485 = arith.muli %get3A_482, %mul3A_484 : vector<16xi32>
    %add3A_486 = arith.addi %mul3A_485, %add3A_9 : vector<16xi32>
    %swap3A_487 = arith.constant 3 : i32
    %swap3A_488 = arith.index_cast %swap3A_487 : i32 to index
    %swap3A_489 = arith.constant 96 : index
    %swap3A_490 = tpu.vector_load %arg5[%swap3A_488, %swap3A_489] {strides = array<i32>} : memref<5x128xi32, #tpu.memory_space<vmem>>, vector<1x16xi32>,
    %swap3A_491 = vector.shape_cast %swap3A_490 : vector<1x16xi32> to vector<16xi32>
    %swap3A_492 = vector.shape_cast %add3A_486 : vector<16xi32> to vector<1x16xi32>
    tpu.vector_store %arg5[%swap3A_488, %swap3A_489], %swap3A_492 {strides = array<i32>} : memref<5x128xi32, #tpu.memory_space<vmem>>, vector<1x16xi32>,
    %get3A_493 = arith.constant 3 : i32
    %get3A_494 = arith.index_cast %get3A_493 : i32 to index
    %get3A_495 = arith.constant 112 : index
    %get3A_496 = tpu.vector_load %arg5[%get3A_494, %get3A_495] {strides = array<i32>} : memref<5x128xi32, #tpu.memory_space<vmem>>, vector<1x16xi32>,
    %get3A_497 = vector.shape_cast %get3A_496 : vector<1x16xi32> to vector<16xi32>
    %mul3A_498 = arith.constant 2 : i32
    %mul3A_499 = vector.broadcast %mul3A_498 : i32 to vector<16xi32>
    %mul3A_500 = arith.muli %get3A_497, %mul3A_499 : vector<16xi32>
    %add3A_501 = arith.addi %mul3A_500, %add3A_9 : vector<16xi32>
    %swap3A_502 = arith.constant 3 : i32
    %swap3A_503 = arith.index_cast %swap3A_502 : i32 to index
    %swap3A_504 = arith.constant 112 : index
    %swap3A_505 = tpu.vector_load %arg5[%swap3A_503, %swap3A_504] {strides = array<i32>} : memref<5x128xi32, #tpu.memory_space<vmem>>, vector<1x16xi32>,
    %swap3A_506 = vector.shape_cast %swap3A_505 : vector<1x16xi32> to vector<16xi32>
    %swap3A_507 = vector.shape_cast %add3A_501 : vector<16xi32> to vector<1x16xi32>
    tpu.vector_store %arg5[%swap3A_503, %swap3A_504], %swap3A_507 {strides = array<i32>} : memref<5x128xi32, #tpu.memory_space<vmem>>, vector<1x16xi32>,
    %get3A_508 = arith.constant 4 : i32
    %get3A_509 = arith.index_cast %get3A_508 : i32 to index
    %get3A_510 = arith.constant 0 : index
    %get3A_511 = tpu.vector_load %arg5[%get3A_509, %get3A_510] {strides = array<i32>} : memref<5x128xi32, #tpu.memory_space<vmem>>, vector<1x16xi32>,
    %get3A_512 = vector.shape_cast %get3A_511 : vector<1x16xi32> to vector<16xi32>
    %mul3A_513 = arith.constant 2 : i32
    %mul3A_514 = vector.broadcast %mul3A_513 : i32 to vector<16xi32>
    %mul3A_515 = arith.muli %get3A_512, %mul3A_514 : vector<16xi32>
    %add3A_516 = arith.addi %mul3A_515, %add3A_9 : vector<16xi32>
    %swap3A_517 = arith.constant 4 : i32
    %swap3A_518 = arith.index_cast %swap3A_517 : i32 to index
    %swap3A_519 = arith.constant 0 : index
    %swap3A_520 = tpu.vector_load %arg5[%swap3A_518, %swap3A_519] {strides = array<i32>} : memref<5x128xi32, #tpu.memory_space<vmem>>, vector<1x16xi32>,
    %swap3A_521 = vector.shape_cast %swap3A_520 : vector<1x16xi32> to vector<16xi32>
    %swap3A_522 = vector.shape_cast %add3A_516 : vector<16xi32> to vector<1x16xi32>
    tpu.vector_store %arg5[%swap3A_518, %swap3A_519], %swap3A_522 {strides = array<i32>} : memref<5x128xi32, #tpu.memory_space<vmem>>, vector<1x16xi32>,
    %get3A_523 = arith.constant 4 : i32
    %get3A_524 = arith.index_cast %get3A_523 : i32 to index
    %get3A_525 = arith.constant 16 : index
    %get3A_526 = tpu.vector_load %arg5[%get3A_524, %get3A_525] {strides = array<i32>} : memref<5x128xi32, #tpu.memory_space<vmem>>, vector<1x16xi32>,
    %get3A_527 = vector.shape_cast %get3A_526 : vector<1x16xi32> to vector<16xi32>
    %mul3A_528 = arith.constant 2 : i32
    %mul3A_529 = vector.broadcast %mul3A_528 : i32 to vector<16xi32>
    %mul3A_530 = arith.muli %get3A_527, %mul3A_529 : vector<16xi32>
    %add3A_531 = arith.addi %mul3A_530, %add3A_9 : vector<16xi32>
    %swap3A_532 = arith.constant 4 : i32
    %swap3A_533 = arith.index_cast %swap3A_532 : i32 to index
    %swap3A_534 = arith.constant 16 : index
    %swap3A_535 = tpu.vector_load %arg5[%swap3A_533, %swap3A_534] {strides = array<i32>} : memref<5x128xi32, #tpu.memory_space<vmem>>, vector<1x16xi32>,
    %swap3A_536 = vector.shape_cast %swap3A_535 : vector<1x16xi32> to vector<16xi32>
    %swap3A_537 = vector.shape_cast %add3A_531 : vector<16xi32> to vector<1x16xi32>
    tpu.vector_store %arg5[%swap3A_533, %swap3A_534], %swap3A_537 {strides = array<i32>} : memref<5x128xi32, #tpu.memory_space<vmem>>, vector<1x16xi32>,
    %get3A_538 = arith.constant 4 : i32
    %get3A_539 = arith.index_cast %get3A_538 : i32 to index
    %get3A_540 = arith.constant 32 : index
    %get3A_541 = tpu.vector_load %arg5[%get3A_539, %get3A_540] {strides = array<i32>} : memref<5x128xi32, #tpu.memory_space<vmem>>, vector<1x16xi32>,
    %get3A_542 = vector.shape_cast %get3A_541 : vector<1x16xi32> to vector<16xi32>
    %mul3A_543 = arith.constant 2 : i32
    %mul3A_544 = vector.broadcast %mul3A_543 : i32 to vector<16xi32>
    %mul3A_545 = arith.muli %get3A_542, %mul3A_544 : vector<16xi32>
    %add3A_546 = arith.addi %mul3A_545, %add3A_9 : vector<16xi32>
    %swap3A_547 = arith.constant 4 : i32
    %swap3A_548 = arith.index_cast %swap3A_547 : i32 to index
    %swap3A_549 = arith.constant 32 : index
    %swap3A_550 = tpu.vector_load %arg5[%swap3A_548, %swap3A_549] {strides = array<i32>} : memref<5x128xi32, #tpu.memory_space<vmem>>, vector<1x16xi32>,
    %swap3A_551 = vector.shape_cast %swap3A_550 : vector<1x16xi32> to vector<16xi32>
    %swap3A_552 = vector.shape_cast %add3A_546 : vector<16xi32> to vector<1x16xi32>
    tpu.vector_store %arg5[%swap3A_548, %swap3A_549], %swap3A_552 {strides = array<i32>} : memref<5x128xi32, #tpu.memory_space<vmem>>, vector<1x16xi32>,
    %get3A_553 = arith.constant 4 : i32
    %get3A_554 = arith.index_cast %get3A_553 : i32 to index
    %get3A_555 = arith.constant 48 : index
    %get3A_556 = tpu.vector_load %arg5[%get3A_554, %get3A_555] {strides = array<i32>} : memref<5x128xi32, #tpu.memory_space<vmem>>, vector<1x16xi32>,
    %get3A_557 = vector.shape_cast %get3A_556 : vector<1x16xi32> to vector<16xi32>
    %mul3A_558 = arith.constant 2 : i32
    %mul3A_559 = vector.broadcast %mul3A_558 : i32 to vector<16xi32>
    %mul3A_560 = arith.muli %get3A_557, %mul3A_559 : vector<16xi32>
    %add3A_561 = arith.addi %mul3A_560, %add3A_9 : vector<16xi32>
    %swap3A_562 = arith.constant 4 : i32
    %swap3A_563 = arith.index_cast %swap3A_562 : i32 to index
    %swap3A_564 = arith.constant 48 : index
    %swap3A_565 = tpu.vector_load %arg5[%swap3A_563, %swap3A_564] {strides = array<i32>} : memref<5x128xi32, #tpu.memory_space<vmem>>, vector<1x16xi32>,
    %swap3A_566 = vector.shape_cast %swap3A_565 : vector<1x16xi32> to vector<16xi32>
    %swap3A_567 = vector.shape_cast %add3A_561 : vector<16xi32> to vector<1x16xi32>
    tpu.vector_store %arg5[%swap3A_563, %swap3A_564], %swap3A_567 {strides = array<i32>} : memref<5x128xi32, #tpu.memory_space<vmem>>, vector<1x16xi32>,
    %get3A_568 = arith.constant 4 : i32
    %get3A_569 = arith.index_cast %get3A_568 : i32 to index
    %get3A_570 = arith.constant 64 : index
    %get3A_571 = tpu.vector_load %arg5[%get3A_569, %get3A_570] {strides = array<i32>} : memref<5x128xi32, #tpu.memory_space<vmem>>, vector<1x16xi32>,
    %get3A_572 = vector.shape_cast %get3A_571 : vector<1x16xi32> to vector<16xi32>
    %mul3A_573 = arith.constant 2 : i32
    %mul3A_574 = vector.broadcast %mul3A_573 : i32 to vector<16xi32>
    %mul3A_575 = arith.muli %get3A_572, %mul3A_574 : vector<16xi32>
    %add3A_576 = arith.addi %mul3A_575, %add3A_9 : vector<16xi32>
    %swap3A_577 = arith.constant 4 : i32
    %swap3A_578 = arith.index_cast %swap3A_577 : i32 to index
    %swap3A_579 = arith.constant 64 : index
    %swap3A_580 = tpu.vector_load %arg5[%swap3A_578, %swap3A_579] {strides = array<i32>} : memref<5x128xi32, #tpu.memory_space<vmem>>, vector<1x16xi32>,
    %swap3A_581 = vector.shape_cast %swap3A_580 : vector<1x16xi32> to vector<16xi32>
    %swap3A_582 = vector.shape_cast %add3A_576 : vector<16xi32> to vector<1x16xi32>
    tpu.vector_store %arg5[%swap3A_578, %swap3A_579], %swap3A_582 {strides = array<i32>} : memref<5x128xi32, #tpu.memory_space<vmem>>, vector<1x16xi32>,
    %get3A_583 = arith.constant 4 : i32
    %get3A_584 = arith.index_cast %get3A_583 : i32 to index
    %get3A_585 = arith.constant 80 : index
    %get3A_586 = tpu.vector_load %arg5[%get3A_584, %get3A_585] {strides = array<i32>} : memref<5x128xi32, #tpu.memory_space<vmem>>, vector<1x16xi32>,
    %get3A_587 = vector.shape_cast %get3A_586 : vector<1x16xi32> to vector<16xi32>
    %mul3A_588 = arith.constant 2 : i32
    %mul3A_589 = vector.broadcast %mul3A_588 : i32 to vector<16xi32>
    %mul3A_590 = arith.muli %get3A_587, %mul3A_589 : vector<16xi32>
    %add3A_591 = arith.addi %mul3A_590, %add3A_9 : vector<16xi32>
    %swap3A_592 = arith.constant 4 : i32
    %swap3A_593 = arith.index_cast %swap3A_592 : i32 to index
    %swap3A_594 = arith.constant 80 : index
    %swap3A_595 = tpu.vector_load %arg5[%swap3A_593, %swap3A_594] {strides = array<i32>} : memref<5x128xi32, #tpu.memory_space<vmem>>, vector<1x16xi32>,
    %swap3A_596 = vector.shape_cast %swap3A_595 : vector<1x16xi32> to vector<16xi32>
    %swap3A_597 = vector.shape_cast %add3A_591 : vector<16xi32> to vector<1x16xi32>
    tpu.vector_store %arg5[%swap3A_593, %swap3A_594], %swap3A_597 {strides = array<i32>} : memref<5x128xi32, #tpu.memory_space<vmem>>, vector<1x16xi32>,
    %get3A_598 = arith.constant 4 : i32
    %get3A_599 = arith.index_cast %get3A_598 : i32 to index
    %get3A_600 = arith.constant 96 : index
    %get3A_601 = tpu.vector_load %arg5[%get3A_599, %get3A_600] {strides = array<i32>} : memref<5x128xi32, #tpu.memory_space<vmem>>, vector<1x16xi32>,
    %get3A_602 = vector.shape_cast %get3A_601 : vector<1x16xi32> to vector<16xi32>
    %mul3A_603 = arith.constant 2 : i32
    %mul3A_604 = vector.broadcast %mul3A_603 : i32 to vector<16xi32>
    %mul3A_605 = arith.muli %get3A_602, %mul3A_604 : vector<16xi32>
    %add3A_606 = arith.addi %mul3A_605, %add3A_9 : vector<16xi32>
    %swap3A_607 = arith.constant 4 : i32
    %swap3A_608 = arith.index_cast %swap3A_607 : i32 to index
    %swap3A_609 = arith.constant 96 : index
    %swap3A_610 = tpu.vector_load %arg5[%swap3A_608, %swap3A_609] {strides = array<i32>} : memref<5x128xi32, #tpu.memory_space<vmem>>, vector<1x16xi32>,
    %swap3A_611 = vector.shape_cast %swap3A_610 : vector<1x16xi32> to vector<16xi32>
    %swap3A_612 = vector.shape_cast %add3A_606 : vector<16xi32> to vector<1x16xi32>
    tpu.vector_store %arg5[%swap3A_608, %swap3A_609], %swap3A_612 {strides = array<i32>} : memref<5x128xi32, #tpu.memory_space<vmem>>, vector<1x16xi32>,
    %get3A_613 = arith.constant 4 : i32
    %get3A_614 = arith.index_cast %get3A_613 : i32 to index
    %get3A_615 = arith.constant 112 : index
    %get3A_616 = tpu.vector_load %arg5[%get3A_614, %get3A_615] {strides = array<i32>} : memref<5x128xi32, #tpu.memory_space<vmem>>, vector<1x16xi32>,
    %get3A_617 = vector.shape_cast %get3A_616 : vector<1x16xi32> to vector<16xi32>
    %mul3A_618 = arith.constant 2 : i32
    %mul3A_619 = vector.broadcast %mul3A_618 : i32 to vector<16xi32>
    %mul3A_620 = arith.muli %get3A_617, %mul3A_619 : vector<16xi32>
    %add3A_621 = arith.addi %mul3A_620, %add3A_9 : vector<16xi32>
    %swap3A_622 = arith.constant 4 : i32
    %swap3A_623 = arith.index_cast %swap3A_622 : i32 to index
    %swap3A_624 = arith.constant 112 : index
    %swap3A_625 = tpu.vector_load %arg5[%swap3A_623, %swap3A_624] {strides = array<i32>} : memref<5x128xi32, #tpu.memory_space<vmem>>, vector<1x16xi32>,
    %swap3A_626 = vector.shape_cast %swap3A_625 : vector<1x16xi32> to vector<16xi32>
    %swap3A_627 = vector.shape_cast %add3A_621 : vector<16xi32> to vector<1x16xi32>
    tpu.vector_store %arg5[%swap3A_623, %swap3A_624], %swap3A_627 {strides = array<i32>} : memref<5x128xi32, #tpu.memory_space<vmem>>, vector<1x16xi32>,
    %dma_start3A = arith.constant 0 : i32
    %dma_start3A_628 = arith.constant 0 : i32
    %dma_start3A_629 = arith.constant 0 : i32
    %dma_start3A_630 = tpu.memref_slice %arg7[%dma_start3A_628, %dma_start3A_629] : memref<640x64xf32, #tpu.memory_space<vmem>> -> memref<128x64xf32, #tpu.memory_space<vmem>>
    %dma_start3A_631 = arith.constant 0 : i32
    %dma_start3A_632 = tpu.memref_slice %arg5[%dma_start3A, %dma_start3A_631] : memref<5x128xi32, #tpu.memory_space<vmem>> -> memref<1x128xi32, #tpu.memory_space<vmem>>
    %dma_start3A_633 = tpu.memref_squeeze %dma_start3A_632 : memref<1x128xi32, #tpu.memory_space<vmem>> -> memref<128xi32, #tpu.memory_space<vmem>>
    %dma_start3A_634 = arith.constant 0 : i32
    %dma_start3A_635 = arith.constant 0 : i32
    %dma_start3A_636 = tpu.memref_slice %arg3[%dma_start3A_634, %dma_start3A_635] : memref<131072x64xf32, #tpu.memory_space<hbm>> -> memref<131072x64xf32, #tpu.memory_space<hbm>>
    tpu.enqueue_indirect_dma source(%dma_start3A_636 : memref<131072x64xf32, #tpu.memory_space<hbm>>) target(%dma_start3A_630 : memref<128x64xf32, #tpu.memory_space<vmem>>) offsets(%dma_start3A_633 : memref<128xi32, #tpu.memory_space<vmem>>) semaphore(%arg9 : memref<!tpu.dma_semaphore, #tpu.memory_space<semaphore_mem>>)
    %dma_start3A_637 = arith.constant 1 : i32
    %dma_start3A_638 = arith.constant 128 : i32
    %dma_start3A_639 = arith.constant 0 : i32
    %dma_start3A_640 = tpu.memref_slice %arg7[%dma_start3A_638, %dma_start3A_639] : memref<640x64xf32, #tpu.memory_space<vmem>> -> memref<128x64xf32, #tpu.memory_space<vmem>>
    %dma_start3A_641 = arith.constant 0 : i32
    %dma_start3A_642 = tpu.memref_slice %arg5[%dma_start3A_637, %dma_start3A_641] : memref<5x128xi32, #tpu.memory_space<vmem>> -> memref<1x128xi32, #tpu.memory_space<vmem>>
    %dma_start3A_643 = tpu.memref_squeeze %dma_start3A_642 : memref<1x128xi32, #tpu.memory_space<vmem>> -> memref<128xi32, #tpu.memory_space<vmem>>
    %dma_start3A_644 = arith.constant 0 : i32
    %dma_start3A_645 = arith.constant 0 : i32
    %dma_start3A_646 = tpu.memref_slice %arg3[%dma_start3A_644, %dma_start3A_645] : memref<131072x64xf32, #tpu.memory_space<hbm>> -> memref<131072x64xf32, #tpu.memory_space<hbm>>
    tpu.enqueue_indirect_dma source(%dma_start3A_646 : memref<131072x64xf32, #tpu.memory_space<hbm>>) target(%dma_start3A_640 : memref<128x64xf32, #tpu.memory_space<vmem>>) offsets(%dma_start3A_643 : memref<128xi32, #tpu.memory_space<vmem>>) semaphore(%arg9 : memref<!tpu.dma_semaphore, #tpu.memory_space<semaphore_mem>>)
    %dma_start3A_647 = arith.constant 2 : i32
    %dma_start3A_648 = arith.constant 256 : i32
    %dma_start3A_649 = arith.constant 0 : i32
    %dma_start3A_650 = tpu.memref_slice %arg7[%dma_start3A_648, %dma_start3A_649] : memref<640x64xf32, #tpu.memory_space<vmem>> -> memref<128x64xf32, #tpu.memory_space<vmem>>
    %dma_start3A_651 = arith.constant 0 : i32
    %dma_start3A_652 = tpu.memref_slice %arg5[%dma_start3A_647, %dma_start3A_651] : memref<5x128xi32, #tpu.memory_space<vmem>> -> memref<1x128xi32, #tpu.memory_space<vmem>>
    %dma_start3A_653 = tpu.memref_squeeze %dma_start3A_652 : memref<1x128xi32, #tpu.memory_space<vmem>> -> memref<128xi32, #tpu.memory_space<vmem>>
    %dma_start3A_654 = arith.constant 0 : i32
    %dma_start3A_655 = arith.constant 0 : i32
    %dma_start3A_656 = tpu.memref_slice %arg3[%dma_start3A_654, %dma_start3A_655] : memref<131072x64xf32, #tpu.memory_space<hbm>> -> memref<131072x64xf32, #tpu.memory_space<hbm>>
    tpu.enqueue_indirect_dma source(%dma_start3A_656 : memref<131072x64xf32, #tpu.memory_space<hbm>>) target(%dma_start3A_650 : memref<128x64xf32, #tpu.memory_space<vmem>>) offsets(%dma_start3A_653 : memref<128xi32, #tpu.memory_space<vmem>>) semaphore(%arg9 : memref<!tpu.dma_semaphore, #tpu.memory_space<semaphore_mem>>)
    %dma_start3A_657 = arith.constant 3 : i32
    %dma_start3A_658 = arith.constant 384 : i32
    %dma_start3A_659 = arith.constant 0 : i32
    %dma_start3A_660 = tpu.memref_slice %arg7[%dma_start3A_658, %dma_start3A_659] : memref<640x64xf32, #tpu.memory_space<vmem>> -> memref<128x64xf32, #tpu.memory_space<vmem>>
    %dma_start3A_661 = arith.constant 0 : i32
    %dma_start3A_662 = tpu.memref_slice %arg5[%dma_start3A_657, %dma_start3A_661] : memref<5x128xi32, #tpu.memory_space<vmem>> -> memref<1x128xi32, #tpu.memory_space<vmem>>
    %dma_start3A_663 = tpu.memref_squeeze %dma_start3A_662 : memref<1x128xi32, #tpu.memory_space<vmem>> -> memref<128xi32, #tpu.memory_space<vmem>>
    %dma_start3A_664 = arith.constant 0 : i32
    %dma_start3A_665 = arith.constant 0 : i32
    %dma_start3A_666 = tpu.memref_slice %arg3[%dma_start3A_664, %dma_start3A_665] : memref<131072x64xf32, #tpu.memory_space<hbm>> -> memref<131072x64xf32, #tpu.memory_space<hbm>>
    tpu.enqueue_indirect_dma source(%dma_start3A_666 : memref<131072x64xf32, #tpu.memory_space<hbm>>) target(%dma_start3A_660 : memref<128x64xf32, #tpu.memory_space<vmem>>) offsets(%dma_start3A_663 : memref<128xi32, #tpu.memory_space<vmem>>) semaphore(%arg9 : memref<!tpu.dma_semaphore, #tpu.memory_space<semaphore_mem>>)
    %dma_start3A_667 = arith.constant 4 : i32
    %dma_start3A_668 = arith.constant 512 : i32
    %dma_start3A_669 = arith.constant 0 : i32
    %dma_start3A_670 = tpu.memref_slice %arg7[%dma_start3A_668, %dma_start3A_669] : memref<640x64xf32, #tpu.memory_space<vmem>> -> memref<128x64xf32, #tpu.memory_space<vmem>>
    %dma_start3A_671 = arith.constant 0 : i32
    %dma_start3A_672 = tpu.memref_slice %arg5[%dma_start3A_667, %dma_start3A_671] : memref<5x128xi32, #tpu.memory_space<vmem>> -> memref<1x128xi32, #tpu.memory_space<vmem>>
    %dma_start3A_673 = tpu.memref_squeeze %dma_start3A_672 : memref<1x128xi32, #tpu.memory_space<vmem>> -> memref<128xi32, #tpu.memory_space<vmem>>
    %dma_start3A_674 = arith.constant 0 : i32
    %dma_start3A_675 = arith.constant 0 : i32
    %dma_start3A_676 = tpu.memref_slice %arg3[%dma_start3A_674, %dma_start3A_675] : memref<131072x64xf32, #tpu.memory_space<hbm>> -> memref<131072x64xf32, #tpu.memory_space<hbm>>
    tpu.enqueue_indirect_dma source(%dma_start3A_676 : memref<131072x64xf32, #tpu.memory_space<hbm>>) target(%dma_start3A_670 : memref<128x64xf32, #tpu.memory_space<vmem>>) offsets(%dma_start3A_673 : memref<128xi32, #tpu.memory_space<vmem>>) semaphore(%arg9 : memref<!tpu.dma_semaphore, #tpu.memory_space<semaphore_mem>>)
    %scan3A = arith.constant 0 : i32
    %scan3A_677 = arith.constant 20 : i32
    %scan3A_678 = arith.addi %scan3A, %scan3A_677 : i32
    %scan3A_679 = arith.constant 1 : i32
    scf.for %scan3A_681 = %scan3A to %scan3A_678 step %scan3A_679  : i32 {
      %mul3A_682 = arith.constant 2 : i32
      %mul3A_683 = arith.muli %scan3A_681, %mul3A_682 : i32
      %add3A_684 = arith.constant 0 : i32
      %add3A_685 = arith.addi %add3A_684, %mul3A_683 : i32
      %add3A_686 = arith.constant 1 : i32
      %add3A_687 = arith.addi %add3A_685, %add3A_686 : i32
      %mul3A_688 = arith.constant 640 : i32
      %mul3A_689 = arith.muli %add3A_687, %mul3A_688 : i32
      %add3A_690 = arith.addi %mul3A_2, %mul3A_689 : i32
      %multiple_of3A_691 = tpu.assume_multiple %add3A_690, 640 : i32
      %jit3A_692 = arith.constant 128 : i32
      %div3A_693 = arith.divsi %multiple_of3A_691, %jit3A_692 : i32
      %sign3A_694 = arith.constant 0 : i32
      %sign3A_695 = arith.cmpi sgt, %multiple_of3A_691, %sign3A_694 : i32
      %sign3A_696 = arith.extui %sign3A_695 : i1 to i32
      %sign3A_697 = arith.constant 0 : i32
      %sign3A_698 = arith.cmpi slt, %multiple_of3A_691, %sign3A_697 : i32
      %sign3A_699 = arith.extui %sign3A_698 : i1 to i32
      %sign3A_700 = arith.subi %sign3A_696, %sign3A_699 : i32
      %sign3A_701 = arith.constant 0 : i32
      %sign3A_702 = arith.cmpi sgt, %jit3A_692, %sign3A_701 : i32
      %sign3A_703 = arith.extui %sign3A_702 : i1 to i32
      %sign3A_704 = arith.constant 0 : i32
      %sign3A_705 = arith.cmpi slt, %jit3A_692, %sign3A_704 : i32
      %sign3A_706 = arith.extui %sign3A_705 : i1 to i32
      %sign3A_707 = arith.subi %sign3A_703, %sign3A_706 : i32
      %ne3A_708 = arith.cmpi ne, %sign3A_700, %sign3A_707 : i32
      %rem3A_709 = arith.remsi %multiple_of3A_691, %jit3A_692 : i32
      %ne3A_710 = arith.constant 0 : i32
      %ne3A_711 = arith.cmpi ne, %rem3A_709, %ne3A_710 : i32
      %and3A_712 = arith.andi %ne3A_708, %ne3A_711 : i1
      %sub3A_713 = arith.constant 1 : i32
      %sub3A_714 = arith.subi %div3A_693, %sub3A_713 : i32
      %select_n3A_715 = arith.select %and3A_712, %sub3A_714, %div3A_693 : i32
      %multiple_of3A_716 = tpu.assume_multiple %select_n3A_715, 5 : i32
      "tpu.region"() ({
        %run_scoped3A = tpu.sem_alloc : memref<!tpu.dma_semaphore, #tpu.memory_space<semaphore_mem>>
        %dma_start3A_1480 = arith.constant 0 : i32
        %dma_start3A_1481 = tpu.memref_slice %arg2[%multiple_of3A_716, %dma_start3A_1480] : memref<6400x128xi32, #tpu.memory_space<hbm>> -> memref<5x128xi32, #tpu.memory_space<hbm>>
        %dma_start3A_1482 = arith.constant 0 : i32
        %dma_start3A_1483 = tpu.memref_slice %arg2[%multiple_of3A_716, %dma_start3A_1482] : memref<6400x128xi32, #tpu.memory_space<hbm>> -> memref<5x128xi32, #tpu.memory_space<hbm>>
        tpu.enqueue_dma source(%dma_start3A_1483 : memref<5x128xi32, #tpu.memory_space<hbm>>) target(%arg6 : memref<5x128xi32, #tpu.memory_space<vmem>>) target_semaphore(%run_scoped3A : memref<!tpu.dma_semaphore, #tpu.memory_space<semaphore_mem>>)
        %dma_wait3A_1484 = arith.constant 0 : i32
        %dma_wait3A_1485 = tpu.memref_slice %arg2[%multiple_of3A_716, %dma_wait3A_1484] : memref<6400x128xi32, #tpu.memory_space<hbm>> -> memref<5x128xi32, #tpu.memory_space<hbm>>
        %dma_wait3A_1486 = arith.constant 0 : i32
        %dma_wait3A_1487 = tpu.memref_slice %arg2[%multiple_of3A_716, %dma_wait3A_1486] : memref<6400x128xi32, #tpu.memory_space<hbm>> -> memref<5x128xi32, #tpu.memory_space<hbm>>
        tpu.wait_dma2 semaphore(%run_scoped3A : memref<!tpu.dma_semaphore, #tpu.memory_space<semaphore_mem>>) src(%dma_wait3A_1487 : memref<5x128xi32, #tpu.memory_space<hbm>>) dst(%arg6 : memref<5x128xi32, #tpu.memory_space<vmem>>)
        tpu.yield
      }) : () -> ()
      %get3A_717 = arith.constant 0 : i32
      %get3A_718 = arith.index_cast %get3A_717 : i32 to index
      %get3A_719 = arith.constant 0 : index
      %get3A_720 = tpu.vector_load %arg6[%get3A_718, %get3A_719] {strides = array<i32>} : memref<5x128xi32, #tpu.memory_space<vmem>>, vector<1x16xi32>,
      %get3A_721 = vector.shape_cast %get3A_720 : vector<1x16xi32> to vector<16xi32>
      %mul3A_722 = arith.constant 2 : i32
      %mul3A_723 = vector.broadcast %mul3A_722 : i32 to vector<16xi32>
      %mul3A_724 = arith.muli %get3A_721, %mul3A_723 : vector<16xi32>
      %add3A_725 = arith.addi %mul3A_724, %add3A_9 : vector<16xi32>
      %swap3A_726 = arith.constant 0 : i32
      %swap3A_727 = arith.index_cast %swap3A_726 : i32 to index
      %swap3A_728 = arith.constant 0 : index
      %swap3A_729 = tpu.vector_load %arg6[%swap3A_727, %swap3A_728] {strides = array<i32>} : memref<5x128xi32, #tpu.memory_space<vmem>>, vector<1x16xi32>,
      %swap3A_730 = vector.shape_cast %swap3A_729 : vector<1x16xi32> to vector<16xi32>
      %swap3A_731 = vector.shape_cast %add3A_725 : vector<16xi32> to vector<1x16xi32>
      tpu.vector_store %arg6[%swap3A_727, %swap3A_728], %swap3A_731 {strides = array<i32>} : memref<5x128xi32, #tpu.memory_space<vmem>>, vector<1x16xi32>,
      %get3A_732 = arith.constant 0 : i32
      %get3A_733 = arith.index_cast %get3A_732 : i32 to index
      %get3A_734 = arith.constant 16 : index
      %get3A_735 = tpu.vector_load %arg6[%get3A_733, %get3A_734] {strides = array<i32>} : memref<5x128xi32, #tpu.memory_space<vmem>>, vector<1x16xi32>,
      %get3A_736 = vector.shape_cast %get3A_735 : vector<1x16xi32> to vector<16xi32>
      %mul3A_737 = arith.constant 2 : i32
      %mul3A_738 = vector.broadcast %mul3A_737 : i32 to vector<16xi32>
      %mul3A_739 = arith.muli %get3A_736, %mul3A_738 : vector<16xi32>
      %add3A_740 = arith.addi %mul3A_739, %add3A_9 : vector<16xi32>
      %swap3A_741 = arith.constant 0 : i32
      %swap3A_742 = arith.index_cast %swap3A_741 : i32 to index
      %swap3A_743 = arith.constant 16 : index
      %swap3A_744 = tpu.vector_load %arg6[%swap3A_742, %swap3A_743] {strides = array<i32>} : memref<5x128xi32, #tpu.memory_space<vmem>>, vector<1x16xi32>,
      %swap3A_745 = vector.shape_cast %swap3A_744 : vector<1x16xi32> to vector<16xi32>
      %swap3A_746 = vector.shape_cast %add3A_740 : vector<16xi32> to vector<1x16xi32>
      tpu.vector_store %arg6[%swap3A_742, %swap3A_743], %swap3A_746 {strides = array<i32>} : memref<5x128xi32, #tpu.memory_space<vmem>>, vector<1x16xi32>,
      %get3A_747 = arith.constant 0 : i32
      %get3A_748 = arith.index_cast %get3A_747 : i32 to index
      %get3A_749 = arith.constant 32 : index
      %get3A_750 = tpu.vector_load %arg6[%get3A_748, %get3A_749] {strides = array<i32>} : memref<5x128xi32, #tpu.memory_space<vmem>>, vector<1x16xi32>,
      %get3A_751 = vector.shape_cast %get3A_750 : vector<1x16xi32> to vector<16xi32>
      %mul3A_752 = arith.constant 2 : i32
      %mul3A_753 = vector.broadcast %mul3A_752 : i32 to vector<16xi32>
      %mul3A_754 = arith.muli %get3A_751, %mul3A_753 : vector<16xi32>
      %add3A_755 = arith.addi %mul3A_754, %add3A_9 : vector<16xi32>
      %swap3A_756 = arith.constant 0 : i32
      %swap3A_757 = arith.index_cast %swap3A_756 : i32 to index
      %swap3A_758 = arith.constant 32 : index
      %swap3A_759 = tpu.vector_load %arg6[%swap3A_757, %swap3A_758] {strides = array<i32>} : memref<5x128xi32, #tpu.memory_space<vmem>>, vector<1x16xi32>,
      %swap3A_760 = vector.shape_cast %swap3A_759 : vector<1x16xi32> to vector<16xi32>
      %swap3A_761 = vector.shape_cast %add3A_755 : vector<16xi32> to vector<1x16xi32>
      tpu.vector_store %arg6[%swap3A_757, %swap3A_758], %swap3A_761 {strides = array<i32>} : memref<5x128xi32, #tpu.memory_space<vmem>>, vector<1x16xi32>,
      %get3A_762 = arith.constant 0 : i32
      %get3A_763 = arith.index_cast %get3A_762 : i32 to index
      %get3A_764 = arith.constant 48 : index
      %get3A_765 = tpu.vector_load %arg6[%get3A_763, %get3A_764] {strides = array<i32>} : memref<5x128xi32, #tpu.memory_space<vmem>>, vector<1x16xi32>,
      %get3A_766 = vector.shape_cast %get3A_765 : vector<1x16xi32> to vector<16xi32>
      %mul3A_767 = arith.constant 2 : i32
      %mul3A_768 = vector.broadcast %mul3A_767 : i32 to vector<16xi32>
      %mul3A_769 = arith.muli %get3A_766, %mul3A_768 : vector<16xi32>
      %add3A_770 = arith.addi %mul3A_769, %add3A_9 : vector<16xi32>
      %swap3A_771 = arith.constant 0 : i32
      %swap3A_772 = arith.index_cast %swap3A_771 : i32 to index
      %swap3A_773 = arith.constant 48 : index
      %swap3A_774 = tpu.vector_load %arg6[%swap3A_772, %swap3A_773] {strides = array<i32>} : memref<5x128xi32, #tpu.memory_space<vmem>>, vector<1x16xi32>,
      %swap3A_775 = vector.shape_cast %swap3A_774 : vector<1x16xi32> to vector<16xi32>
      %swap3A_776 = vector.shape_cast %add3A_770 : vector<16xi32> to vector<1x16xi32>
      tpu.vector_store %arg6[%swap3A_772, %swap3A_773], %swap3A_776 {strides = array<i32>} : memref<5x128xi32, #tpu.memory_space<vmem>>, vector<1x16xi32>,
      %get3A_777 = arith.constant 0 : i32
      %get3A_778 = arith.index_cast %get3A_777 : i32 to index
      %get3A_779 = arith.constant 64 : index
      %get3A_780 = tpu.vector_load %arg6[%get3A_778, %get3A_779] {strides = array<i32>} : memref<5x128xi32, #tpu.memory_space<vmem>>, vector<1x16xi32>,
      %get3A_781 = vector.shape_cast %get3A_780 : vector<1x16xi32> to vector<16xi32>
      %mul3A_782 = arith.constant 2 : i32
      %mul3A_783 = vector.broadcast %mul3A_782 : i32 to vector<16xi32>
      %mul3A_784 = arith.muli %get3A_781, %mul3A_783 : vector<16xi32>
      %add3A_785 = arith.addi %mul3A_784, %add3A_9 : vector<16xi32>
      %swap3A_786 = arith.constant 0 : i32
      %swap3A_787 = arith.index_cast %swap3A_786 : i32 to index
      %swap3A_788 = arith.constant 64 : index
      %swap3A_789 = tpu.vector_load %arg6[%swap3A_787, %swap3A_788] {strides = array<i32>} : memref<5x128xi32, #tpu.memory_space<vmem>>, vector<1x16xi32>,
      %swap3A_790 = vector.shape_cast %swap3A_789 : vector<1x16xi32> to vector<16xi32>
      %swap3A_791 = vector.shape_cast %add3A_785 : vector<16xi32> to vector<1x16xi32>
      tpu.vector_store %arg6[%swap3A_787, %swap3A_788], %swap3A_791 {strides = array<i32>} : memref<5x128xi32, #tpu.memory_space<vmem>>, vector<1x16xi32>,
      %get3A_792 = arith.constant 0 : i32
      %get3A_793 = arith.index_cast %get3A_792 : i32 to index
      %get3A_794 = arith.constant 80 : index
      %get3A_795 = tpu.vector_load %arg6[%get3A_793, %get3A_794] {strides = array<i32>} : memref<5x128xi32, #tpu.memory_space<vmem>>, vector<1x16xi32>,
      %get3A_796 = vector.shape_cast %get3A_795 : vector<1x16xi32> to vector<16xi32>
      %mul3A_797 = arith.constant 2 : i32
      %mul3A_798 = vector.broadcast %mul3A_797 : i32 to vector<16xi32>
      %mul3A_799 = arith.muli %get3A_796, %mul3A_798 : vector<16xi32>
      %add3A_800 = arith.addi %mul3A_799, %add3A_9 : vector<16xi32>
      %swap3A_801 = arith.constant 0 : i32
      %swap3A_802 = arith.index_cast %swap3A_801 : i32 to index
      %swap3A_803 = arith.constant 80 : index
      %swap3A_804 = tpu.vector_load %arg6[%swap3A_802, %swap3A_803] {strides = array<i32>} : memref<5x128xi32, #tpu.memory_space<vmem>>, vector<1x16xi32>,
      %swap3A_805 = vector.shape_cast %swap3A_804 : vector<1x16xi32> to vector<16xi32>
      %swap3A_806 = vector.shape_cast %add3A_800 : vector<16xi32> to vector<1x16xi32>
      tpu.vector_store %arg6[%swap3A_802, %swap3A_803], %swap3A_806 {strides = array<i32>} : memref<5x128xi32, #tpu.memory_space<vmem>>, vector<1x16xi32>,
      %get3A_807 = arith.constant 0 : i32
      %get3A_808 = arith.index_cast %get3A_807 : i32 to index
      %get3A_809 = arith.constant 96 : index
      %get3A_810 = tpu.vector_load %arg6[%get3A_808, %get3A_809] {strides = array<i32>} : memref<5x128xi32, #tpu.memory_space<vmem>>, vector<1x16xi32>,
      %get3A_811 = vector.shape_cast %get3A_810 : vector<1x16xi32> to vector<16xi32>
      %mul3A_812 = arith.constant 2 : i32
      %mul3A_813 = vector.broadcast %mul3A_812 : i32 to vector<16xi32>
      %mul3A_814 = arith.muli %get3A_811, %mul3A_813 : vector<16xi32>
      %add3A_815 = arith.addi %mul3A_814, %add3A_9 : vector<16xi32>
      %swap3A_816 = arith.constant 0 : i32
      %swap3A_817 = arith.index_cast %swap3A_816 : i32 to index
      %swap3A_818 = arith.constant 96 : index
      %swap3A_819 = tpu.vector_load %arg6[%swap3A_817, %swap3A_818] {strides = array<i32>} : memref<5x128xi32, #tpu.memory_space<vmem>>, vector<1x16xi32>,
      %swap3A_820 = vector.shape_cast %swap3A_819 : vector<1x16xi32> to vector<16xi32>
      %swap3A_821 = vector.shape_cast %add3A_815 : vector<16xi32> to vector<1x16xi32>
      tpu.vector_store %arg6[%swap3A_817, %swap3A_818], %swap3A_821 {strides = array<i32>} : memref<5x128xi32, #tpu.memory_space<vmem>>, vector<1x16xi32>,
      %get3A_822 = arith.constant 0 : i32
      %get3A_823 = arith.index_cast %get3A_822 : i32 to index
      %get3A_824 = arith.constant 112 : index
      %get3A_825 = tpu.vector_load %arg6[%get3A_823, %get3A_824] {strides = array<i32>} : memref<5x128xi32, #tpu.memory_space<vmem>>, vector<1x16xi32>,
      %get3A_826 = vector.shape_cast %get3A_825 : vector<1x16xi32> to vector<16xi32>
      %mul3A_827 = arith.constant 2 : i32
      %mul3A_828 = vector.broadcast %mul3A_827 : i32 to vector<16xi32>
      %mul3A_829 = arith.muli %get3A_826, %mul3A_828 : vector<16xi32>
      %add3A_830 = arith.addi %mul3A_829, %add3A_9 : vector<16xi32>
      %swap3A_831 = arith.constant 0 : i32
      %swap3A_832 = arith.index_cast %swap3A_831 : i32 to index
      %swap3A_833 = arith.constant 112 : index
      %swap3A_834 = tpu.vector_load %arg6[%swap3A_832, %swap3A_833] {strides = array<i32>} : memref<5x128xi32, #tpu.memory_space<vmem>>, vector<1x16xi32>,
      %swap3A_835 = vector.shape_cast %swap3A_834 : vector<1x16xi32> to vector<16xi32>
      %swap3A_836 = vector.shape_cast %add3A_830 : vector<16xi32> to vector<1x16xi32>
      tpu.vector_store %arg6[%swap3A_832, %swap3A_833], %swap3A_836 {strides = array<i32>} : memref<5x128xi32, #tpu.memory_space<vmem>>, vector<1x16xi32>,
      %get3A_837 = arith.constant 1 : i32
      %get3A_838 = arith.index_cast %get3A_837 : i32 to index
      %get3A_839 = arith.constant 0 : index
      %get3A_840 = tpu.vector_load %arg6[%get3A_838, %get3A_839] {strides = array<i32>} : memref<5x128xi32, #tpu.memory_space<vmem>>, vector<1x16xi32>,
      %get3A_841 = vector.shape_cast %get3A_840 : vector<1x16xi32> to vector<16xi32>
      %mul3A_842 = arith.constant 2 : i32
      %mul3A_843 = vector.broadcast %mul3A_842 : i32 to vector<16xi32>
      %mul3A_844 = arith.muli %get3A_841, %mul3A_843 : vector<16xi32>
      %add3A_845 = arith.addi %mul3A_844, %add3A_9 : vector<16xi32>
      %swap3A_846 = arith.constant 1 : i32
      %swap3A_847 = arith.index_cast %swap3A_846 : i32 to index
      %swap3A_848 = arith.constant 0 : index
      %swap3A_849 = tpu.vector_load %arg6[%swap3A_847, %swap3A_848] {strides = array<i32>} : memref<5x128xi32, #tpu.memory_space<vmem>>, vector<1x16xi32>,
      %swap3A_850 = vector.shape_cast %swap3A_849 : vector<1x16xi32> to vector<16xi32>
      %swap3A_851 = vector.shape_cast %add3A_845 : vector<16xi32> to vector<1x16xi32>
      tpu.vector_store %arg6[%swap3A_847, %swap3A_848], %swap3A_851 {strides = array<i32>} : memref<5x128xi32, #tpu.memory_space<vmem>>, vector<1x16xi32>,
      %get3A_852 = arith.constant 1 : i32
      %get3A_853 = arith.index_cast %get3A_852 : i32 to index
      %get3A_854 = arith.constant 16 : index
      %get3A_855 = tpu.vector_load %arg6[%get3A_853, %get3A_854] {strides = array<i32>} : memref<5x128xi32, #tpu.memory_space<vmem>>, vector<1x16xi32>,
      %get3A_856 = vector.shape_cast %get3A_855 : vector<1x16xi32> to vector<16xi32>
      %mul3A_857 = arith.constant 2 : i32
      %mul3A_858 = vector.broadcast %mul3A_857 : i32 to vector<16xi32>
      %mul3A_859 = arith.muli %get3A_856, %mul3A_858 : vector<16xi32>
      %add3A_860 = arith.addi %mul3A_859, %add3A_9 : vector<16xi32>
      %swap3A_861 = arith.constant 1 : i32
      %swap3A_862 = arith.index_cast %swap3A_861 : i32 to index
      %swap3A_863 = arith.constant 16 : index
      %swap3A_864 = tpu.vector_load %arg6[%swap3A_862, %swap3A_863] {strides = array<i32>} : memref<5x128xi32, #tpu.memory_space<vmem>>, vector<1x16xi32>,
      %swap3A_865 = vector.shape_cast %swap3A_864 : vector<1x16xi32> to vector<16xi32>
      %swap3A_866 = vector.shape_cast %add3A_860 : vector<16xi32> to vector<1x16xi32>
      tpu.vector_store %arg6[%swap3A_862, %swap3A_863], %swap3A_866 {strides = array<i32>} : memref<5x128xi32, #tpu.memory_space<vmem>>, vector<1x16xi32>,
      %get3A_867 = arith.constant 1 : i32
      %get3A_868 = arith.index_cast %get3A_867 : i32 to index
      %get3A_869 = arith.constant 32 : index
      %get3A_870 = tpu.vector_load %arg6[%get3A_868, %get3A_869] {strides = array<i32>} : memref<5x128xi32, #tpu.memory_space<vmem>>, vector<1x16xi32>,
      %get3A_871 = vector.shape_cast %get3A_870 : vector<1x16xi32> to vector<16xi32>
      %mul3A_872 = arith.constant 2 : i32
      %mul3A_873 = vector.broadcast %mul3A_872 : i32 to vector<16xi32>
      %mul3A_874 = arith.muli %get3A_871, %mul3A_873 : vector<16xi32>
      %add3A_875 = arith.addi %mul3A_874, %add3A_9 : vector<16xi32>
      %swap3A_876 = arith.constant 1 : i32
      %swap3A_877 = arith.index_cast %swap3A_876 : i32 to index
      %swap3A_878 = arith.constant 32 : index
      %swap3A_879 = tpu.vector_load %arg6[%swap3A_877, %swap3A_878] {strides = array<i32>} : memref<5x128xi32, #tpu.memory_space<vmem>>, vector<1x16xi32>,
      %swap3A_880 = vector.shape_cast %swap3A_879 : vector<1x16xi32> to vector<16xi32>
      %swap3A_881 = vector.shape_cast %add3A_875 : vector<16xi32> to vector<1x16xi32>
      tpu.vector_store %arg6[%swap3A_877, %swap3A_878], %swap3A_881 {strides = array<i32>} : memref<5x128xi32, #tpu.memory_space<vmem>>, vector<1x16xi32>,
      %get3A_882 = arith.constant 1 : i32
      %get3A_883 = arith.index_cast %get3A_882 : i32 to index
      %get3A_884 = arith.constant 48 : index
      %get3A_885 = tpu.vector_load %arg6[%get3A_883, %get3A_884] {strides = array<i32>} : memref<5x128xi32, #tpu.memory_space<vmem>>, vector<1x16xi32>,
      %get3A_886 = vector.shape_cast %get3A_885 : vector<1x16xi32> to vector<16xi32>
      %mul3A_887 = arith.constant 2 : i32
      %mul3A_888 = vector.broadcast %mul3A_887 : i32 to vector<16xi32>
      %mul3A_889 = arith.muli %get3A_886, %mul3A_888 : vector<16xi32>
      %add3A_890 = arith.addi %mul3A_889, %add3A_9 : vector<16xi32>
      %swap3A_891 = arith.constant 1 : i32
      %swap3A_892 = arith.index_cast %swap3A_891 : i32 to index
      %swap3A_893 = arith.constant 48 : index
      %swap3A_894 = tpu.vector_load %arg6[%swap3A_892, %swap3A_893] {strides = array<i32>} : memref<5x128xi32, #tpu.memory_space<vmem>>, vector<1x16xi32>,
      %swap3A_895 = vector.shape_cast %swap3A_894 : vector<1x16xi32> to vector<16xi32>
      %swap3A_896 = vector.shape_cast %add3A_890 : vector<16xi32> to vector<1x16xi32>
      tpu.vector_store %arg6[%swap3A_892, %swap3A_893], %swap3A_896 {strides = array<i32>} : memref<5x128xi32, #tpu.memory_space<vmem>>, vector<1x16xi32>,
      %get3A_897 = arith.constant 1 : i32
      %get3A_898 = arith.index_cast %get3A_897 : i32 to index
      %get3A_899 = arith.constant 64 : index
      %get3A_900 = tpu.vector_load %arg6[%get3A_898, %get3A_899] {strides = array<i32>} : memref<5x128xi32, #tpu.memory_space<vmem>>, vector<1x16xi32>,
      %get3A_901 = vector.shape_cast %get3A_900 : vector<1x16xi32> to vector<16xi32>
      %mul3A_902 = arith.constant 2 : i32
      %mul3A_903 = vector.broadcast %mul3A_902 : i32 to vector<16xi32>
      %mul3A_904 = arith.muli %get3A_901, %mul3A_903 : vector<16xi32>
      %add3A_905 = arith.addi %mul3A_904, %add3A_9 : vector<16xi32>
      %swap3A_906 = arith.constant 1 : i32
      %swap3A_907 = arith.index_cast %swap3A_906 : i32 to index
      %swap3A_908 = arith.constant 64 : index
      %swap3A_909 = tpu.vector_load %arg6[%swap3A_907, %swap3A_908] {strides = array<i32>} : memref<5x128xi32, #tpu.memory_space<vmem>>, vector<1x16xi32>,
      %swap3A_910 = vector.shape_cast %swap3A_909 : vector<1x16xi32> to vector<16xi32>
      %swap3A_911 = vector.shape_cast %add3A_905 : vector<16xi32> to vector<1x16xi32>
      tpu.vector_store %arg6[%swap3A_907, %swap3A_908], %swap3A_911 {strides = array<i32>} : memref<5x128xi32, #tpu.memory_space<vmem>>, vector<1x16xi32>,
      %get3A_912 = arith.constant 1 : i32
      %get3A_913 = arith.index_cast %get3A_912 : i32 to index
      %get3A_914 = arith.constant 80 : index
      %get3A_915 = tpu.vector_load %arg6[%get3A_913, %get3A_914] {strides = array<i32>} : memref<5x128xi32, #tpu.memory_space<vmem>>, vector<1x16xi32>,
      %get3A_916 = vector.shape_cast %get3A_915 : vector<1x16xi32> to vector<16xi32>
      %mul3A_917 = arith.constant 2 : i32
      %mul3A_918 = vector.broadcast %mul3A_917 : i32 to vector<16xi32>
      %mul3A_919 = arith.muli %get3A_916, %mul3A_918 : vector<16xi32>
      %add3A_920 = arith.addi %mul3A_919, %add3A_9 : vector<16xi32>
      %swap3A_921 = arith.constant 1 : i32
      %swap3A_922 = arith.index_cast %swap3A_921 : i32 to index
      %swap3A_923 = arith.constant 80 : index
      %swap3A_924 = tpu.vector_load %arg6[%swap3A_922, %swap3A_923] {strides = array<i32>} : memref<5x128xi32, #tpu.memory_space<vmem>>, vector<1x16xi32>,
      %swap3A_925 = vector.shape_cast %swap3A_924 : vector<1x16xi32> to vector<16xi32>
      %swap3A_926 = vector.shape_cast %add3A_920 : vector<16xi32> to vector<1x16xi32>
      tpu.vector_store %arg6[%swap3A_922, %swap3A_923], %swap3A_926 {strides = array<i32>} : memref<5x128xi32, #tpu.memory_space<vmem>>, vector<1x16xi32>,
      %get3A_927 = arith.constant 1 : i32
      %get3A_928 = arith.index_cast %get3A_927 : i32 to index
      %get3A_929 = arith.constant 96 : index
      %get3A_930 = tpu.vector_load %arg6[%get3A_928, %get3A_929] {strides = array<i32>} : memref<5x128xi32, #tpu.memory_space<vmem>>, vector<1x16xi32>,
      %get3A_931 = vector.shape_cast %get3A_930 : vector<1x16xi32> to vector<16xi32>
      %mul3A_932 = arith.constant 2 : i32
      %mul3A_933 = vector.broadcast %mul3A_932 : i32 to vector<16xi32>
      %mul3A_934 = arith.muli %get3A_931, %mul3A_933 : vector<16xi32>
      %add3A_935 = arith.addi %mul3A_934, %add3A_9 : vector<16xi32>
      %swap3A_936 = arith.constant 1 : i32
      %swap3A_937 = arith.index_cast %swap3A_936 : i32 to index
      %swap3A_938 = arith.constant 96 : index
      %swap3A_939 = tpu.vector_load %arg6[%swap3A_937, %swap3A_938] {strides = array<i32>} : memref<5x128xi32, #tpu.memory_space<vmem>>, vector<1x16xi32>,
      %swap3A_940 = vector.shape_cast %swap3A_939 : vector<1x16xi32> to vector<16xi32>
      %swap3A_941 = vector.shape_cast %add3A_935 : vector<16xi32> to vector<1x16xi32>
      tpu.vector_store %arg6[%swap3A_937, %swap3A_938], %swap3A_941 {strides = array<i32>} : memref<5x128xi32, #tpu.memory_space<vmem>>, vector<1x16xi32>,
      %get3A_942 = arith.constant 1 : i32
      %get3A_943 = arith.index_cast %get3A_942 : i32 to index
      %get3A_944 = arith.constant 112 : index
      %get3A_945 = tpu.vector_load %arg6[%get3A_943, %get3A_944] {strides = array<i32>} : memref<5x128xi32, #tpu.memory_space<vmem>>, vector<1x16xi32>,
      %get3A_946 = vector.shape_cast %get3A_945 : vector<1x16xi32> to vector<16xi32>
      %mul3A_947 = arith.constant 2 : i32
      %mul3A_948 = vector.broadcast %mul3A_947 : i32 to vector<16xi32>
      %mul3A_949 = arith.muli %get3A_946, %mul3A_948 : vector<16xi32>
      %add3A_950 = arith.addi %mul3A_949, %add3A_9 : vector<16xi32>
      %swap3A_951 = arith.constant 1 : i32
      %swap3A_952 = arith.index_cast %swap3A_951 : i32 to index
      %swap3A_953 = arith.constant 112 : index
      %swap3A_954 = tpu.vector_load %arg6[%swap3A_952, %swap3A_953] {strides = array<i32>} : memref<5x128xi32, #tpu.memory_space<vmem>>, vector<1x16xi32>,
      %swap3A_955 = vector.shape_cast %swap3A_954 : vector<1x16xi32> to vector<16xi32>
      %swap3A_956 = vector.shape_cast %add3A_950 : vector<16xi32> to vector<1x16xi32>
      tpu.vector_store %arg6[%swap3A_952, %swap3A_953], %swap3A_956 {strides = array<i32>} : memref<5x128xi32, #tpu.memory_space<vmem>>, vector<1x16xi32>,
      %get3A_957 = arith.constant 2 : i32
      %get3A_958 = arith.index_cast %get3A_957 : i32 to index
      %get3A_959 = arith.constant 0 : index
      %get3A_960 = tpu.vector_load %arg6[%get3A_958, %get3A_959] {strides = array<i32>} : memref<5x128xi32, #tpu.memory_space<vmem>>, vector<1x16xi32>,
      %get3A_961 = vector.shape_cast %get3A_960 : vector<1x16xi32> to vector<16xi32>
      %mul3A_962 = arith.constant 2 : i32
      %mul3A_963 = vector.broadcast %mul3A_962 : i32 to vector<16xi32>
      %mul3A_964 = arith.muli %get3A_961, %mul3A_963 : vector<16xi32>
      %add3A_965 = arith.addi %mul3A_964, %add3A_9 : vector<16xi32>
      %swap3A_966 = arith.constant 2 : i32
      %swap3A_967 = arith.index_cast %swap3A_966 : i32 to index
      %swap3A_968 = arith.constant 0 : index
      %swap3A_969 = tpu.vector_load %arg6[%swap3A_967, %swap3A_968] {strides = array<i32>} : memref<5x128xi32, #tpu.memory_space<vmem>>, vector<1x16xi32>,
      %swap3A_970 = vector.shape_cast %swap3A_969 : vector<1x16xi32> to vector<16xi32>
      %swap3A_971 = vector.shape_cast %add3A_965 : vector<16xi32> to vector<1x16xi32>
      tpu.vector_store %arg6[%swap3A_967, %swap3A_968], %swap3A_971 {strides = array<i32>} : memref<5x128xi32, #tpu.memory_space<vmem>>, vector<1x16xi32>,
      %get3A_972 = arith.constant 2 : i32
      %get3A_973 = arith.index_cast %get3A_972 : i32 to index
      %get3A_974 = arith.constant 16 : index
      %get3A_975 = tpu.vector_load %arg6[%get3A_973, %get3A_974] {strides = array<i32>} : memref<5x128xi32, #tpu.memory_space<vmem>>, vector<1x16xi32>,
      %get3A_976 = vector.shape_cast %get3A_975 : vector<1x16xi32> to vector<16xi32>
      %mul3A_977 = arith.constant 2 : i32
      %mul3A_978 = vector.broadcast %mul3A_977 : i32 to vector<16xi32>
      %mul3A_979 = arith.muli %get3A_976, %mul3A_978 : vector<16xi32>
      %add3A_980 = arith.addi %mul3A_979, %add3A_9 : vector<16xi32>
      %swap3A_981 = arith.constant 2 : i32
      %swap3A_982 = arith.index_cast %swap3A_981 : i32 to index
      %swap3A_983 = arith.constant 16 : index
      %swap3A_984 = tpu.vector_load %arg6[%swap3A_982, %swap3A_983] {strides = array<i32>} : memref<5x128xi32, #tpu.memory_space<vmem>>, vector<1x16xi32>,
      %swap3A_985 = vector.shape_cast %swap3A_984 : vector<1x16xi32> to vector<16xi32>
      %swap3A_986 = vector.shape_cast %add3A_980 : vector<16xi32> to vector<1x16xi32>
      tpu.vector_store %arg6[%swap3A_982, %swap3A_983], %swap3A_986 {strides = array<i32>} : memref<5x128xi32, #tpu.memory_space<vmem>>, vector<1x16xi32>,
      %get3A_987 = arith.constant 2 : i32
      %get3A_988 = arith.index_cast %get3A_987 : i32 to index
      %get3A_989 = arith.constant 32 : index
      %get3A_990 = tpu.vector_load %arg6[%get3A_988, %get3A_989] {strides = array<i32>} : memref<5x128xi32, #tpu.memory_space<vmem>>, vector<1x16xi32>,
      %get3A_991 = vector.shape_cast %get3A_990 : vector<1x16xi32> to vector<16xi32>
      %mul3A_992 = arith.constant 2 : i32
      %mul3A_993 = vector.broadcast %mul3A_992 : i32 to vector<16xi32>
      %mul3A_994 = arith.muli %get3A_991, %mul3A_993 : vector<16xi32>
      %add3A_995 = arith.addi %mul3A_994, %add3A_9 : vector<16xi32>
      %swap3A_996 = arith.constant 2 : i32
      %swap3A_997 = arith.index_cast %swap3A_996 : i32 to index
      %swap3A_998 = arith.constant 32 : index
      %swap3A_999 = tpu.vector_load %arg6[%swap3A_997, %swap3A_998] {strides = array<i32>} : memref<5x128xi32, #tpu.memory_space<vmem>>, vector<1x16xi32>,
      %swap3A_1000 = vector.shape_cast %swap3A_999 : vector<1x16xi32> to vector<16xi32>
      %swap3A_1001 = vector.shape_cast %add3A_995 : vector<16xi32> to vector<1x16xi32>
      tpu.vector_store %arg6[%swap3A_997, %swap3A_998], %swap3A_1001 {strides = array<i32>} : memref<5x128xi32, #tpu.memory_space<vmem>>, vector<1x16xi32>,
      %get3A_1002 = arith.constant 2 : i32
      %get3A_1003 = arith.index_cast %get3A_1002 : i32 to index
      %get3A_1004 = arith.constant 48 : index
      %get3A_1005 = tpu.vector_load %arg6[%get3A_1003, %get3A_1004] {strides = array<i32>} : memref<5x128xi32, #tpu.memory_space<vmem>>, vector<1x16xi32>,
      %get3A_1006 = vector.shape_cast %get3A_1005 : vector<1x16xi32> to vector<16xi32>
      %mul3A_1007 = arith.constant 2 : i32
      %mul3A_1008 = vector.broadcast %mul3A_1007 : i32 to vector<16xi32>
      %mul3A_1009 = arith.muli %get3A_1006, %mul3A_1008 : vector<16xi32>
      %add3A_1010 = arith.addi %mul3A_1009, %add3A_9 : vector<16xi32>
      %swap3A_1011 = arith.constant 2 : i32
      %swap3A_1012 = arith.index_cast %swap3A_1011 : i32 to index
      %swap3A_1013 = arith.constant 48 : index
      %swap3A_1014 = tpu.vector_load %arg6[%swap3A_1012, %swap3A_1013] {strides = array<i32>} : memref<5x128xi32, #tpu.memory_space<vmem>>, vector<1x16xi32>,
      %swap3A_1015 = vector.shape_cast %swap3A_1014 : vector<1x16xi32> to vector<16xi32>
      %swap3A_1016 = vector.shape_cast %add3A_1010 : vector<16xi32> to vector<1x16xi32>
      tpu.vector_store %arg6[%swap3A_1012, %swap3A_1013], %swap3A_1016 {strides = array<i32>} : memref<5x128xi32, #tpu.memory_space<vmem>>, vector<1x16xi32>,
      %get3A_1017 = arith.constant 2 : i32
      %get3A_1018 = arith.index_cast %get3A_1017 : i32 to index
      %get3A_1019 = arith.constant 64 : index
      %get3A_1020 = tpu.vector_load %arg6[%get3A_1018, %get3A_1019] {strides = array<i32>} : memref<5x128xi32, #tpu.memory_space<vmem>>, vector<1x16xi32>,
      %get3A_1021 = vector.shape_cast %get3A_1020 : vector<1x16xi32> to vector<16xi32>
      %mul3A_1022 = arith.constant 2 : i32
      %mul3A_1023 = vector.broadcast %mul3A_1022 : i32 to vector<16xi32>
      %mul3A_1024 = arith.muli %get3A_1021, %mul3A_1023 : vector<16xi32>
      %add3A_1025 = arith.addi %mul3A_1024, %add3A_9 : vector<16xi32>
      %swap3A_1026 = arith.constant 2 : i32
      %swap3A_1027 = arith.index_cast %swap3A_1026 : i32 to index
      %swap3A_1028 = arith.constant 64 : index
      %swap3A_1029 = tpu.vector_load %arg6[%swap3A_1027, %swap3A_1028] {strides = array<i32>} : memref<5x128xi32, #tpu.memory_space<vmem>>, vector<1x16xi32>,
      %swap3A_1030 = vector.shape_cast %swap3A_1029 : vector<1x16xi32> to vector<16xi32>
      %swap3A_1031 = vector.shape_cast %add3A_1025 : vector<16xi32> to vector<1x16xi32>
      tpu.vector_store %arg6[%swap3A_1027, %swap3A_1028], %swap3A_1031 {strides = array<i32>} : memref<5x128xi32, #tpu.memory_space<vmem>>, vector<1x16xi32>,
      %get3A_1032 = arith.constant 2 : i32
      %get3A_1033 = arith.index_cast %get3A_1032 : i32 to index
      %get3A_1034 = arith.constant 80 : index
      %get3A_1035 = tpu.vector_load %arg6[%get3A_1033, %get3A_1034] {strides = array<i32>} : memref<5x128xi32, #tpu.memory_space<vmem>>, vector<1x16xi32>,
      %get3A_1036 = vector.shape_cast %get3A_1035 : vector<1x16xi32> to vector<16xi32>
      %mul3A_1037 = arith.constant 2 : i32
      %mul3A_1038 = vector.broadcast %mul3A_1037 : i32 to vector<16xi32>
      %mul3A_1039 = arith.muli %get3A_1036, %mul3A_1038 : vector<16xi32>
      %add3A_1040 = arith.addi %mul3A_1039, %add3A_9 : vector<16xi32>
      %swap3A_1041 = arith.constant 2 : i32
      %swap3A_1042 = arith.index_cast %swap3A_1041 : i32 to index
      %swap3A_1043 = arith.constant 80 : index
      %swap3A_1044 = tpu.vector_load %arg6[%swap3A_1042, %swap3A_1043] {strides = array<i32>} : memref<5x128xi32, #tpu.memory_space<vmem>>, vector<1x16xi32>,
      %swap3A_1045 = vector.shape_cast %swap3A_1044 : vector<1x16xi32> to vector<16xi32>
      %swap3A_1046 = vector.shape_cast %add3A_1040 : vector<16xi32> to vector<1x16xi32>
      tpu.vector_store %arg6[%swap3A_1042, %swap3A_1043], %swap3A_1046 {strides = array<i32>} : memref<5x128xi32, #tpu.memory_space<vmem>>, vector<1x16xi32>,
      %get3A_1047 = arith.constant 2 : i32
      %get3A_1048 = arith.index_cast %get3A_1047 : i32 to index
      %get3A_1049 = arith.constant 96 : index
      %get3A_1050 = tpu.vector_load %arg6[%get3A_1048, %get3A_1049] {strides = array<i32>} : memref<5x128xi32, #tpu.memory_space<vmem>>, vector<1x16xi32>,
      %get3A_1051 = vector.shape_cast %get3A_1050 : vector<1x16xi32> to vector<16xi32>
      %mul3A_1052 = arith.constant 2 : i32
      %mul3A_1053 = vector.broadcast %mul3A_1052 : i32 to vector<16xi32>
      %mul3A_1054 = arith.muli %get3A_1051, %mul3A_1053 : vector<16xi32>
      %add3A_1055 = arith.addi %mul3A_1054, %add3A_9 : vector<16xi32>
      %swap3A_1056 = arith.constant 2 : i32
      %swap3A_1057 = arith.index_cast %swap3A_1056 : i32 to index
      %swap3A_1058 = arith.constant 96 : index
      %swap3A_1059 = tpu.vector_load %arg6[%swap3A_1057, %swap3A_1058] {strides = array<i32>} : memref<5x128xi32, #tpu.memory_space<vmem>>, vector<1x16xi32>,
      %swap3A_1060 = vector.shape_cast %swap3A_1059 : vector<1x16xi32> to vector<16xi32>
      %swap3A_1061 = vector.shape_cast %add3A_1055 : vector<16xi32> to vector<1x16xi32>
      tpu.vector_store %arg6[%swap3A_1057, %swap3A_1058], %swap3A_1061 {strides = array<i32>} : memref<5x128xi32, #tpu.memory_space<vmem>>, vector<1x16xi32>,
      %get3A_1062 = arith.constant 2 : i32
      %get3A_1063 = arith.index_cast %get3A_1062 : i32 to index
      %get3A_1064 = arith.constant 112 : index
      %get3A_1065 = tpu.vector_load %arg6[%get3A_1063, %get3A_1064] {strides = array<i32>} : memref<5x128xi32, #tpu.memory_space<vmem>>, vector<1x16xi32>,
      %get3A_1066 = vector.shape_cast %get3A_1065 : vector<1x16xi32> to vector<16xi32>
      %mul3A_1067 = arith.constant 2 : i32
      %mul3A_1068 = vector.broadcast %mul3A_1067 : i32 to vector<16xi32>
      %mul3A_1069 = arith.muli %get3A_1066, %mul3A_1068 : vector<16xi32>
      %add3A_1070 = arith.addi %mul3A_1069, %add3A_9 : vector<16xi32>
      %swap3A_1071 = arith.constant 2 : i32
      %swap3A_1072 = arith.index_cast %swap3A_1071 : i32 to index
      %swap3A_1073 = arith.constant 112 : index
      %swap3A_1074 = tpu.vector_load %arg6[%swap3A_1072, %swap3A_1073] {strides = array<i32>} : memref<5x128xi32, #tpu.memory_space<vmem>>, vector<1x16xi32>,
      %swap3A_1075 = vector.shape_cast %swap3A_1074 : vector<1x16xi32> to vector<16xi32>
      %swap3A_1076 = vector.shape_cast %add3A_1070 : vector<16xi32> to vector<1x16xi32>
      tpu.vector_store %arg6[%swap3A_1072, %swap3A_1073], %swap3A_1076 {strides = array<i32>} : memref<5x128xi32, #tpu.memory_space<vmem>>, vector<1x16xi32>,
      %get3A_1077 = arith.constant 3 : i32
      %get3A_1078 = arith.index_cast %get3A_1077 : i32 to index
      %get3A_1079 = arith.constant 0 : index
      %get3A_1080 = tpu.vector_load %arg6[%get3A_1078, %get3A_1079] {strides = array<i32>} : memref<5x128xi32, #tpu.memory_space<vmem>>, vector<1x16xi32>,
      %get3A_1081 = vector.shape_cast %get3A_1080 : vector<1x16xi32> to vector<16xi32>
      %mul3A_1082 = arith.constant 2 : i32
      %mul3A_1083 = vector.broadcast %mul3A_1082 : i32 to vector<16xi32>
      %mul3A_1084 = arith.muli %get3A_1081, %mul3A_1083 : vector<16xi32>
      %add3A_1085 = arith.addi %mul3A_1084, %add3A_9 : vector<16xi32>
      %swap3A_1086 = arith.constant 3 : i32
      %swap3A_1087 = arith.index_cast %swap3A_1086 : i32 to index
      %swap3A_1088 = arith.constant 0 : index
      %swap3A_1089 = tpu.vector_load %arg6[%swap3A_1087, %swap3A_1088] {strides = array<i32>} : memref<5x128xi32, #tpu.memory_space<vmem>>, vector<1x16xi32>,
      %swap3A_1090 = vector.shape_cast %swap3A_1089 : vector<1x16xi32> to vector<16xi32>
      %swap3A_1091 = vector.shape_cast %add3A_1085 : vector<16xi32> to vector<1x16xi32>
      tpu.vector_store %arg6[%swap3A_1087, %swap3A_1088], %swap3A_1091 {strides = array<i32>} : memref<5x128xi32, #tpu.memory_space<vmem>>, vector<1x16xi32>,
      %get3A_1092 = arith.constant 3 : i32
      %get3A_1093 = arith.index_cast %get3A_1092 : i32 to index
      %get3A_1094 = arith.constant 16 : index
      %get3A_1095 = tpu.vector_load %arg6[%get3A_1093, %get3A_1094] {strides = array<i32>} : memref<5x128xi32, #tpu.memory_space<vmem>>, vector<1x16xi32>,
      %get3A_1096 = vector.shape_cast %get3A_1095 : vector<1x16xi32> to vector<16xi32>
      %mul3A_1097 = arith.constant 2 : i32
      %mul3A_1098 = vector.broadcast %mul3A_1097 : i32 to vector<16xi32>
      %mul3A_1099 = arith.muli %get3A_1096, %mul3A_1098 : vector<16xi32>
      %add3A_1100 = arith.addi %mul3A_1099, %add3A_9 : vector<16xi32>
      %swap3A_1101 = arith.constant 3 : i32
      %swap3A_1102 = arith.index_cast %swap3A_1101 : i32 to index
      %swap3A_1103 = arith.constant 16 : index
      %swap3A_1104 = tpu.vector_load %arg6[%swap3A_1102, %swap3A_1103] {strides = array<i32>} : memref<5x128xi32, #tpu.memory_space<vmem>>, vector<1x16xi32>,
      %swap3A_1105 = vector.shape_cast %swap3A_1104 : vector<1x16xi32> to vector<16xi32>
      %swap3A_1106 = vector.shape_cast %add3A_1100 : vector<16xi32> to vector<1x16xi32>
      tpu.vector_store %arg6[%swap3A_1102, %swap3A_1103], %swap3A_1106 {strides = array<i32>} : memref<5x128xi32, #tpu.memory_space<vmem>>, vector<1x16xi32>,
      %get3A_1107 = arith.constant 3 : i32
      %get3A_1108 = arith.index_cast %get3A_1107 : i32 to index
      %get3A_1109 = arith.constant 32 : index
      %get3A_1110 = tpu.vector_load %arg6[%get3A_1108, %get3A_1109] {strides = array<i32>} : memref<5x128xi32, #tpu.memory_space<vmem>>, vector<1x16xi32>,
      %get3A_1111 = vector.shape_cast %get3A_1110 : vector<1x16xi32> to vector<16xi32>
      %mul3A_1112 = arith.constant 2 : i32
      %mul3A_1113 = vector.broadcast %mul3A_1112 : i32 to vector<16xi32>
      %mul3A_1114 = arith.muli %get3A_1111, %mul3A_1113 : vector<16xi32>
      %add3A_1115 = arith.addi %mul3A_1114, %add3A_9 : vector<16xi32>
      %swap3A_1116 = arith.constant 3 : i32
      %swap3A_1117 = arith.index_cast %swap3A_1116 : i32 to index
      %swap3A_1118 = arith.constant 32 : index
      %swap3A_1119 = tpu.vector_load %arg6[%swap3A_1117, %swap3A_1118] {strides = array<i32>} : memref<5x128xi32, #tpu.memory_space<vmem>>, vector<1x16xi32>,
      %swap3A_1120 = vector.shape_cast %swap3A_1119 : vector<1x16xi32> to vector<16xi32>
      %swap3A_1121 = vector.shape_cast %add3A_1115 : vector<16xi32> to vector<1x16xi32>
      tpu.vector_store %arg6[%swap3A_1117, %swap3A_1118], %swap3A_1121 {strides = array<i32>} : memref<5x128xi32, #tpu.memory_space<vmem>>, vector<1x16xi32>,
      %get3A_1122 = arith.constant 3 : i32
      %get3A_1123 = arith.index_cast %get3A_1122 : i32 to index
      %get3A_1124 = arith.constant 48 : index
      %get3A_1125 = tpu.vector_load %arg6[%get3A_1123, %get3A_1124] {strides = array<i32>} : memref<5x128xi32, #tpu.memory_space<vmem>>, vector<1x16xi32>,
      %get3A_1126 = vector.shape_cast %get3A_1125 : vector<1x16xi32> to vector<16xi32>
      %mul3A_1127 = arith.constant 2 : i32
      %mul3A_1128 = vector.broadcast %mul3A_1127 : i32 to vector<16xi32>
      %mul3A_1129 = arith.muli %get3A_1126, %mul3A_1128 : vector<16xi32>
      %add3A_1130 = arith.addi %mul3A_1129, %add3A_9 : vector<16xi32>
      %swap3A_1131 = arith.constant 3 : i32
      %swap3A_1132 = arith.index_cast %swap3A_1131 : i32 to index
      %swap3A_1133 = arith.constant 48 : index
      %swap3A_1134 = tpu.vector_load %arg6[%swap3A_1132, %swap3A_1133] {strides = array<i32>} : memref<5x128xi32, #tpu.memory_space<vmem>>, vector<1x16xi32>,
      %swap3A_1135 = vector.shape_cast %swap3A_1134 : vector<1x16xi32> to vector<16xi32>
      %swap3A_1136 = vector.shape_cast %add3A_1130 : vector<16xi32> to vector<1x16xi32>
      tpu.vector_store %arg6[%swap3A_1132, %swap3A_1133], %swap3A_1136 {strides = array<i32>} : memref<5x128xi32, #tpu.memory_space<vmem>>, vector<1x16xi32>,
      %get3A_1137 = arith.constant 3 : i32
      %get3A_1138 = arith.index_cast %get3A_1137 : i32 to index
      %get3A_1139 = arith.constant 64 : index
      %get3A_1140 = tpu.vector_load %arg6[%get3A_1138, %get3A_1139] {strides = array<i32>} : memref<5x128xi32, #tpu.memory_space<vmem>>, vector<1x16xi32>,
      %get3A_1141 = vector.shape_cast %get3A_1140 : vector<1x16xi32> to vector<16xi32>
      %mul3A_1142 = arith.constant 2 : i32
      %mul3A_1143 = vector.broadcast %mul3A_1142 : i32 to vector<16xi32>
      %mul3A_1144 = arith.muli %get3A_1141, %mul3A_1143 : vector<16xi32>
      %add3A_1145 = arith.addi %mul3A_1144, %add3A_9 : vector<16xi32>
      %swap3A_1146 = arith.constant 3 : i32
      %swap3A_1147 = arith.index_cast %swap3A_1146 : i32 to index
      %swap3A_1148 = arith.constant 64 : index
      %swap3A_1149 = tpu.vector_load %arg6[%swap3A_1147, %swap3A_1148] {strides = array<i32>} : memref<5x128xi32, #tpu.memory_space<vmem>>, vector<1x16xi32>,
      %swap3A_1150 = vector.shape_cast %swap3A_1149 : vector<1x16xi32> to vector<16xi32>
      %swap3A_1151 = vector.shape_cast %add3A_1145 : vector<16xi32> to vector<1x16xi32>
      tpu.vector_store %arg6[%swap3A_1147, %swap3A_1148], %swap3A_1151 {strides = array<i32>} : memref<5x128xi32, #tpu.memory_space<vmem>>, vector<1x16xi32>,
      %get3A_1152 = arith.constant 3 : i32
      %get3A_1153 = arith.index_cast %get3A_1152 : i32 to index
      %get3A_1154 = arith.constant 80 : index
      %get3A_1155 = tpu.vector_load %arg6[%get3A_1153, %get3A_1154] {strides = array<i32>} : memref<5x128xi32, #tpu.memory_space<vmem>>, vector<1x16xi32>,
      %get3A_1156 = vector.shape_cast %get3A_1155 : vector<1x16xi32> to vector<16xi32>
      %mul3A_1157 = arith.constant 2 : i32
      %mul3A_1158 = vector.broadcast %mul3A_1157 : i32 to vector<16xi32>
      %mul3A_1159 = arith.muli %get3A_1156, %mul3A_1158 : vector<16xi32>
      %add3A_1160 = arith.addi %mul3A_1159, %add3A_9 : vector<16xi32>
      %swap3A_1161 = arith.constant 3 : i32
      %swap3A_1162 = arith.index_cast %swap3A_1161 : i32 to index
      %swap3A_1163 = arith.constant 80 : index
      %swap3A_1164 = tpu.vector_load %arg6[%swap3A_1162, %swap3A_1163] {strides = array<i32>} : memref<5x128xi32, #tpu.memory_space<vmem>>, vector<1x16xi32>,
      %swap3A_1165 = vector.shape_cast %swap3A_1164 : vector<1x16xi32> to vector<16xi32>
      %swap3A_1166 = vector.shape_cast %add3A_1160 : vector<16xi32> to vector<1x16xi32>
      tpu.vector_store %arg6[%swap3A_1162, %swap3A_1163], %swap3A_1166 {strides = array<i32>} : memref<5x128xi32, #tpu.memory_space<vmem>>, vector<1x16xi32>,
      %get3A_1167 = arith.constant 3 : i32
      %get3A_1168 = arith.index_cast %get3A_1167 : i32 to index
      %get3A_1169 = arith.constant 96 : index
      %get3A_1170 = tpu.vector_load %arg6[%get3A_1168, %get3A_1169] {strides = array<i32>} : memref<5x128xi32, #tpu.memory_space<vmem>>, vector<1x16xi32>,
      %get3A_1171 = vector.shape_cast %get3A_1170 : vector<1x16xi32> to vector<16xi32>
      %mul3A_1172 = arith.constant 2 : i32
      %mul3A_1173 = vector.broadcast %mul3A_1172 : i32 to vector<16xi32>
      %mul3A_1174 = arith.muli %get3A_1171, %mul3A_1173 : vector<16xi32>
      %add3A_1175 = arith.addi %mul3A_1174, %add3A_9 : vector<16xi32>
      %swap3A_1176 = arith.constant 3 : i32
      %swap3A_1177 = arith.index_cast %swap3A_1176 : i32 to index
      %swap3A_1178 = arith.constant 96 : index
      %swap3A_1179 = tpu.vector_load %arg6[%swap3A_1177, %swap3A_1178] {strides = array<i32>} : memref<5x128xi32, #tpu.memory_space<vmem>>, vector<1x16xi32>,
      %swap3A_1180 = vector.shape_cast %swap3A_1179 : vector<1x16xi32> to vector<16xi32>
      %swap3A_1181 = vector.shape_cast %add3A_1175 : vector<16xi32> to vector<1x16xi32>
      tpu.vector_store %arg6[%swap3A_1177, %swap3A_1178], %swap3A_1181 {strides = array<i32>} : memref<5x128xi32, #tpu.memory_space<vmem>>, vector<1x16xi32>,
      %get3A_1182 = arith.constant 3 : i32
      %get3A_1183 = arith.index_cast %get3A_1182 : i32 to index
      %get3A_1184 = arith.constant 112 : index
      %get3A_1185 = tpu.vector_load %arg6[%get3A_1183, %get3A_1184] {strides = array<i32>} : memref<5x128xi32, #tpu.memory_space<vmem>>, vector<1x16xi32>,
      %get3A_1186 = vector.shape_cast %get3A_1185 : vector<1x16xi32> to vector<16xi32>
      %mul3A_1187 = arith.constant 2 : i32
      %mul3A_1188 = vector.broadcast %mul3A_1187 : i32 to vector<16xi32>
      %mul3A_1189 = arith.muli %get3A_1186, %mul3A_1188 : vector<16xi32>
      %add3A_1190 = arith.addi %mul3A_1189, %add3A_9 : vector<16xi32>
      %swap3A_1191 = arith.constant 3 : i32
      %swap3A_1192 = arith.index_cast %swap3A_1191 : i32 to index
      %swap3A_1193 = arith.constant 112 : index
      %swap3A_1194 = tpu.vector_load %arg6[%swap3A_1192, %swap3A_1193] {strides = array<i32>} : memref<5x128xi32, #tpu.memory_space<vmem>>, vector<1x16xi32>,
      %swap3A_1195 = vector.shape_cast %swap3A_1194 : vector<1x16xi32> to vector<16xi32>
      %swap3A_1196 = vector.shape_cast %add3A_1190 : vector<16xi32> to vector<1x16xi32>
      tpu.vector_store %arg6[%swap3A_1192, %swap3A_1193], %swap3A_1196 {strides = array<i32>} : memref<5x128xi32, #tpu.memory_space<vmem>>, vector<1x16xi32>,
      %get3A_1197 = arith.constant 4 : i32
      %get3A_1198 = arith.index_cast %get3A_1197 : i32 to index
      %get3A_1199 = arith.constant 0 : index
      %get3A_1200 = tpu.vector_load %arg6[%get3A_1198, %get3A_1199] {strides = array<i32>} : memref<5x128xi32, #tpu.memory_space<vmem>>, vector<1x16xi32>,
      %get3A_1201 = vector.shape_cast %get3A_1200 : vector<1x16xi32> to vector<16xi32>
      %mul3A_1202 = arith.constant 2 : i32
      %mul3A_1203 = vector.broadcast %mul3A_1202 : i32 to vector<16xi32>
      %mul3A_1204 = arith.muli %get3A_1201, %mul3A_1203 : vector<16xi32>
      %add3A_1205 = arith.addi %mul3A_1204, %add3A_9 : vector<16xi32>
      %swap3A_1206 = arith.constant 4 : i32
      %swap3A_1207 = arith.index_cast %swap3A_1206 : i32 to index
      %swap3A_1208 = arith.constant 0 : index
      %swap3A_1209 = tpu.vector_load %arg6[%swap3A_1207, %swap3A_1208] {strides = array<i32>} : memref<5x128xi32, #tpu.memory_space<vmem>>, vector<1x16xi32>,
      %swap3A_1210 = vector.shape_cast %swap3A_1209 : vector<1x16xi32> to vector<16xi32>
      %swap3A_1211 = vector.shape_cast %add3A_1205 : vector<16xi32> to vector<1x16xi32>
      tpu.vector_store %arg6[%swap3A_1207, %swap3A_1208], %swap3A_1211 {strides = array<i32>} : memref<5x128xi32, #tpu.memory_space<vmem>>, vector<1x16xi32>,
      %get3A_1212 = arith.constant 4 : i32
      %get3A_1213 = arith.index_cast %get3A_1212 : i32 to index
      %get3A_1214 = arith.constant 16 : index
      %get3A_1215 = tpu.vector_load %arg6[%get3A_1213, %get3A_1214] {strides = array<i32>} : memref<5x128xi32, #tpu.memory_space<vmem>>, vector<1x16xi32>,
      %get3A_1216 = vector.shape_cast %get3A_1215 : vector<1x16xi32> to vector<16xi32>
      %mul3A_1217 = arith.constant 2 : i32
      %mul3A_1218 = vector.broadcast %mul3A_1217 : i32 to vector<16xi32>
      %mul3A_1219 = arith.muli %get3A_1216, %mul3A_1218 : vector<16xi32>
      %add3A_1220 = arith.addi %mul3A_1219, %add3A_9 : vector<16xi32>
      %swap3A_1221 = arith.constant 4 : i32
      %swap3A_1222 = arith.index_cast %swap3A_1221 : i32 to index
      %swap3A_1223 = arith.constant 16 : index
      %swap3A_1224 = tpu.vector_load %arg6[%swap3A_1222, %swap3A_1223] {strides = array<i32>} : memref<5x128xi32, #tpu.memory_space<vmem>>, vector<1x16xi32>,
      %swap3A_1225 = vector.shape_cast %swap3A_1224 : vector<1x16xi32> to vector<16xi32>
      %swap3A_1226 = vector.shape_cast %add3A_1220 : vector<16xi32> to vector<1x16xi32>
      tpu.vector_store %arg6[%swap3A_1222, %swap3A_1223], %swap3A_1226 {strides = array<i32>} : memref<5x128xi32, #tpu.memory_space<vmem>>, vector<1x16xi32>,
      %get3A_1227 = arith.constant 4 : i32
      %get3A_1228 = arith.index_cast %get3A_1227 : i32 to index
      %get3A_1229 = arith.constant 32 : index
      %get3A_1230 = tpu.vector_load %arg6[%get3A_1228, %get3A_1229] {strides = array<i32>} : memref<5x128xi32, #tpu.memory_space<vmem>>, vector<1x16xi32>,
      %get3A_1231 = vector.shape_cast %get3A_1230 : vector<1x16xi32> to vector<16xi32>
      %mul3A_1232 = arith.constant 2 : i32
      %mul3A_1233 = vector.broadcast %mul3A_1232 : i32 to vector<16xi32>
      %mul3A_1234 = arith.muli %get3A_1231, %mul3A_1233 : vector<16xi32>
      %add3A_1235 = arith.addi %mul3A_1234, %add3A_9 : vector<16xi32>
      %swap3A_1236 = arith.constant 4 : i32
      %swap3A_1237 = arith.index_cast %swap3A_1236 : i32 to index
      %swap3A_1238 = arith.constant 32 : index
      %swap3A_1239 = tpu.vector_load %arg6[%swap3A_1237, %swap3A_1238] {strides = array<i32>} : memref<5x128xi32, #tpu.memory_space<vmem>>, vector<1x16xi32>,
      %swap3A_1240 = vector.shape_cast %swap3A_1239 : vector<1x16xi32> to vector<16xi32>
      %swap3A_1241 = vector.shape_cast %add3A_1235 : vector<16xi32> to vector<1x16xi32>
      tpu.vector_store %arg6[%swap3A_1237, %swap3A_1238], %swap3A_1241 {strides = array<i32>} : memref<5x128xi32, #tpu.memory_space<vmem>>, vector<1x16xi32>,
      %get3A_1242 = arith.constant 4 : i32
      %get3A_1243 = arith.index_cast %get3A_1242 : i32 to index
      %get3A_1244 = arith.constant 48 : index
      %get3A_1245 = tpu.vector_load %arg6[%get3A_1243, %get3A_1244] {strides = array<i32>} : memref<5x128xi32, #tpu.memory_space<vmem>>, vector<1x16xi32>,
      %get3A_1246 = vector.shape_cast %get3A_1245 : vector<1x16xi32> to vector<16xi32>
      %mul3A_1247 = arith.constant 2 : i32
      %mul3A_1248 = vector.broadcast %mul3A_1247 : i32 to vector<16xi32>
      %mul3A_1249 = arith.muli %get3A_1246, %mul3A_1248 : vector<16xi32>
      %add3A_1250 = arith.addi %mul3A_1249, %add3A_9 : vector<16xi32>
      %swap3A_1251 = arith.constant 4 : i32
      %swap3A_1252 = arith.index_cast %swap3A_1251 : i32 to index
      %swap3A_1253 = arith.constant 48 : index
      %swap3A_1254 = tpu.vector_load %arg6[%swap3A_1252, %swap3A_1253] {strides = array<i32>} : memref<5x128xi32, #tpu.memory_space<vmem>>, vector<1x16xi32>,
      %swap3A_1255 = vector.shape_cast %swap3A_1254 : vector<1x16xi32> to vector<16xi32>
      %swap3A_1256 = vector.shape_cast %add3A_1250 : vector<16xi32> to vector<1x16xi32>
      tpu.vector_store %arg6[%swap3A_1252, %swap3A_1253], %swap3A_1256 {strides = array<i32>} : memref<5x128xi32, #tpu.memory_space<vmem>>, vector<1x16xi32>,
      %get3A_1257 = arith.constant 4 : i32
      %get3A_1258 = arith.index_cast %get3A_1257 : i32 to index
      %get3A_1259 = arith.constant 64 : index
      %get3A_1260 = tpu.vector_load %arg6[%get3A_1258, %get3A_1259] {strides = array<i32>} : memref<5x128xi32, #tpu.memory_space<vmem>>, vector<1x16xi32>,
      %get3A_1261 = vector.shape_cast %get3A_1260 : vector<1x16xi32> to vector<16xi32>
      %mul3A_1262 = arith.constant 2 : i32
      %mul3A_1263 = vector.broadcast %mul3A_1262 : i32 to vector<16xi32>
      %mul3A_1264 = arith.muli %get3A_1261, %mul3A_1263 : vector<16xi32>
      %add3A_1265 = arith.addi %mul3A_1264, %add3A_9 : vector<16xi32>
      %swap3A_1266 = arith.constant 4 : i32
      %swap3A_1267 = arith.index_cast %swap3A_1266 : i32 to index
      %swap3A_1268 = arith.constant 64 : index
      %swap3A_1269 = tpu.vector_load %arg6[%swap3A_1267, %swap3A_1268] {strides = array<i32>} : memref<5x128xi32, #tpu.memory_space<vmem>>, vector<1x16xi32>,
      %swap3A_1270 = vector.shape_cast %swap3A_1269 : vector<1x16xi32> to vector<16xi32>
      %swap3A_1271 = vector.shape_cast %add3A_1265 : vector<16xi32> to vector<1x16xi32>
      tpu.vector_store %arg6[%swap3A_1267, %swap3A_1268], %swap3A_1271 {strides = array<i32>} : memref<5x128xi32, #tpu.memory_space<vmem>>, vector<1x16xi32>,
      %get3A_1272 = arith.constant 4 : i32
      %get3A_1273 = arith.index_cast %get3A_1272 : i32 to index
      %get3A_1274 = arith.constant 80 : index
      %get3A_1275 = tpu.vector_load %arg6[%get3A_1273, %get3A_1274] {strides = array<i32>} : memref<5x128xi32, #tpu.memory_space<vmem>>, vector<1x16xi32>,
      %get3A_1276 = vector.shape_cast %get3A_1275 : vector<1x16xi32> to vector<16xi32>
      %mul3A_1277 = arith.constant 2 : i32
      %mul3A_1278 = vector.broadcast %mul3A_1277 : i32 to vector<16xi32>
      %mul3A_1279 = arith.muli %get3A_1276, %mul3A_1278 : vector<16xi32>
      %add3A_1280 = arith.addi %mul3A_1279, %add3A_9 : vector<16xi32>
      %swap3A_1281 = arith.constant 4 : i32
      %swap3A_1282 = arith.index_cast %swap3A_1281 : i32 to index
      %swap3A_1283 = arith.constant 80 : index
      %swap3A_1284 = tpu.vector_load %arg6[%swap3A_1282, %swap3A_1283] {strides = array<i32>} : memref<5x128xi32, #tpu.memory_space<vmem>>, vector<1x16xi32>,
      %swap3A_1285 = vector.shape_cast %swap3A_1284 : vector<1x16xi32> to vector<16xi32>
      %swap3A_1286 = vector.shape_cast %add3A_1280 : vector<16xi32> to vector<1x16xi32>
      tpu.vector_store %arg6[%swap3A_1282, %swap3A_1283], %swap3A_1286 {strides = array<i32>} : memref<5x128xi32, #tpu.memory_space<vmem>>, vector<1x16xi32>,
      %get3A_1287 = arith.constant 4 : i32
      %get3A_1288 = arith.index_cast %get3A_1287 : i32 to index
      %get3A_1289 = arith.constant 96 : index
      %get3A_1290 = tpu.vector_load %arg6[%get3A_1288, %get3A_1289] {strides = array<i32>} : memref<5x128xi32, #tpu.memory_space<vmem>>, vector<1x16xi32>,
      %get3A_1291 = vector.shape_cast %get3A_1290 : vector<1x16xi32> to vector<16xi32>
      %mul3A_1292 = arith.constant 2 : i32
      %mul3A_1293 = vector.broadcast %mul3A_1292 : i32 to vector<16xi32>
      %mul3A_1294 = arith.muli %get3A_1291, %mul3A_1293 : vector<16xi32>
      %add3A_1295 = arith.addi %mul3A_1294, %add3A_9 : vector<16xi32>
      %swap3A_1296 = arith.constant 4 : i32
      %swap3A_1297 = arith.index_cast %swap3A_1296 : i32 to index
      %swap3A_1298 = arith.constant 96 : index
      %swap3A_1299 = tpu.vector_load %arg6[%swap3A_1297, %swap3A_1298] {strides = array<i32>} : memref<5x128xi32, #tpu.memory_space<vmem>>, vector<1x16xi32>,
      %swap3A_1300 = vector.shape_cast %swap3A_1299 : vector<1x16xi32> to vector<16xi32>
      %swap3A_1301 = vector.shape_cast %add3A_1295 : vector<16xi32> to vector<1x16xi32>
      tpu.vector_store %arg6[%swap3A_1297, %swap3A_1298], %swap3A_1301 {strides = array<i32>} : memref<5x128xi32, #tpu.memory_space<vmem>>, vector<1x16xi32>,
      %get3A_1302 = arith.constant 4 : i32
      %get3A_1303 = arith.index_cast %get3A_1302 : i32 to index
      %get3A_1304 = arith.constant 112 : index
      %get3A_1305 = tpu.vector_load %arg6[%get3A_1303, %get3A_1304] {strides = array<i32>} : memref<5x128xi32, #tpu.memory_space<vmem>>, vector<1x16xi32>,
      %get3A_1306 = vector.shape_cast %get3A_1305 : vector<1x16xi32> to vector<16xi32>
      %mul3A_1307 = arith.constant 2 : i32
      %mul3A_1308 = vector.broadcast %mul3A_1307 : i32 to vector<16xi32>
      %mul3A_1309 = arith.muli %get3A_1306, %mul3A_1308 : vector<16xi32>
      %add3A_1310 = arith.addi %mul3A_1309, %add3A_9 : vector<16xi32>
      %swap3A_1311 = arith.constant 4 : i32
      %swap3A_1312 = arith.index_cast %swap3A_1311 : i32 to index
      %swap3A_1313 = arith.constant 112 : index
      %swap3A_1314 = tpu.vector_load %arg6[%swap3A_1312, %swap3A_1313] {strides = array<i32>} : memref<5x128xi32, #tpu.memory_space<vmem>>, vector<1x16xi32>,
      %swap3A_1315 = vector.shape_cast %swap3A_1314 : vector<1x16xi32> to vector<16xi32>
      %swap3A_1316 = vector.shape_cast %add3A_1310 : vector<16xi32> to vector<1x16xi32>
      tpu.vector_store %arg6[%swap3A_1312, %swap3A_1313], %swap3A_1316 {strides = array<i32>} : memref<5x128xi32, #tpu.memory_space<vmem>>, vector<1x16xi32>,
      %dma_start3A_1317 = arith.constant 0 : i32
      %dma_start3A_1318 = arith.constant 0 : i32
      %dma_start3A_1319 = arith.constant 0 : i32
      %dma_start3A_1320 = tpu.memref_slice %arg8[%dma_start3A_1318, %dma_start3A_1319] : memref<640x64xf32, #tpu.memory_space<vmem>> -> memref<128x64xf32, #tpu.memory_space<vmem>>
      %dma_start3A_1321 = arith.constant 0 : i32
      %dma_start3A_1322 = tpu.memref_slice %arg6[%dma_start3A_1317, %dma_start3A_1321] : memref<5x128xi32, #tpu.memory_space<vmem>> -> memref<1x128xi32, #tpu.memory_space<vmem>>
      %dma_start3A_1323 = tpu.memref_squeeze %dma_start3A_1322 : memref<1x128xi32, #tpu.memory_space<vmem>> -> memref<128xi32, #tpu.memory_space<vmem>>
      %dma_start3A_1324 = arith.constant 0 : i32
      %dma_start3A_1325 = arith.constant 0 : i32
      %dma_start3A_1326 = tpu.memref_slice %arg3[%dma_start3A_1324, %dma_start3A_1325] : memref<131072x64xf32, #tpu.memory_space<hbm>> -> memref<131072x64xf32, #tpu.memory_space<hbm>>
      tpu.enqueue_indirect_dma source(%dma_start3A_1326 : memref<131072x64xf32, #tpu.memory_space<hbm>>) target(%dma_start3A_1320 : memref<128x64xf32, #tpu.memory_space<vmem>>) offsets(%dma_start3A_1323 : memref<128xi32, #tpu.memory_space<vmem>>) semaphore(%arg10 : memref<!tpu.dma_semaphore, #tpu.memory_space<semaphore_mem>>)
      %dma_start3A_1327 = arith.constant 1 : i32
      %dma_start3A_1328 = arith.constant 128 : i32
      %dma_start3A_1329 = arith.constant 0 : i32
      %dma_start3A_1330 = tpu.memref_slice %arg8[%dma_start3A_1328, %dma_start3A_1329] : memref<640x64xf32, #tpu.memory_space<vmem>> -> memref<128x64xf32, #tpu.memory_space<vmem>>
      %dma_start3A_1331 = arith.constant 0 : i32
      %dma_start3A_1332 = tpu.memref_slice %arg6[%dma_start3A_1327, %dma_start3A_1331] : memref<5x128xi32, #tpu.memory_space<vmem>> -> memref<1x128xi32, #tpu.memory_space<vmem>>
      %dma_start3A_1333 = tpu.memref_squeeze %dma_start3A_1332 : memref<1x128xi32, #tpu.memory_space<vmem>> -> memref<128xi32, #tpu.memory_space<vmem>>
      %dma_start3A_1334 = arith.constant 0 : i32
      %dma_start3A_1335 = arith.constant 0 : i32
      %dma_start3A_1336 = tpu.memref_slice %arg3[%dma_start3A_1334, %dma_start3A_1335] : memref<131072x64xf32, #tpu.memory_space<hbm>> -> memref<131072x64xf32, #tpu.memory_space<hbm>>
      tpu.enqueue_indirect_dma source(%dma_start3A_1336 : memref<131072x64xf32, #tpu.memory_space<hbm>>) target(%dma_start3A_1330 : memref<128x64xf32, #tpu.memory_space<vmem>>) offsets(%dma_start3A_1333 : memref<128xi32, #tpu.memory_space<vmem>>) semaphore(%arg10 : memref<!tpu.dma_semaphore, #tpu.memory_space<semaphore_mem>>)
      %dma_start3A_1337 = arith.constant 2 : i32
      %dma_start3A_1338 = arith.constant 256 : i32
      %dma_start3A_1339 = arith.constant 0 : i32
      %dma_start3A_1340 = tpu.memref_slice %arg8[%dma_start3A_1338, %dma_start3A_1339] : memref<640x64xf32, #tpu.memory_space<vmem>> -> memref<128x64xf32, #tpu.memory_space<vmem>>
      %dma_start3A_1341 = arith.constant 0 : i32
      %dma_start3A_1342 = tpu.memref_slice %arg6[%dma_start3A_1337, %dma_start3A_1341] : memref<5x128xi32, #tpu.memory_space<vmem>> -> memref<1x128xi32, #tpu.memory_space<vmem>>
      %dma_start3A_1343 = tpu.memref_squeeze %dma_start3A_1342 : memref<1x128xi32, #tpu.memory_space<vmem>> -> memref<128xi32, #tpu.memory_space<vmem>>
      %dma_start3A_1344 = arith.constant 0 : i32
      %dma_start3A_1345 = arith.constant 0 : i32
      %dma_start3A_1346 = tpu.memref_slice %arg3[%dma_start3A_1344, %dma_start3A_1345] : memref<131072x64xf32, #tpu.memory_space<hbm>> -> memref<131072x64xf32, #tpu.memory_space<hbm>>
      tpu.enqueue_indirect_dma source(%dma_start3A_1346 : memref<131072x64xf32, #tpu.memory_space<hbm>>) target(%dma_start3A_1340 : memref<128x64xf32, #tpu.memory_space<vmem>>) offsets(%dma_start3A_1343 : memref<128xi32, #tpu.memory_space<vmem>>) semaphore(%arg10 : memref<!tpu.dma_semaphore, #tpu.memory_space<semaphore_mem>>)
      %dma_start3A_1347 = arith.constant 3 : i32
      %dma_start3A_1348 = arith.constant 384 : i32
      %dma_start3A_1349 = arith.constant 0 : i32
      %dma_start3A_1350 = tpu.memref_slice %arg8[%dma_start3A_1348, %dma_start3A_1349] : memref<640x64xf32, #tpu.memory_space<vmem>> -> memref<128x64xf32, #tpu.memory_space<vmem>>
      %dma_start3A_1351 = arith.constant 0 : i32
      %dma_start3A_1352 = tpu.memref_slice %arg6[%dma_start3A_1347, %dma_start3A_1351] : memref<5x128xi32, #tpu.memory_space<vmem>> -> memref<1x128xi32, #tpu.memory_space<vmem>>
      %dma_start3A_1353 = tpu.memref_squeeze %dma_start3A_1352 : memref<1x128xi32, #tpu.memory_space<vmem>> -> memref<128xi32, #tpu.memory_space<vmem>>
      %dma_start3A_1354 = arith.constant 0 : i32
      %dma_start3A_1355 = arith.constant 0 : i32
      %dma_start3A_1356 = tpu.memref_slice %arg3[%dma_start3A_1354, %dma_start3A_1355] : memref<131072x64xf32, #tpu.memory_space<hbm>> -> memref<131072x64xf32, #tpu.memory_space<hbm>>
      tpu.enqueue_indirect_dma source(%dma_start3A_1356 : memref<131072x64xf32, #tpu.memory_space<hbm>>) target(%dma_start3A_1350 : memref<128x64xf32, #tpu.memory_space<vmem>>) offsets(%dma_start3A_1353 : memref<128xi32, #tpu.memory_space<vmem>>) semaphore(%arg10 : memref<!tpu.dma_semaphore, #tpu.memory_space<semaphore_mem>>)
      %dma_start3A_1357 = arith.constant 4 : i32
      %dma_start3A_1358 = arith.constant 512 : i32
      %dma_start3A_1359 = arith.constant 0 : i32
      %dma_start3A_1360 = tpu.memref_slice %arg8[%dma_start3A_1358, %dma_start3A_1359] : memref<640x64xf32, #tpu.memory_space<vmem>> -> memref<128x64xf32, #tpu.memory_space<vmem>>
      %dma_start3A_1361 = arith.constant 0 : i32
      %dma_start3A_1362 = tpu.memref_slice %arg6[%dma_start3A_1357, %dma_start3A_1361] : memref<5x128xi32, #tpu.memory_space<vmem>> -> memref<1x128xi32, #tpu.memory_space<vmem>>
      %dma_start3A_1363 = tpu.memref_squeeze %dma_start3A_1362 : memref<1x128xi32, #tpu.memory_space<vmem>> -> memref<128xi32, #tpu.memory_space<vmem>>
      %dma_start3A_1364 = arith.constant 0 : i32
      %dma_start3A_1365 = arith.constant 0 : i32
      %dma_start3A_1366 = tpu.memref_slice %arg3[%dma_start3A_1364, %dma_start3A_1365] : memref<131072x64xf32, #tpu.memory_space<hbm>> -> memref<131072x64xf32, #tpu.memory_space<hbm>>
      tpu.enqueue_indirect_dma source(%dma_start3A_1366 : memref<131072x64xf32, #tpu.memory_space<hbm>>) target(%dma_start3A_1360 : memref<128x64xf32, #tpu.memory_space<vmem>>) offsets(%dma_start3A_1363 : memref<128xi32, #tpu.memory_space<vmem>>) semaphore(%arg10 : memref<!tpu.dma_semaphore, #tpu.memory_space<semaphore_mem>>)
      %dma_wait3A = arith.constant 0 : i32
      %dma_wait3A_1367 = arith.constant 0 : i32
      %dma_wait3A_1368 = arith.constant 0 : i32
      %dma_wait3A_1369 = tpu.memref_slice %arg7[%dma_wait3A_1367, %dma_wait3A_1368] : memref<640x64xf32, #tpu.memory_space<vmem>> -> memref<128x64xf32, #tpu.memory_space<vmem>>
      %dma_wait3A_1370 = arith.constant 0 : i32
      %dma_wait3A_1371 = tpu.memref_slice %arg5[%dma_wait3A, %dma_wait3A_1370] : memref<5x128xi32, #tpu.memory_space<vmem>> -> memref<1x128xi32, #tpu.memory_space<vmem>>
      %dma_wait3A_1372 = tpu.memref_squeeze %dma_wait3A_1371 : memref<1x128xi32, #tpu.memory_space<vmem>> -> memref<128xi32, #tpu.memory_space<vmem>>
      %dma_wait3A_1373 = arith.constant 0 : i32
      %dma_wait3A_1374 = arith.constant 0 : i32
      %dma_wait3A_1375 = tpu.memref_slice %arg3[%dma_wait3A_1373, %dma_wait3A_1374] : memref<131072x64xf32, #tpu.memory_space<hbm>> -> memref<131072x64xf32, #tpu.memory_space<hbm>>
      tpu.wait_indirect_dma semaphore(%arg9 : memref<!tpu.dma_semaphore, #tpu.memory_space<semaphore_mem>>) src(%dma_wait3A_1375 : memref<131072x64xf32, #tpu.memory_space<hbm>>) dst(%dma_wait3A_1369 : memref<128x64xf32, #tpu.memory_space<vmem>>)
      %dma_wait3A_1376 = arith.constant 1 : i32
      %dma_wait3A_1377 = arith.constant 128 : i32
      %dma_wait3A_1378 = arith.constant 0 : i32
      %dma_wait3A_1379 = tpu.memref_slice %arg7[%dma_wait3A_1377, %dma_wait3A_1378] : memref<640x64xf32, #tpu.memory_space<vmem>> -> memref<128x64xf32, #tpu.memory_space<vmem>>
      %dma_wait3A_1380 = arith.constant 0 : i32
      %dma_wait3A_1381 = tpu.memref_slice %arg5[%dma_wait3A_1376, %dma_wait3A_1380] : memref<5x128xi32, #tpu.memory_space<vmem>> -> memref<1x128xi32, #tpu.memory_space<vmem>>
      %dma_wait3A_1382 = tpu.memref_squeeze %dma_wait3A_1381 : memref<1x128xi32, #tpu.memory_space<vmem>> -> memref<128xi32, #tpu.memory_space<vmem>>
      %dma_wait3A_1383 = arith.constant 0 : i32
      %dma_wait3A_1384 = arith.constant 0 : i32
      %dma_wait3A_1385 = tpu.memref_slice %arg3[%dma_wait3A_1383, %dma_wait3A_1384] : memref<131072x64xf32, #tpu.memory_space<hbm>> -> memref<131072x64xf32, #tpu.memory_space<hbm>>
      tpu.wait_indirect_dma semaphore(%arg9 : memref<!tpu.dma_semaphore, #tpu.memory_space<semaphore_mem>>) src(%dma_wait3A_1385 : memref<131072x64xf32, #tpu.memory_space<hbm>>) dst(%dma_wait3A_1379 : memref<128x64xf32, #tpu.memory_space<vmem>>)
      %dma_wait3A_1386 = arith.constant 2 : i32
      %dma_wait3A_1387 = arith.constant 256 : i32
      %dma_wait3A_1388 = arith.constant 0 : i32
      %dma_wait3A_1389 = tpu.memref_slice %arg7[%dma_wait3A_1387, %dma_wait3A_1388] : memref<640x64xf32, #tpu.memory_space<vmem>> -> memref<128x64xf32, #tpu.memory_space<vmem>>
      %dma_wait3A_1390 = arith.constant 0 : i32
      %dma_wait3A_1391 = tpu.memref_slice %arg5[%dma_wait3A_1386, %dma_wait3A_1390] : memref<5x128xi32, #tpu.memory_space<vmem>> -> memref<1x128xi32, #tpu.memory_space<vmem>>
      %dma_wait3A_1392 = tpu.memref_squeeze %dma_wait3A_1391 : memref<1x128xi32, #tpu.memory_space<vmem>> -> memref<128xi32, #tpu.memory_space<vmem>>
      %dma_wait3A_1393 = arith.constant 0 : i32
      %dma_wait3A_1394 = arith.constant 0 : i32
      %dma_wait3A_1395 = tpu.memref_slice %arg3[%dma_wait3A_1393, %dma_wait3A_1394] : memref<131072x64xf32, #tpu.memory_space<hbm>> -> memref<131072x64xf32, #tpu.memory_space<hbm>>
      tpu.wait_indirect_dma semaphore(%arg9 : memref<!tpu.dma_semaphore, #tpu.memory_space<semaphore_mem>>) src(%dma_wait3A_1395 : memref<131072x64xf32, #tpu.memory_space<hbm>>) dst(%dma_wait3A_1389 : memref<128x64xf32, #tpu.memory_space<vmem>>)
      %dma_wait3A_1396 = arith.constant 3 : i32
      %dma_wait3A_1397 = arith.constant 384 : i32
      %dma_wait3A_1398 = arith.constant 0 : i32
      %dma_wait3A_1399 = tpu.memref_slice %arg7[%dma_wait3A_1397, %dma_wait3A_1398] : memref<640x64xf32, #tpu.memory_space<vmem>> -> memref<128x64xf32, #tpu.memory_space<vmem>>
      %dma_wait3A_1400 = arith.constant 0 : i32
      %dma_wait3A_1401 = tpu.memref_slice %arg5[%dma_wait3A_1396, %dma_wait3A_1400] : memref<5x128xi32, #tpu.memory_space<vmem>> -> memref<1x128xi32, #tpu.memory_space<vmem>>
      %dma_wait3A_1402 = tpu.memref_squeeze %dma_wait3A_1401 : memref<1x128xi32, #tpu.memory_space<vmem>> -> memref<128xi32, #tpu.memory_space<vmem>>
      %dma_wait3A_1403 = arith.constant 0 : i32
      %dma_wait3A_1404 = arith.constant 0 : i32
      %dma_wait3A_1405 = tpu.memref_slice %arg3[%dma_wait3A_1403, %dma_wait3A_1404] : memref<131072x64xf32, #tpu.memory_space<hbm>> -> memref<131072x64xf32, #tpu.memory_space<hbm>>
      tpu.wait_indirect_dma semaphore(%arg9 : memref<!tpu.dma_semaphore, #tpu.memory_space<semaphore_mem>>) src(%dma_wait3A_1405 : memref<131072x64xf32, #tpu.memory_space<hbm>>) dst(%dma_wait3A_1399 : memref<128x64xf32, #tpu.memory_space<vmem>>)
      %dma_wait3A_1406 = arith.constant 4 : i32
      %dma_wait3A_1407 = arith.constant 512 : i32
      %dma_wait3A_1408 = arith.constant 0 : i32
      %dma_wait3A_1409 = tpu.memref_slice %arg7[%dma_wait3A_1407, %dma_wait3A_1408] : memref<640x64xf32, #tpu.memory_space<vmem>> -> memref<128x64xf32, #tpu.memory_space<vmem>>
      %dma_wait3A_1410 = arith.constant 0 : i32
      %dma_wait3A_1411 = tpu.memref_slice %arg5[%dma_wait3A_1406, %dma_wait3A_1410] : memref<5x128xi32, #tpu.memory_space<vmem>> -> memref<1x128xi32, #tpu.memory_space<vmem>>
      %dma_wait3A_1412 = tpu.memref_squeeze %dma_wait3A_1411 : memref<1x128xi32, #tpu.memory_space<vmem>> -> memref<128xi32, #tpu.memory_space<vmem>>
      %dma_wait3A_1413 = arith.constant 0 : i32
      %dma_wait3A_1414 = arith.constant 0 : i32
      %dma_wait3A_1415 = tpu.memref_slice %arg3[%dma_wait3A_1413, %dma_wait3A_1414] : memref<131072x64xf32, #tpu.memory_space<hbm>> -> memref<131072x64xf32, #tpu.memory_space<hbm>>
      tpu.wait_indirect_dma semaphore(%arg9 : memref<!tpu.dma_semaphore, #tpu.memory_space<semaphore_mem>>) src(%dma_wait3A_1415 : memref<131072x64xf32, #tpu.memory_space<hbm>>) dst(%dma_wait3A_1409 : memref<128x64xf32, #tpu.memory_space<vmem>>)
      %mul3A_1416 = arith.constant 640 : i32
      %mul3A_1417 = arith.muli %add3A_685, %mul3A_1416 : i32
      %add3A_1418 = arith.addi %mul3A_2, %mul3A_1417 : i32
      %multiple_of3A_1419 = tpu.assume_multiple %add3A_1418, 640 : i32
      "tpu.region"() ({
        %run_scoped3A = tpu.sem_alloc : memref<!tpu.dma_semaphore, #tpu.memory_space<semaphore_mem>>
        %dma_start3A_1480 = arith.constant 0 : i32
        %dma_start3A_1481 = tpu.memref_slice %arg4[%multiple_of3A_1419, %dma_start3A_1480] : memref<819200x64xf32, #tpu.memory_space<hbm>> -> memref<640x64xf32, #tpu.memory_space<hbm>>
        %dma_start3A_1482 = arith.constant 0 : i32
        %dma_start3A_1483 = tpu.memref_slice %arg4[%multiple_of3A_1419, %dma_start3A_1482] : memref<819200x64xf32, #tpu.memory_space<hbm>> -> memref<640x64xf32, #tpu.memory_space<hbm>>
        tpu.enqueue_dma source(%arg7 : memref<640x64xf32, #tpu.memory_space<vmem>>) target(%dma_start3A_1483 : memref<640x64xf32, #tpu.memory_space<hbm>>) target_semaphore(%run_scoped3A : memref<!tpu.dma_semaphore, #tpu.memory_space<semaphore_mem>>)
        %dma_wait3A_1484 = arith.constant 0 : i32
        %dma_wait3A_1485 = tpu.memref_slice %arg4[%multiple_of3A_1419, %dma_wait3A_1484] : memref<819200x64xf32, #tpu.memory_space<hbm>> -> memref<640x64xf32, #tpu.memory_space<hbm>>
        %dma_wait3A_1486 = arith.constant 0 : i32
        %dma_wait3A_1487 = tpu.memref_slice %arg4[%multiple_of3A_1419, %dma_wait3A_1486] : memref<819200x64xf32, #tpu.memory_space<hbm>> -> memref<640x64xf32, #tpu.memory_space<hbm>>
        tpu.wait_dma2 semaphore(%run_scoped3A : memref<!tpu.dma_semaphore, #tpu.memory_space<semaphore_mem>>) src(%arg7 : memref<640x64xf32, #tpu.memory_space<vmem>>) dst(%dma_wait3A_1487 : memref<640x64xf32, #tpu.memory_space<hbm>>)
        tpu.yield
      }) : () -> ()
      %add3A_1420 = arith.constant 2 : i32
      %add3A_1421 = arith.addi %add3A_685, %add3A_1420 : i32
      %lt3A = arith.constant 40 : i32
      %lt3A_1422 = arith.cmpi slt, %add3A_1421, %lt3A : i32
      %convert_element_type3A = arith.extui %lt3A_1422 : i1 to i32
      %cond3A = arith.constant 0 : i32
      %cond3A_1423 = arith.cmpi ne, %convert_element_type3A, %cond3A : i32
      scf.if %cond3A_1423 {
        %add3A_1480 = arith.constant 2 : i32
        %add3A_1481 = arith.addi %add3A_685, %add3A_1480 : i32
        %mul3A_1482 = arith.constant 640 : i32
        %mul3A_1483 = arith.muli %add3A_1481, %mul3A_1482 : i32
        %add3A_1484 = arith.addi %mul3A_2, %mul3A_1483 : i32
        %multiple_of3A_1485 = tpu.assume_multiple %add3A_1484, 640 : i32
        %jit3A_1486 = arith.constant 128 : i32
        %div3A_1487 = arith.divsi %multiple_of3A_1485, %jit3A_1486 : i32
        %sign3A_1488 = arith.constant 0 : i32
        %sign3A_1489 = arith.cmpi sgt, %multiple_of3A_1485, %sign3A_1488 : i32
        %sign3A_1490 = arith.extui %sign3A_1489 : i1 to i32
        %sign3A_1491 = arith.constant 0 : i32
        %sign3A_1492 = arith.cmpi slt, %multiple_of3A_1485, %sign3A_1491 : i32
        %sign3A_1493 = arith.extui %sign3A_1492 : i1 to i32
        %sign3A_1494 = arith.subi %sign3A_1490, %sign3A_1493 : i32
        %sign3A_1495 = arith.constant 0 : i32
        %sign3A_1496 = arith.cmpi sgt, %jit3A_1486, %sign3A_1495 : i32
        %sign3A_1497 = arith.extui %sign3A_1496 : i1 to i32
        %sign3A_1498 = arith.constant 0 : i32
        %sign3A_1499 = arith.cmpi slt, %jit3A_1486, %sign3A_1498 : i32
        %sign3A_1500 = arith.extui %sign3A_1499 : i1 to i32
        %sign3A_1501 = arith.subi %sign3A_1497, %sign3A_1500 : i32
        %ne3A_1502 = arith.cmpi ne, %sign3A_1494, %sign3A_1501 : i32
        %rem3A_1503 = arith.remsi %multiple_of3A_1485, %jit3A_1486 : i32
        %ne3A_1504 = arith.constant 0 : i32
        %ne3A_1505 = arith.cmpi ne, %rem3A_1503, %ne3A_1504 : i32
        %and3A_1506 = arith.andi %ne3A_1502, %ne3A_1505 : i1
        %sub3A_1507 = arith.constant 1 : i32
        %sub3A_1508 = arith.subi %div3A_1487, %sub3A_1507 : i32
        %select_n3A_1509 = arith.select %and3A_1506, %sub3A_1508, %div3A_1487 : i32
        %multiple_of3A_1510 = tpu.assume_multiple %select_n3A_1509, 5 : i32
        "tpu.region"() ({
          %run_scoped3A = tpu.sem_alloc : memref<!tpu.dma_semaphore, #tpu.memory_space<semaphore_mem>>
          %dma_start3A_2161 = arith.constant 0 : i32
          %dma_start3A_2162 = tpu.memref_slice %arg2[%multiple_of3A_1510, %dma_start3A_2161] : memref<6400x128xi32, #tpu.memory_space<hbm>> -> memref<5x128xi32, #tpu.memory_space<hbm>>
          %dma_start3A_2163 = arith.constant 0 : i32
          %dma_start3A_2164 = tpu.memref_slice %arg2[%multiple_of3A_1510, %dma_start3A_2163] : memref<6400x128xi32, #tpu.memory_space<hbm>> -> memref<5x128xi32, #tpu.memory_space<hbm>>
          tpu.enqueue_dma source(%dma_start3A_2164 : memref<5x128xi32, #tpu.memory_space<hbm>>) target(%arg5 : memref<5x128xi32, #tpu.memory_space<vmem>>) target_semaphore(%run_scoped3A : memref<!tpu.dma_semaphore, #tpu.memory_space<semaphore_mem>>)
          %dma_wait3A_2165 = arith.constant 0 : i32
          %dma_wait3A_2166 = tpu.memref_slice %arg2[%multiple_of3A_1510, %dma_wait3A_2165] : memref<6400x128xi32, #tpu.memory_space<hbm>> -> memref<5x128xi32, #tpu.memory_space<hbm>>
          %dma_wait3A_2167 = arith.constant 0 : i32
          %dma_wait3A_2168 = tpu.memref_slice %arg2[%multiple_of3A_1510, %dma_wait3A_2167] : memref<6400x128xi32, #tpu.memory_space<hbm>> -> memref<5x128xi32, #tpu.memory_space<hbm>>
          tpu.wait_dma2 semaphore(%run_scoped3A : memref<!tpu.dma_semaphore, #tpu.memory_space<semaphore_mem>>) src(%dma_wait3A_2168 : memref<5x128xi32, #tpu.memory_space<hbm>>) dst(%arg5 : memref<5x128xi32, #tpu.memory_space<vmem>>)
          tpu.yield
        }) : () -> ()
        %get3A_1511 = arith.constant 0 : i32
        %get3A_1512 = arith.index_cast %get3A_1511 : i32 to index
        %get3A_1513 = arith.constant 0 : index
        %get3A_1514 = tpu.vector_load %arg5[%get3A_1512, %get3A_1513] {strides = array<i32>} : memref<5x128xi32, #tpu.memory_space<vmem>>, vector<1x16xi32>,
        %get3A_1515 = vector.shape_cast %get3A_1514 : vector<1x16xi32> to vector<16xi32>
        %mul3A_1516 = arith.constant 2 : i32
        %mul3A_1517 = vector.broadcast %mul3A_1516 : i32 to vector<16xi32>
        %mul3A_1518 = arith.muli %get3A_1515, %mul3A_1517 : vector<16xi32>
        %add3A_1519 = arith.addi %mul3A_1518, %add3A_9 : vector<16xi32>
        %swap3A_1520 = arith.constant 0 : i32
        %swap3A_1521 = arith.index_cast %swap3A_1520 : i32 to index
        %swap3A_1522 = arith.constant 0 : index
        %swap3A_1523 = tpu.vector_load %arg5[%swap3A_1521, %swap3A_1522] {strides = array<i32>} : memref<5x128xi32, #tpu.memory_space<vmem>>, vector<1x16xi32>,
        %swap3A_1524 = vector.shape_cast %swap3A_1523 : vector<1x16xi32> to vector<16xi32>
        %swap3A_1525 = vector.shape_cast %add3A_1519 : vector<16xi32> to vector<1x16xi32>
        tpu.vector_store %arg5[%swap3A_1521, %swap3A_1522], %swap3A_1525 {strides = array<i32>} : memref<5x128xi32, #tpu.memory_space<vmem>>, vector<1x16xi32>,
        %get3A_1526 = arith.constant 0 : i32
        %get3A_1527 = arith.index_cast %get3A_1526 : i32 to index
        %get3A_1528 = arith.constant 16 : index
        %get3A_1529 = tpu.vector_load %arg5[%get3A_1527, %get3A_1528] {strides = array<i32>} : memref<5x128xi32, #tpu.memory_space<vmem>>, vector<1x16xi32>,
        %get3A_1530 = vector.shape_cast %get3A_1529 : vector<1x16xi32> to vector<16xi32>
        %mul3A_1531 = arith.constant 2 : i32
        %mul3A_1532 = vector.broadcast %mul3A_1531 : i32 to vector<16xi32>
        %mul3A_1533 = arith.muli %get3A_1530, %mul3A_1532 : vector<16xi32>
        %add3A_1534 = arith.addi %mul3A_1533, %add3A_9 : vector<16xi32>
        %swap3A_1535 = arith.constant 0 : i32
        %swap3A_1536 = arith.index_cast %swap3A_1535 : i32 to index
        %swap3A_1537 = arith.constant 16 : index
        %swap3A_1538 = tpu.vector_load %arg5[%swap3A_1536, %swap3A_1537] {strides = array<i32>} : memref<5x128xi32, #tpu.memory_space<vmem>>, vector<1x16xi32>,
        %swap3A_1539 = vector.shape_cast %swap3A_1538 : vector<1x16xi32> to vector<16xi32>
        %swap3A_1540 = vector.shape_cast %add3A_1534 : vector<16xi32> to vector<1x16xi32>
        tpu.vector_store %arg5[%swap3A_1536, %swap3A_1537], %swap3A_1540 {strides = array<i32>} : memref<5x128xi32, #tpu.memory_space<vmem>>, vector<1x16xi32>,
        %get3A_1541 = arith.constant 0 : i32
        %get3A_1542 = arith.index_cast %get3A_1541 : i32 to index
        %get3A_1543 = arith.constant 32 : index
        %get3A_1544 = tpu.vector_load %arg5[%get3A_1542, %get3A_1543] {strides = array<i32>} : memref<5x128xi32, #tpu.memory_space<vmem>>, vector<1x16xi32>,
        %get3A_1545 = vector.shape_cast %get3A_1544 : vector<1x16xi32> to vector<16xi32>
        %mul3A_1546 = arith.constant 2 : i32
        %mul3A_1547 = vector.broadcast %mul3A_1546 : i32 to vector<16xi32>
        %mul3A_1548 = arith.muli %get3A_1545, %mul3A_1547 : vector<16xi32>
        %add3A_1549 = arith.addi %mul3A_1548, %add3A_9 : vector<16xi32>
        %swap3A_1550 = arith.constant 0 : i32
        %swap3A_1551 = arith.index_cast %swap3A_1550 : i32 to index
        %swap3A_1552 = arith.constant 32 : index
        %swap3A_1553 = tpu.vector_load %arg5[%swap3A_1551, %swap3A_1552] {strides = array<i32>} : memref<5x128xi32, #tpu.memory_space<vmem>>, vector<1x16xi32>,
        %swap3A_1554 = vector.shape_cast %swap3A_1553 : vector<1x16xi32> to vector<16xi32>
        %swap3A_1555 = vector.shape_cast %add3A_1549 : vector<16xi32> to vector<1x16xi32>
        tpu.vector_store %arg5[%swap3A_1551, %swap3A_1552], %swap3A_1555 {strides = array<i32>} : memref<5x128xi32, #tpu.memory_space<vmem>>, vector<1x16xi32>,
        %get3A_1556 = arith.constant 0 : i32
        %get3A_1557 = arith.index_cast %get3A_1556 : i32 to index
        %get3A_1558 = arith.constant 48 : index
        %get3A_1559 = tpu.vector_load %arg5[%get3A_1557, %get3A_1558] {strides = array<i32>} : memref<5x128xi32, #tpu.memory_space<vmem>>, vector<1x16xi32>,
        %get3A_1560 = vector.shape_cast %get3A_1559 : vector<1x16xi32> to vector<16xi32>
        %mul3A_1561 = arith.constant 2 : i32
        %mul3A_1562 = vector.broadcast %mul3A_1561 : i32 to vector<16xi32>
        %mul3A_1563 = arith.muli %get3A_1560, %mul3A_1562 : vector<16xi32>
        %add3A_1564 = arith.addi %mul3A_1563, %add3A_9 : vector<16xi32>
        %swap3A_1565 = arith.constant 0 : i32
        %swap3A_1566 = arith.index_cast %swap3A_1565 : i32 to index
        %swap3A_1567 = arith.constant 48 : index
        %swap3A_1568 = tpu.vector_load %arg5[%swap3A_1566, %swap3A_1567] {strides = array<i32>} : memref<5x128xi32, #tpu.memory_space<vmem>>, vector<1x16xi32>,
        %swap3A_1569 = vector.shape_cast %swap3A_1568 : vector<1x16xi32> to vector<16xi32>
        %swap3A_1570 = vector.shape_cast %add3A_1564 : vector<16xi32> to vector<1x16xi32>
        tpu.vector_store %arg5[%swap3A_1566, %swap3A_1567], %swap3A_1570 {strides = array<i32>} : memref<5x128xi32, #tpu.memory_space<vmem>>, vector<1x16xi32>,
        %get3A_1571 = arith.constant 0 : i32
        %get3A_1572 = arith.index_cast %get3A_1571 : i32 to index
        %get3A_1573 = arith.constant 64 : index
        %get3A_1574 = tpu.vector_load %arg5[%get3A_1572, %get3A_1573] {strides = array<i32>} : memref<5x128xi32, #tpu.memory_space<vmem>>, vector<1x16xi32>,
        %get3A_1575 = vector.shape_cast %get3A_1574 : vector<1x16xi32> to vector<16xi32>
        %mul3A_1576 = arith.constant 2 : i32
        %mul3A_1577 = vector.broadcast %mul3A_1576 : i32 to vector<16xi32>
        %mul3A_1578 = arith.muli %get3A_1575, %mul3A_1577 : vector<16xi32>
        %add3A_1579 = arith.addi %mul3A_1578, %add3A_9 : vector<16xi32>
        %swap3A_1580 = arith.constant 0 : i32
        %swap3A_1581 = arith.index_cast %swap3A_1580 : i32 to index
        %swap3A_1582 = arith.constant 64 : index
        %swap3A_1583 = tpu.vector_load %arg5[%swap3A_1581, %swap3A_1582] {strides = array<i32>} : memref<5x128xi32, #tpu.memory_space<vmem>>, vector<1x16xi32>,
        %swap3A_1584 = vector.shape_cast %swap3A_1583 : vector<1x16xi32> to vector<16xi32>
        %swap3A_1585 = vector.shape_cast %add3A_1579 : vector<16xi32> to vector<1x16xi32>
        tpu.vector_store %arg5[%swap3A_1581, %swap3A_1582], %swap3A_1585 {strides = array<i32>} : memref<5x128xi32, #tpu.memory_space<vmem>>, vector<1x16xi32>,
        %get3A_1586 = arith.constant 0 : i32
        %get3A_1587 = arith.index_cast %get3A_1586 : i32 to index
        %get3A_1588 = arith.constant 80 : index
        %get3A_1589 = tpu.vector_load %arg5[%get3A_1587, %get3A_1588] {strides = array<i32>} : memref<5x128xi32, #tpu.memory_space<vmem>>, vector<1x16xi32>,
        %get3A_1590 = vector.shape_cast %get3A_1589 : vector<1x16xi32> to vector<16xi32>
        %mul3A_1591 = arith.constant 2 : i32
        %mul3A_1592 = vector.broadcast %mul3A_1591 : i32 to vector<16xi32>
        %mul3A_1593 = arith.muli %get3A_1590, %mul3A_1592 : vector<16xi32>
        %add3A_1594 = arith.addi %mul3A_1593, %add3A_9 : vector<16xi32>
        %swap3A_1595 = arith.constant 0 : i32
        %swap3A_1596 = arith.index_cast %swap3A_1595 : i32 to index
        %swap3A_1597 = arith.constant 80 : index
        %swap3A_1598 = tpu.vector_load %arg5[%swap3A_1596, %swap3A_1597] {strides = array<i32>} : memref<5x128xi32, #tpu.memory_space<vmem>>, vector<1x16xi32>,
        %swap3A_1599 = vector.shape_cast %swap3A_1598 : vector<1x16xi32> to vector<16xi32>
        %swap3A_1600 = vector.shape_cast %add3A_1594 : vector<16xi32> to vector<1x16xi32>
        tpu.vector_store %arg5[%swap3A_1596, %swap3A_1597], %swap3A_1600 {strides = array<i32>} : memref<5x128xi32, #tpu.memory_space<vmem>>, vector<1x16xi32>,
        %get3A_1601 = arith.constant 0 : i32
        %get3A_1602 = arith.index_cast %get3A_1601 : i32 to index
        %get3A_1603 = arith.constant 96 : index
        %get3A_1604 = tpu.vector_load %arg5[%get3A_1602, %get3A_1603] {strides = array<i32>} : memref<5x128xi32, #tpu.memory_space<vmem>>, vector<1x16xi32>,
        %get3A_1605 = vector.shape_cast %get3A_1604 : vector<1x16xi32> to vector<16xi32>
        %mul3A_1606 = arith.constant 2 : i32
        %mul3A_1607 = vector.broadcast %mul3A_1606 : i32 to vector<16xi32>
        %mul3A_1608 = arith.muli %get3A_1605, %mul3A_1607 : vector<16xi32>
        %add3A_1609 = arith.addi %mul3A_1608, %add3A_9 : vector<16xi32>
        %swap3A_1610 = arith.constant 0 : i32
        %swap3A_1611 = arith.index_cast %swap3A_1610 : i32 to index
        %swap3A_1612 = arith.constant 96 : index
        %swap3A_1613 = tpu.vector_load %arg5[%swap3A_1611, %swap3A_1612] {strides = array<i32>} : memref<5x128xi32, #tpu.memory_space<vmem>>, vector<1x16xi32>,
        %swap3A_1614 = vector.shape_cast %swap3A_1613 : vector<1x16xi32> to vector<16xi32>
        %swap3A_1615 = vector.shape_cast %add3A_1609 : vector<16xi32> to vector<1x16xi32>
        tpu.vector_store %arg5[%swap3A_1611, %swap3A_1612], %swap3A_1615 {strides = array<i32>} : memref<5x128xi32, #tpu.memory_space<vmem>>, vector<1x16xi32>,
        %get3A_1616 = arith.constant 0 : i32
        %get3A_1617 = arith.index_cast %get3A_1616 : i32 to index
        %get3A_1618 = arith.constant 112 : index
        %get3A_1619 = tpu.vector_load %arg5[%get3A_1617, %get3A_1618] {strides = array<i32>} : memref<5x128xi32, #tpu.memory_space<vmem>>, vector<1x16xi32>,
        %get3A_1620 = vector.shape_cast %get3A_1619 : vector<1x16xi32> to vector<16xi32>
        %mul3A_1621 = arith.constant 2 : i32
        %mul3A_1622 = vector.broadcast %mul3A_1621 : i32 to vector<16xi32>
        %mul3A_1623 = arith.muli %get3A_1620, %mul3A_1622 : vector<16xi32>
        %add3A_1624 = arith.addi %mul3A_1623, %add3A_9 : vector<16xi32>
        %swap3A_1625 = arith.constant 0 : i32
        %swap3A_1626 = arith.index_cast %swap3A_1625 : i32 to index
        %swap3A_1627 = arith.constant 112 : index
        %swap3A_1628 = tpu.vector_load %arg5[%swap3A_1626, %swap3A_1627] {strides = array<i32>} : memref<5x128xi32, #tpu.memory_space<vmem>>, vector<1x16xi32>,
        %swap3A_1629 = vector.shape_cast %swap3A_1628 : vector<1x16xi32> to vector<16xi32>
        %swap3A_1630 = vector.shape_cast %add3A_1624 : vector<16xi32> to vector<1x16xi32>
        tpu.vector_store %arg5[%swap3A_1626, %swap3A_1627], %swap3A_1630 {strides = array<i32>} : memref<5x128xi32, #tpu.memory_space<vmem>>, vector<1x16xi32>,
        %get3A_1631 = arith.constant 1 : i32
        %get3A_1632 = arith.index_cast %get3A_1631 : i32 to index
        %get3A_1633 = arith.constant 0 : index
        %get3A_1634 = tpu.vector_load %arg5[%get3A_1632, %get3A_1633] {strides = array<i32>} : memref<5x128xi32, #tpu.memory_space<vmem>>, vector<1x16xi32>,
        %get3A_1635 = vector.shape_cast %get3A_1634 : vector<1x16xi32> to vector<16xi32>
        %mul3A_1636 = arith.constant 2 : i32
        %mul3A_1637 = vector.broadcast %mul3A_1636 : i32 to vector<16xi32>
        %mul3A_1638 = arith.muli %get3A_1635, %mul3A_1637 : vector<16xi32>
        %add3A_1639 = arith.addi %mul3A_1638, %add3A_9 : vector<16xi32>
        %swap3A_1640 = arith.constant 1 : i32
        %swap3A_1641 = arith.index_cast %swap3A_1640 : i32 to index
        %swap3A_1642 = arith.constant 0 : index
        %swap3A_1643 = tpu.vector_load %arg5[%swap3A_1641, %swap3A_1642] {strides = array<i32>} : memref<5x128xi32, #tpu.memory_space<vmem>>, vector<1x16xi32>,
        %swap3A_1644 = vector.shape_cast %swap3A_1643 : vector<1x16xi32> to vector<16xi32>
        %swap3A_1645 = vector.shape_cast %add3A_1639 : vector<16xi32> to vector<1x16xi32>
        tpu.vector_store %arg5[%swap3A_1641, %swap3A_1642], %swap3A_1645 {strides = array<i32>} : memref<5x128xi32, #tpu.memory_space<vmem>>, vector<1x16xi32>,
        %get3A_1646 = arith.constant 1 : i32
        %get3A_1647 = arith.index_cast %get3A_1646 : i32 to index
        %get3A_1648 = arith.constant 16 : index
        %get3A_1649 = tpu.vector_load %arg5[%get3A_1647, %get3A_1648] {strides = array<i32>} : memref<5x128xi32, #tpu.memory_space<vmem>>, vector<1x16xi32>,
        %get3A_1650 = vector.shape_cast %get3A_1649 : vector<1x16xi32> to vector<16xi32>
        %mul3A_1651 = arith.constant 2 : i32
        %mul3A_1652 = vector.broadcast %mul3A_1651 : i32 to vector<16xi32>
        %mul3A_1653 = arith.muli %get3A_1650, %mul3A_1652 : vector<16xi32>
        %add3A_1654 = arith.addi %mul3A_1653, %add3A_9 : vector<16xi32>
        %swap3A_1655 = arith.constant 1 : i32
        %swap3A_1656 = arith.index_cast %swap3A_1655 : i32 to index
        %swap3A_1657 = arith.constant 16 : index
        %swap3A_1658 = tpu.vector_load %arg5[%swap3A_1656, %swap3A_1657] {strides = array<i32>} : memref<5x128xi32, #tpu.memory_space<vmem>>, vector<1x16xi32>,
        %swap3A_1659 = vector.shape_cast %swap3A_1658 : vector<1x16xi32> to vector<16xi32>
        %swap3A_1660 = vector.shape_cast %add3A_1654 : vector<16xi32> to vector<1x16xi32>
        tpu.vector_store %arg5[%swap3A_1656, %swap3A_1657], %swap3A_1660 {strides = array<i32>} : memref<5x128xi32, #tpu.memory_space<vmem>>, vector<1x16xi32>,
        %get3A_1661 = arith.constant 1 : i32
        %get3A_1662 = arith.index_cast %get3A_1661 : i32 to index
        %get3A_1663 = arith.constant 32 : index
        %get3A_1664 = tpu.vector_load %arg5[%get3A_1662, %get3A_1663] {strides = array<i32>} : memref<5x128xi32, #tpu.memory_space<vmem>>, vector<1x16xi32>,
        %get3A_1665 = vector.shape_cast %get3A_1664 : vector<1x16xi32> to vector<16xi32>
        %mul3A_1666 = arith.constant 2 : i32
        %mul3A_1667 = vector.broadcast %mul3A_1666 : i32 to vector<16xi32>
        %mul3A_1668 = arith.muli %get3A_1665, %mul3A_1667 : vector<16xi32>
        %add3A_1669 = arith.addi %mul3A_1668, %add3A_9 : vector<16xi32>
        %swap3A_1670 = arith.constant 1 : i32
        %swap3A_1671 = arith.index_cast %swap3A_1670 : i32 to index
        %swap3A_1672 = arith.constant 32 : index
        %swap3A_1673 = tpu.vector_load %arg5[%swap3A_1671, %swap3A_1672] {strides = array<i32>} : memref<5x128xi32, #tpu.memory_space<vmem>>, vector<1x16xi32>,
        %swap3A_1674 = vector.shape_cast %swap3A_1673 : vector<1x16xi32> to vector<16xi32>
        %swap3A_1675 = vector.shape_cast %add3A_1669 : vector<16xi32> to vector<1x16xi32>
        tpu.vector_store %arg5[%swap3A_1671, %swap3A_1672], %swap3A_1675 {strides = array<i32>} : memref<5x128xi32, #tpu.memory_space<vmem>>, vector<1x16xi32>,
        %get3A_1676 = arith.constant 1 : i32
        %get3A_1677 = arith.index_cast %get3A_1676 : i32 to index
        %get3A_1678 = arith.constant 48 : index
        %get3A_1679 = tpu.vector_load %arg5[%get3A_1677, %get3A_1678] {strides = array<i32>} : memref<5x128xi32, #tpu.memory_space<vmem>>, vector<1x16xi32>,
        %get3A_1680 = vector.shape_cast %get3A_1679 : vector<1x16xi32> to vector<16xi32>
        %mul3A_1681 = arith.constant 2 : i32
        %mul3A_1682 = vector.broadcast %mul3A_1681 : i32 to vector<16xi32>
        %mul3A_1683 = arith.muli %get3A_1680, %mul3A_1682 : vector<16xi32>
        %add3A_1684 = arith.addi %mul3A_1683, %add3A_9 : vector<16xi32>
        %swap3A_1685 = arith.constant 1 : i32
        %swap3A_1686 = arith.index_cast %swap3A_1685 : i32 to index
        %swap3A_1687 = arith.constant 48 : index
        %swap3A_1688 = tpu.vector_load %arg5[%swap3A_1686, %swap3A_1687] {strides = array<i32>} : memref<5x128xi32, #tpu.memory_space<vmem>>, vector<1x16xi32>,
        %swap3A_1689 = vector.shape_cast %swap3A_1688 : vector<1x16xi32> to vector<16xi32>
        %swap3A_1690 = vector.shape_cast %add3A_1684 : vector<16xi32> to vector<1x16xi32>
        tpu.vector_store %arg5[%swap3A_1686, %swap3A_1687], %swap3A_1690 {strides = array<i32>} : memref<5x128xi32, #tpu.memory_space<vmem>>, vector<1x16xi32>,
        %get3A_1691 = arith.constant 1 : i32
        %get3A_1692 = arith.index_cast %get3A_1691 : i32 to index
        %get3A_1693 = arith.constant 64 : index
        %get3A_1694 = tpu.vector_load %arg5[%get3A_1692, %get3A_1693] {strides = array<i32>} : memref<5x128xi32, #tpu.memory_space<vmem>>, vector<1x16xi32>,
        %get3A_1695 = vector.shape_cast %get3A_1694 : vector<1x16xi32> to vector<16xi32>
        %mul3A_1696 = arith.constant 2 : i32
        %mul3A_1697 = vector.broadcast %mul3A_1696 : i32 to vector<16xi32>
        %mul3A_1698 = arith.muli %get3A_1695, %mul3A_1697 : vector<16xi32>
        %add3A_1699 = arith.addi %mul3A_1698, %add3A_9 : vector<16xi32>
        %swap3A_1700 = arith.constant 1 : i32
        %swap3A_1701 = arith.index_cast %swap3A_1700 : i32 to index
        %swap3A_1702 = arith.constant 64 : index
        %swap3A_1703 = tpu.vector_load %arg5[%swap3A_1701, %swap3A_1702] {strides = array<i32>} : memref<5x128xi32, #tpu.memory_space<vmem>>, vector<1x16xi32>,
        %swap3A_1704 = vector.shape_cast %swap3A_1703 : vector<1x16xi32> to vector<16xi32>
        %swap3A_1705 = vector.shape_cast %add3A_1699 : vector<16xi32> to vector<1x16xi32>
        tpu.vector_store %arg5[%swap3A_1701, %swap3A_1702], %swap3A_1705 {strides = array<i32>} : memref<5x128xi32, #tpu.memory_space<vmem>>, vector<1x16xi32>,
        %get3A_1706 = arith.constant 1 : i32
        %get3A_1707 = arith.index_cast %get3A_1706 : i32 to index
        %get3A_1708 = arith.constant 80 : index
        %get3A_1709 = tpu.vector_load %arg5[%get3A_1707, %get3A_1708] {strides = array<i32>} : memref<5x128xi32, #tpu.memory_space<vmem>>, vector<1x16xi32>,
        %get3A_1710 = vector.shape_cast %get3A_1709 : vector<1x16xi32> to vector<16xi32>
        %mul3A_1711 = arith.constant 2 : i32
        %mul3A_1712 = vector.broadcast %mul3A_1711 : i32 to vector<16xi32>
        %mul3A_1713 = arith.muli %get3A_1710, %mul3A_1712 : vector<16xi32>
        %add3A_1714 = arith.addi %mul3A_1713, %add3A_9 : vector<16xi32>
        %swap3A_1715 = arith.constant 1 : i32
        %swap3A_1716 = arith.index_cast %swap3A_1715 : i32 to index
        %swap3A_1717 = arith.constant 80 : index
        %swap3A_1718 = tpu.vector_load %arg5[%swap3A_1716, %swap3A_1717] {strides = array<i32>} : memref<5x128xi32, #tpu.memory_space<vmem>>, vector<1x16xi32>,
        %swap3A_1719 = vector.shape_cast %swap3A_1718 : vector<1x16xi32> to vector<16xi32>
        %swap3A_1720 = vector.shape_cast %add3A_1714 : vector<16xi32> to vector<1x16xi32>
        tpu.vector_store %arg5[%swap3A_1716, %swap3A_1717], %swap3A_1720 {strides = array<i32>} : memref<5x128xi32, #tpu.memory_space<vmem>>, vector<1x16xi32>,
        %get3A_1721 = arith.constant 1 : i32
        %get3A_1722 = arith.index_cast %get3A_1721 : i32 to index
        %get3A_1723 = arith.constant 96 : index
        %get3A_1724 = tpu.vector_load %arg5[%get3A_1722, %get3A_1723] {strides = array<i32>} : memref<5x128xi32, #tpu.memory_space<vmem>>, vector<1x16xi32>,
        %get3A_1725 = vector.shape_cast %get3A_1724 : vector<1x16xi32> to vector<16xi32>
        %mul3A_1726 = arith.constant 2 : i32
        %mul3A_1727 = vector.broadcast %mul3A_1726 : i32 to vector<16xi32>
        %mul3A_1728 = arith.muli %get3A_1725, %mul3A_1727 : vector<16xi32>
        %add3A_1729 = arith.addi %mul3A_1728, %add3A_9 : vector<16xi32>
        %swap3A_1730 = arith.constant 1 : i32
        %swap3A_1731 = arith.index_cast %swap3A_1730 : i32 to index
        %swap3A_1732 = arith.constant 96 : index
        %swap3A_1733 = tpu.vector_load %arg5[%swap3A_1731, %swap3A_1732] {strides = array<i32>} : memref<5x128xi32, #tpu.memory_space<vmem>>, vector<1x16xi32>,
        %swap3A_1734 = vector.shape_cast %swap3A_1733 : vector<1x16xi32> to vector<16xi32>
        %swap3A_1735 = vector.shape_cast %add3A_1729 : vector<16xi32> to vector<1x16xi32>
        tpu.vector_store %arg5[%swap3A_1731, %swap3A_1732], %swap3A_1735 {strides = array<i32>} : memref<5x128xi32, #tpu.memory_space<vmem>>, vector<1x16xi32>,
        %get3A_1736 = arith.constant 1 : i32
        %get3A_1737 = arith.index_cast %get3A_1736 : i32 to index
        %get3A_1738 = arith.constant 112 : index
        %get3A_1739 = tpu.vector_load %arg5[%get3A_1737, %get3A_1738] {strides = array<i32>} : memref<5x128xi32, #tpu.memory_space<vmem>>, vector<1x16xi32>,
        %get3A_1740 = vector.shape_cast %get3A_1739 : vector<1x16xi32> to vector<16xi32>
        %mul3A_1741 = arith.constant 2 : i32
        %mul3A_1742 = vector.broadcast %mul3A_1741 : i32 to vector<16xi32>
        %mul3A_1743 = arith.muli %get3A_1740, %mul3A_1742 : vector<16xi32>
        %add3A_1744 = arith.addi %mul3A_1743, %add3A_9 : vector<16xi32>
        %swap3A_1745 = arith.constant 1 : i32
        %swap3A_1746 = arith.index_cast %swap3A_1745 : i32 to index
        %swap3A_1747 = arith.constant 112 : index
        %swap3A_1748 = tpu.vector_load %arg5[%swap3A_1746, %swap3A_1747] {strides = array<i32>} : memref<5x128xi32, #tpu.memory_space<vmem>>, vector<1x16xi32>,
        %swap3A_1749 = vector.shape_cast %swap3A_1748 : vector<1x16xi32> to vector<16xi32>
        %swap3A_1750 = vector.shape_cast %add3A_1744 : vector<16xi32> to vector<1x16xi32>
        tpu.vector_store %arg5[%swap3A_1746, %swap3A_1747], %swap3A_1750 {strides = array<i32>} : memref<5x128xi32, #tpu.memory_space<vmem>>, vector<1x16xi32>,
        %get3A_1751 = arith.constant 2 : i32
        %get3A_1752 = arith.index_cast %get3A_1751 : i32 to index
        %get3A_1753 = arith.constant 0 : index
        %get3A_1754 = tpu.vector_load %arg5[%get3A_1752, %get3A_1753] {strides = array<i32>} : memref<5x128xi32, #tpu.memory_space<vmem>>, vector<1x16xi32>,
        %get3A_1755 = vector.shape_cast %get3A_1754 : vector<1x16xi32> to vector<16xi32>
        %mul3A_1756 = arith.constant 2 : i32
        %mul3A_1757 = vector.broadcast %mul3A_1756 : i32 to vector<16xi32>
        %mul3A_1758 = arith.muli %get3A_1755, %mul3A_1757 : vector<16xi32>
        %add3A_1759 = arith.addi %mul3A_1758, %add3A_9 : vector<16xi32>
        %swap3A_1760 = arith.constant 2 : i32
        %swap3A_1761 = arith.index_cast %swap3A_1760 : i32 to index
        %swap3A_1762 = arith.constant 0 : index
        %swap3A_1763 = tpu.vector_load %arg5[%swap3A_1761, %swap3A_1762] {strides = array<i32>} : memref<5x128xi32, #tpu.memory_space<vmem>>, vector<1x16xi32>,
        %swap3A_1764 = vector.shape_cast %swap3A_1763 : vector<1x16xi32> to vector<16xi32>
        %swap3A_1765 = vector.shape_cast %add3A_1759 : vector<16xi32> to vector<1x16xi32>
        tpu.vector_store %arg5[%swap3A_1761, %swap3A_1762], %swap3A_1765 {strides = array<i32>} : memref<5x128xi32, #tpu.memory_space<vmem>>, vector<1x16xi32>,
        %get3A_1766 = arith.constant 2 : i32
        %get3A_1767 = arith.index_cast %get3A_1766 : i32 to index
        %get3A_1768 = arith.constant 16 : index
        %get3A_1769 = tpu.vector_load %arg5[%get3A_1767, %get3A_1768] {strides = array<i32>} : memref<5x128xi32, #tpu.memory_space<vmem>>, vector<1x16xi32>,
        %get3A_1770 = vector.shape_cast %get3A_1769 : vector<1x16xi32> to vector<16xi32>
        %mul3A_1771 = arith.constant 2 : i32
        %mul3A_1772 = vector.broadcast %mul3A_1771 : i32 to vector<16xi32>
        %mul3A_1773 = arith.muli %get3A_1770, %mul3A_1772 : vector<16xi32>
        %add3A_1774 = arith.addi %mul3A_1773, %add3A_9 : vector<16xi32>
        %swap3A_1775 = arith.constant 2 : i32
        %swap3A_1776 = arith.index_cast %swap3A_1775 : i32 to index
        %swap3A_1777 = arith.constant 16 : index
        %swap3A_1778 = tpu.vector_load %arg5[%swap3A_1776, %swap3A_1777] {strides = array<i32>} : memref<5x128xi32, #tpu.memory_space<vmem>>, vector<1x16xi32>,
        %swap3A_1779 = vector.shape_cast %swap3A_1778 : vector<1x16xi32> to vector<16xi32>
        %swap3A_1780 = vector.shape_cast %add3A_1774 : vector<16xi32> to vector<1x16xi32>
        tpu.vector_store %arg5[%swap3A_1776, %swap3A_1777], %swap3A_1780 {strides = array<i32>} : memref<5x128xi32, #tpu.memory_space<vmem>>, vector<1x16xi32>,
        %get3A_1781 = arith.constant 2 : i32
        %get3A_1782 = arith.index_cast %get3A_1781 : i32 to index
        %get3A_1783 = arith.constant 32 : index
        %get3A_1784 = tpu.vector_load %arg5[%get3A_1782, %get3A_1783] {strides = array<i32>} : memref<5x128xi32, #tpu.memory_space<vmem>>, vector<1x16xi32>,
        %get3A_1785 = vector.shape_cast %get3A_1784 : vector<1x16xi32> to vector<16xi32>
        %mul3A_1786 = arith.constant 2 : i32
        %mul3A_1787 = vector.broadcast %mul3A_1786 : i32 to vector<16xi32>
        %mul3A_1788 = arith.muli %get3A_1785, %mul3A_1787 : vector<16xi32>
        %add3A_1789 = arith.addi %mul3A_1788, %add3A_9 : vector<16xi32>
        %swap3A_1790 = arith.constant 2 : i32
        %swap3A_1791 = arith.index_cast %swap3A_1790 : i32 to index
        %swap3A_1792 = arith.constant 32 : index
        %swap3A_1793 = tpu.vector_load %arg5[%swap3A_1791, %swap3A_1792] {strides = array<i32>} : memref<5x128xi32, #tpu.memory_space<vmem>>, vector<1x16xi32>,
        %swap3A_1794 = vector.shape_cast %swap3A_1793 : vector<1x16xi32> to vector<16xi32>
        %swap3A_1795 = vector.shape_cast %add3A_1789 : vector<16xi32> to vector<1x16xi32>
        tpu.vector_store %arg5[%swap3A_1791, %swap3A_1792], %swap3A_1795 {strides = array<i32>} : memref<5x128xi32, #tpu.memory_space<vmem>>, vector<1x16xi32>,
        %get3A_1796 = arith.constant 2 : i32
        %get3A_1797 = arith.index_cast %get3A_1796 : i32 to index
        %get3A_1798 = arith.constant 48 : index
        %get3A_1799 = tpu.vector_load %arg5[%get3A_1797, %get3A_1798] {strides = array<i32>} : memref<5x128xi32, #tpu.memory_space<vmem>>, vector<1x16xi32>,
        %get3A_1800 = vector.shape_cast %get3A_1799 : vector<1x16xi32> to vector<16xi32>
        %mul3A_1801 = arith.constant 2 : i32
        %mul3A_1802 = vector.broadcast %mul3A_1801 : i32 to vector<16xi32>
        %mul3A_1803 = arith.muli %get3A_1800, %mul3A_1802 : vector<16xi32>
        %add3A_1804 = arith.addi %mul3A_1803, %add3A_9 : vector<16xi32>
        %swap3A_1805 = arith.constant 2 : i32
        %swap3A_1806 = arith.index_cast %swap3A_1805 : i32 to index
        %swap3A_1807 = arith.constant 48 : index
        %swap3A_1808 = tpu.vector_load %arg5[%swap3A_1806, %swap3A_1807] {strides = array<i32>} : memref<5x128xi32, #tpu.memory_space<vmem>>, vector<1x16xi32>,
        %swap3A_1809 = vector.shape_cast %swap3A_1808 : vector<1x16xi32> to vector<16xi32>
        %swap3A_1810 = vector.shape_cast %add3A_1804 : vector<16xi32> to vector<1x16xi32>
        tpu.vector_store %arg5[%swap3A_1806, %swap3A_1807], %swap3A_1810 {strides = array<i32>} : memref<5x128xi32, #tpu.memory_space<vmem>>, vector<1x16xi32>,
        %get3A_1811 = arith.constant 2 : i32
        %get3A_1812 = arith.index_cast %get3A_1811 : i32 to index
        %get3A_1813 = arith.constant 64 : index
        %get3A_1814 = tpu.vector_load %arg5[%get3A_1812, %get3A_1813] {strides = array<i32>} : memref<5x128xi32, #tpu.memory_space<vmem>>, vector<1x16xi32>,
        %get3A_1815 = vector.shape_cast %get3A_1814 : vector<1x16xi32> to vector<16xi32>
        %mul3A_1816 = arith.constant 2 : i32
        %mul3A_1817 = vector.broadcast %mul3A_1816 : i32 to vector<16xi32>
        %mul3A_1818 = arith.muli %get3A_1815, %mul3A_1817 : vector<16xi32>
        %add3A_1819 = arith.addi %mul3A_1818, %add3A_9 : vector<16xi32>
        %swap3A_1820 = arith.constant 2 : i32
        %swap3A_1821 = arith.index_cast %swap3A_1820 : i32 to index
        %swap3A_1822 = arith.constant 64 : index
        %swap3A_1823 = tpu.vector_load %arg5[%swap3A_1821, %swap3A_1822] {strides = array<i32>} : memref<5x128xi32, #tpu.memory_space<vmem>>, vector<1x16xi32>,
        %swap3A_1824 = vector.shape_cast %swap3A_1823 : vector<1x16xi32> to vector<16xi32>
        %swap3A_1825 = vector.shape_cast %add3A_1819 : vector<16xi32> to vector<1x16xi32>
        tpu.vector_store %arg5[%swap3A_1821, %swap3A_1822], %swap3A_1825 {strides = array<i32>} : memref<5x128xi32, #tpu.memory_space<vmem>>, vector<1x16xi32>,
        %get3A_1826 = arith.constant 2 : i32
        %get3A_1827 = arith.index_cast %get3A_1826 : i32 to index
        %get3A_1828 = arith.constant 80 : index
        %get3A_1829 = tpu.vector_load %arg5[%get3A_1827, %get3A_1828] {strides = array<i32>} : memref<5x128xi32, #tpu.memory_space<vmem>>, vector<1x16xi32>,
        %get3A_1830 = vector.shape_cast %get3A_1829 : vector<1x16xi32> to vector<16xi32>
        %mul3A_1831 = arith.constant 2 : i32
        %mul3A_1832 = vector.broadcast %mul3A_1831 : i32 to vector<16xi32>
        %mul3A_1833 = arith.muli %get3A_1830, %mul3A_1832 : vector<16xi32>
        %add3A_1834 = arith.addi %mul3A_1833, %add3A_9 : vector<16xi32>
        %swap3A_1835 = arith.constant 2 : i32
        %swap3A_1836 = arith.index_cast %swap3A_1835 : i32 to index
        %swap3A_1837 = arith.constant 80 : index
        %swap3A_1838 = tpu.vector_load %arg5[%swap3A_1836, %swap3A_1837] {strides = array<i32>} : memref<5x128xi32, #tpu.memory_space<vmem>>, vector<1x16xi32>,
        %swap3A_1839 = vector.shape_cast %swap3A_1838 : vector<1x16xi32> to vector<16xi32>
        %swap3A_1840 = vector.shape_cast %add3A_1834 : vector<16xi32> to vector<1x16xi32>
        tpu.vector_store %arg5[%swap3A_1836, %swap3A_1837], %swap3A_1840 {strides = array<i32>} : memref<5x128xi32, #tpu.memory_space<vmem>>, vector<1x16xi32>,
        %get3A_1841 = arith.constant 2 : i32
        %get3A_1842 = arith.index_cast %get3A_1841 : i32 to index
        %get3A_1843 = arith.constant 96 : index
        %get3A_1844 = tpu.vector_load %arg5[%get3A_1842, %get3A_1843] {strides = array<i32>} : memref<5x128xi32, #tpu.memory_space<vmem>>, vector<1x16xi32>,
        %get3A_1845 = vector.shape_cast %get3A_1844 : vector<1x16xi32> to vector<16xi32>
        %mul3A_1846 = arith.constant 2 : i32
        %mul3A_1847 = vector.broadcast %mul3A_1846 : i32 to vector<16xi32>
        %mul3A_1848 = arith.muli %get3A_1845, %mul3A_1847 : vector<16xi32>
        %add3A_1849 = arith.addi %mul3A_1848, %add3A_9 : vector<16xi32>
        %swap3A_1850 = arith.constant 2 : i32
        %swap3A_1851 = arith.index_cast %swap3A_1850 : i32 to index
        %swap3A_1852 = arith.constant 96 : index
        %swap3A_1853 = tpu.vector_load %arg5[%swap3A_1851, %swap3A_1852] {strides = array<i32>} : memref<5x128xi32, #tpu.memory_space<vmem>>, vector<1x16xi32>,
        %swap3A_1854 = vector.shape_cast %swap3A_1853 : vector<1x16xi32> to vector<16xi32>
        %swap3A_1855 = vector.shape_cast %add3A_1849 : vector<16xi32> to vector<1x16xi32>
        tpu.vector_store %arg5[%swap3A_1851, %swap3A_1852], %swap3A_1855 {strides = array<i32>} : memref<5x128xi32, #tpu.memory_space<vmem>>, vector<1x16xi32>,
        %get3A_1856 = arith.constant 2 : i32
        %get3A_1857 = arith.index_cast %get3A_1856 : i32 to index
        %get3A_1858 = arith.constant 112 : index
        %get3A_1859 = tpu.vector_load %arg5[%get3A_1857, %get3A_1858] {strides = array<i32>} : memref<5x128xi32, #tpu.memory_space<vmem>>, vector<1x16xi32>,
        %get3A_1860 = vector.shape_cast %get3A_1859 : vector<1x16xi32> to vector<16xi32>
        %mul3A_1861 = arith.constant 2 : i32
        %mul3A_1862 = vector.broadcast %mul3A_1861 : i32 to vector<16xi32>
        %mul3A_1863 = arith.muli %get3A_1860, %mul3A_1862 : vector<16xi32>
        %add3A_1864 = arith.addi %mul3A_1863, %add3A_9 : vector<16xi32>
        %swap3A_1865 = arith.constant 2 : i32
        %swap3A_1866 = arith.index_cast %swap3A_1865 : i32 to index
        %swap3A_1867 = arith.constant 112 : index
        %swap3A_1868 = tpu.vector_load %arg5[%swap3A_1866, %swap3A_1867] {strides = array<i32>} : memref<5x128xi32, #tpu.memory_space<vmem>>, vector<1x16xi32>,
        %swap3A_1869 = vector.shape_cast %swap3A_1868 : vector<1x16xi32> to vector<16xi32>
        %swap3A_1870 = vector.shape_cast %add3A_1864 : vector<16xi32> to vector<1x16xi32>
        tpu.vector_store %arg5[%swap3A_1866, %swap3A_1867], %swap3A_1870 {strides = array<i32>} : memref<5x128xi32, #tpu.memory_space<vmem>>, vector<1x16xi32>,
        %get3A_1871 = arith.constant 3 : i32
        %get3A_1872 = arith.index_cast %get3A_1871 : i32 to index
        %get3A_1873 = arith.constant 0 : index
        %get3A_1874 = tpu.vector_load %arg5[%get3A_1872, %get3A_1873] {strides = array<i32>} : memref<5x128xi32, #tpu.memory_space<vmem>>, vector<1x16xi32>,
        %get3A_1875 = vector.shape_cast %get3A_1874 : vector<1x16xi32> to vector<16xi32>
        %mul3A_1876 = arith.constant 2 : i32
        %mul3A_1877 = vector.broadcast %mul3A_1876 : i32 to vector<16xi32>
        %mul3A_1878 = arith.muli %get3A_1875, %mul3A_1877 : vector<16xi32>
        %add3A_1879 = arith.addi %mul3A_1878, %add3A_9 : vector<16xi32>
        %swap3A_1880 = arith.constant 3 : i32
        %swap3A_1881 = arith.index_cast %swap3A_1880 : i32 to index
        %swap3A_1882 = arith.constant 0 : index
        %swap3A_1883 = tpu.vector_load %arg5[%swap3A_1881, %swap3A_1882] {strides = array<i32>} : memref<5x128xi32, #tpu.memory_space<vmem>>, vector<1x16xi32>,
        %swap3A_1884 = vector.shape_cast %swap3A_1883 : vector<1x16xi32> to vector<16xi32>
        %swap3A_1885 = vector.shape_cast %add3A_1879 : vector<16xi32> to vector<1x16xi32>
        tpu.vector_store %arg5[%swap3A_1881, %swap3A_1882], %swap3A_1885 {strides = array<i32>} : memref<5x128xi32, #tpu.memory_space<vmem>>, vector<1x16xi32>,
        %get3A_1886 = arith.constant 3 : i32
        %get3A_1887 = arith.index_cast %get3A_1886 : i32 to index
        %get3A_1888 = arith.constant 16 : index
        %get3A_1889 = tpu.vector_load %arg5[%get3A_1887, %get3A_1888] {strides = array<i32>} : memref<5x128xi32, #tpu.memory_space<vmem>>, vector<1x16xi32>,
        %get3A_1890 = vector.shape_cast %get3A_1889 : vector<1x16xi32> to vector<16xi32>
        %mul3A_1891 = arith.constant 2 : i32
        %mul3A_1892 = vector.broadcast %mul3A_1891 : i32 to vector<16xi32>
        %mul3A_1893 = arith.muli %get3A_1890, %mul3A_1892 : vector<16xi32>
        %add3A_1894 = arith.addi %mul3A_1893, %add3A_9 : vector<16xi32>
        %swap3A_1895 = arith.constant 3 : i32
        %swap3A_1896 = arith.index_cast %swap3A_1895 : i32 to index
        %swap3A_1897 = arith.constant 16 : index
        %swap3A_1898 = tpu.vector_load %arg5[%swap3A_1896, %swap3A_1897] {strides = array<i32>} : memref<5x128xi32, #tpu.memory_space<vmem>>, vector<1x16xi32>,
        %swap3A_1899 = vector.shape_cast %swap3A_1898 : vector<1x16xi32> to vector<16xi32>
        %swap3A_1900 = vector.shape_cast %add3A_1894 : vector<16xi32> to vector<1x16xi32>
        tpu.vector_store %arg5[%swap3A_1896, %swap3A_1897], %swap3A_1900 {strides = array<i32>} : memref<5x128xi32, #tpu.memory_space<vmem>>, vector<1x16xi32>,
        %get3A_1901 = arith.constant 3 : i32
        %get3A_1902 = arith.index_cast %get3A_1901 : i32 to index
        %get3A_1903 = arith.constant 32 : index
        %get3A_1904 = tpu.vector_load %arg5[%get3A_1902, %get3A_1903] {strides = array<i32>} : memref<5x128xi32, #tpu.memory_space<vmem>>, vector<1x16xi32>,
        %get3A_1905 = vector.shape_cast %get3A_1904 : vector<1x16xi32> to vector<16xi32>
        %mul3A_1906 = arith.constant 2 : i32
        %mul3A_1907 = vector.broadcast %mul3A_1906 : i32 to vector<16xi32>
        %mul3A_1908 = arith.muli %get3A_1905, %mul3A_1907 : vector<16xi32>
        %add3A_1909 = arith.addi %mul3A_1908, %add3A_9 : vector<16xi32>
        %swap3A_1910 = arith.constant 3 : i32
        %swap3A_1911 = arith.index_cast %swap3A_1910 : i32 to index
        %swap3A_1912 = arith.constant 32 : index
        %swap3A_1913 = tpu.vector_load %arg5[%swap3A_1911, %swap3A_1912] {strides = array<i32>} : memref<5x128xi32, #tpu.memory_space<vmem>>, vector<1x16xi32>,
        %swap3A_1914 = vector.shape_cast %swap3A_1913 : vector<1x16xi32> to vector<16xi32>
        %swap3A_1915 = vector.shape_cast %add3A_1909 : vector<16xi32> to vector<1x16xi32>
        tpu.vector_store %arg5[%swap3A_1911, %swap3A_1912], %swap3A_1915 {strides = array<i32>} : memref<5x128xi32, #tpu.memory_space<vmem>>, vector<1x16xi32>,
        %get3A_1916 = arith.constant 3 : i32
        %get3A_1917 = arith.index_cast %get3A_1916 : i32 to index
        %get3A_1918 = arith.constant 48 : index
        %get3A_1919 = tpu.vector_load %arg5[%get3A_1917, %get3A_1918] {strides = array<i32>} : memref<5x128xi32, #tpu.memory_space<vmem>>, vector<1x16xi32>,
        %get3A_1920 = vector.shape_cast %get3A_1919 : vector<1x16xi32> to vector<16xi32>
        %mul3A_1921 = arith.constant 2 : i32
        %mul3A_1922 = vector.broadcast %mul3A_1921 : i32 to vector<16xi32>
        %mul3A_1923 = arith.muli %get3A_1920, %mul3A_1922 : vector<16xi32>
        %add3A_1924 = arith.addi %mul3A_1923, %add3A_9 : vector<16xi32>
        %swap3A_1925 = arith.constant 3 : i32
        %swap3A_1926 = arith.index_cast %swap3A_1925 : i32 to index
        %swap3A_1927 = arith.constant 48 : index
        %swap3A_1928 = tpu.vector_load %arg5[%swap3A_1926, %swap3A_1927] {strides = array<i32>} : memref<5x128xi32, #tpu.memory_space<vmem>>, vector<1x16xi32>,
        %swap3A_1929 = vector.shape_cast %swap3A_1928 : vector<1x16xi32> to vector<16xi32>
        %swap3A_1930 = vector.shape_cast %add3A_1924 : vector<16xi32> to vector<1x16xi32>
        tpu.vector_store %arg5[%swap3A_1926, %swap3A_1927], %swap3A_1930 {strides = array<i32>} : memref<5x128xi32, #tpu.memory_space<vmem>>, vector<1x16xi32>,
        %get3A_1931 = arith.constant 3 : i32
        %get3A_1932 = arith.index_cast %get3A_1931 : i32 to index
        %get3A_1933 = arith.constant 64 : index
        %get3A_1934 = tpu.vector_load %arg5[%get3A_1932, %get3A_1933] {strides = array<i32>} : memref<5x128xi32, #tpu.memory_space<vmem>>, vector<1x16xi32>,
        %get3A_1935 = vector.shape_cast %get3A_1934 : vector<1x16xi32> to vector<16xi32>
        %mul3A_1936 = arith.constant 2 : i32
        %mul3A_1937 = vector.broadcast %mul3A_1936 : i32 to vector<16xi32>
        %mul3A_1938 = arith.muli %get3A_1935, %mul3A_1937 : vector<16xi32>
        %add3A_1939 = arith.addi %mul3A_1938, %add3A_9 : vector<16xi32>
        %swap3A_1940 = arith.constant 3 : i32
        %swap3A_1941 = arith.index_cast %swap3A_1940 : i32 to index
        %swap3A_1942 = arith.constant 64 : index
        %swap3A_1943 = tpu.vector_load %arg5[%swap3A_1941, %swap3A_1942] {strides = array<i32>} : memref<5x128xi32, #tpu.memory_space<vmem>>, vector<1x16xi32>,
        %swap3A_1944 = vector.shape_cast %swap3A_1943 : vector<1x16xi32> to vector<16xi32>
        %swap3A_1945 = vector.shape_cast %add3A_1939 : vector<16xi32> to vector<1x16xi32>
        tpu.vector_store %arg5[%swap3A_1941, %swap3A_1942], %swap3A_1945 {strides = array<i32>} : memref<5x128xi32, #tpu.memory_space<vmem>>, vector<1x16xi32>,
        %get3A_1946 = arith.constant 3 : i32
        %get3A_1947 = arith.index_cast %get3A_1946 : i32 to index
        %get3A_1948 = arith.constant 80 : index
        %get3A_1949 = tpu.vector_load %arg5[%get3A_1947, %get3A_1948] {strides = array<i32>} : memref<5x128xi32, #tpu.memory_space<vmem>>, vector<1x16xi32>,
        %get3A_1950 = vector.shape_cast %get3A_1949 : vector<1x16xi32> to vector<16xi32>
        %mul3A_1951 = arith.constant 2 : i32
        %mul3A_1952 = vector.broadcast %mul3A_1951 : i32 to vector<16xi32>
        %mul3A_1953 = arith.muli %get3A_1950, %mul3A_1952 : vector<16xi32>
        %add3A_1954 = arith.addi %mul3A_1953, %add3A_9 : vector<16xi32>
        %swap3A_1955 = arith.constant 3 : i32
        %swap3A_1956 = arith.index_cast %swap3A_1955 : i32 to index
        %swap3A_1957 = arith.constant 80 : index
        %swap3A_1958 = tpu.vector_load %arg5[%swap3A_1956, %swap3A_1957] {strides = array<i32>} : memref<5x128xi32, #tpu.memory_space<vmem>>, vector<1x16xi32>,
        %swap3A_1959 = vector.shape_cast %swap3A_1958 : vector<1x16xi32> to vector<16xi32>
        %swap3A_1960 = vector.shape_cast %add3A_1954 : vector<16xi32> to vector<1x16xi32>
        tpu.vector_store %arg5[%swap3A_1956, %swap3A_1957], %swap3A_1960 {strides = array<i32>} : memref<5x128xi32, #tpu.memory_space<vmem>>, vector<1x16xi32>,
        %get3A_1961 = arith.constant 3 : i32
        %get3A_1962 = arith.index_cast %get3A_1961 : i32 to index
        %get3A_1963 = arith.constant 96 : index
        %get3A_1964 = tpu.vector_load %arg5[%get3A_1962, %get3A_1963] {strides = array<i32>} : memref<5x128xi32, #tpu.memory_space<vmem>>, vector<1x16xi32>,
        %get3A_1965 = vector.shape_cast %get3A_1964 : vector<1x16xi32> to vector<16xi32>
        %mul3A_1966 = arith.constant 2 : i32
        %mul3A_1967 = vector.broadcast %mul3A_1966 : i32 to vector<16xi32>
        %mul3A_1968 = arith.muli %get3A_1965, %mul3A_1967 : vector<16xi32>
        %add3A_1969 = arith.addi %mul3A_1968, %add3A_9 : vector<16xi32>
        %swap3A_1970 = arith.constant 3 : i32
        %swap3A_1971 = arith.index_cast %swap3A_1970 : i32 to index
        %swap3A_1972 = arith.constant 96 : index
        %swap3A_1973 = tpu.vector_load %arg5[%swap3A_1971, %swap3A_1972] {strides = array<i32>} : memref<5x128xi32, #tpu.memory_space<vmem>>, vector<1x16xi32>,
        %swap3A_1974 = vector.shape_cast %swap3A_1973 : vector<1x16xi32> to vector<16xi32>
        %swap3A_1975 = vector.shape_cast %add3A_1969 : vector<16xi32> to vector<1x16xi32>
        tpu.vector_store %arg5[%swap3A_1971, %swap3A_1972], %swap3A_1975 {strides = array<i32>} : memref<5x128xi32, #tpu.memory_space<vmem>>, vector<1x16xi32>,
        %get3A_1976 = arith.constant 3 : i32
        %get3A_1977 = arith.index_cast %get3A_1976 : i32 to index
        %get3A_1978 = arith.constant 112 : index
        %get3A_1979 = tpu.vector_load %arg5[%get3A_1977, %get3A_1978] {strides = array<i32>} : memref<5x128xi32, #tpu.memory_space<vmem>>, vector<1x16xi32>,
        %get3A_1980 = vector.shape_cast %get3A_1979 : vector<1x16xi32> to vector<16xi32>
        %mul3A_1981 = arith.constant 2 : i32
        %mul3A_1982 = vector.broadcast %mul3A_1981 : i32 to vector<16xi32>
        %mul3A_1983 = arith.muli %get3A_1980, %mul3A_1982 : vector<16xi32>
        %add3A_1984 = arith.addi %mul3A_1983, %add3A_9 : vector<16xi32>
        %swap3A_1985 = arith.constant 3 : i32
        %swap3A_1986 = arith.index_cast %swap3A_1985 : i32 to index
        %swap3A_1987 = arith.constant 112 : index
        %swap3A_1988 = tpu.vector_load %arg5[%swap3A_1986, %swap3A_1987] {strides = array<i32>} : memref<5x128xi32, #tpu.memory_space<vmem>>, vector<1x16xi32>,
        %swap3A_1989 = vector.shape_cast %swap3A_1988 : vector<1x16xi32> to vector<16xi32>
        %swap3A_1990 = vector.shape_cast %add3A_1984 : vector<16xi32> to vector<1x16xi32>
        tpu.vector_store %arg5[%swap3A_1986, %swap3A_1987], %swap3A_1990 {strides = array<i32>} : memref<5x128xi32, #tpu.memory_space<vmem>>, vector<1x16xi32>,
        %get3A_1991 = arith.constant 4 : i32
        %get3A_1992 = arith.index_cast %get3A_1991 : i32 to index
        %get3A_1993 = arith.constant 0 : index
        %get3A_1994 = tpu.vector_load %arg5[%get3A_1992, %get3A_1993] {strides = array<i32>} : memref<5x128xi32, #tpu.memory_space<vmem>>, vector<1x16xi32>,
        %get3A_1995 = vector.shape_cast %get3A_1994 : vector<1x16xi32> to vector<16xi32>
        %mul3A_1996 = arith.constant 2 : i32
        %mul3A_1997 = vector.broadcast %mul3A_1996 : i32 to vector<16xi32>
        %mul3A_1998 = arith.muli %get3A_1995, %mul3A_1997 : vector<16xi32>
        %add3A_1999 = arith.addi %mul3A_1998, %add3A_9 : vector<16xi32>
        %swap3A_2000 = arith.constant 4 : i32
        %swap3A_2001 = arith.index_cast %swap3A_2000 : i32 to index
        %swap3A_2002 = arith.constant 0 : index
        %swap3A_2003 = tpu.vector_load %arg5[%swap3A_2001, %swap3A_2002] {strides = array<i32>} : memref<5x128xi32, #tpu.memory_space<vmem>>, vector<1x16xi32>,
        %swap3A_2004 = vector.shape_cast %swap3A_2003 : vector<1x16xi32> to vector<16xi32>
        %swap3A_2005 = vector.shape_cast %add3A_1999 : vector<16xi32> to vector<1x16xi32>
        tpu.vector_store %arg5[%swap3A_2001, %swap3A_2002], %swap3A_2005 {strides = array<i32>} : memref<5x128xi32, #tpu.memory_space<vmem>>, vector<1x16xi32>,
        %get3A_2006 = arith.constant 4 : i32
        %get3A_2007 = arith.index_cast %get3A_2006 : i32 to index
        %get3A_2008 = arith.constant 16 : index
        %get3A_2009 = tpu.vector_load %arg5[%get3A_2007, %get3A_2008] {strides = array<i32>} : memref<5x128xi32, #tpu.memory_space<vmem>>, vector<1x16xi32>,
        %get3A_2010 = vector.shape_cast %get3A_2009 : vector<1x16xi32> to vector<16xi32>
        %mul3A_2011 = arith.constant 2 : i32
        %mul3A_2012 = vector.broadcast %mul3A_2011 : i32 to vector<16xi32>
        %mul3A_2013 = arith.muli %get3A_2010, %mul3A_2012 : vector<16xi32>
        %add3A_2014 = arith.addi %mul3A_2013, %add3A_9 : vector<16xi32>
        %swap3A_2015 = arith.constant 4 : i32
        %swap3A_2016 = arith.index_cast %swap3A_2015 : i32 to index
        %swap3A_2017 = arith.constant 16 : index
        %swap3A_2018 = tpu.vector_load %arg5[%swap3A_2016, %swap3A_2017] {strides = array<i32>} : memref<5x128xi32, #tpu.memory_space<vmem>>, vector<1x16xi32>,
        %swap3A_2019 = vector.shape_cast %swap3A_2018 : vector<1x16xi32> to vector<16xi32>
        %swap3A_2020 = vector.shape_cast %add3A_2014 : vector<16xi32> to vector<1x16xi32>
        tpu.vector_store %arg5[%swap3A_2016, %swap3A_2017], %swap3A_2020 {strides = array<i32>} : memref<5x128xi32, #tpu.memory_space<vmem>>, vector<1x16xi32>,
        %get3A_2021 = arith.constant 4 : i32
        %get3A_2022 = arith.index_cast %get3A_2021 : i32 to index
        %get3A_2023 = arith.constant 32 : index
        %get3A_2024 = tpu.vector_load %arg5[%get3A_2022, %get3A_2023] {strides = array<i32>} : memref<5x128xi32, #tpu.memory_space<vmem>>, vector<1x16xi32>,
        %get3A_2025 = vector.shape_cast %get3A_2024 : vector<1x16xi32> to vector<16xi32>
        %mul3A_2026 = arith.constant 2 : i32
        %mul3A_2027 = vector.broadcast %mul3A_2026 : i32 to vector<16xi32>
        %mul3A_2028 = arith.muli %get3A_2025, %mul3A_2027 : vector<16xi32>
        %add3A_2029 = arith.addi %mul3A_2028, %add3A_9 : vector<16xi32>
        %swap3A_2030 = arith.constant 4 : i32
        %swap3A_2031 = arith.index_cast %swap3A_2030 : i32 to index
        %swap3A_2032 = arith.constant 32 : index
        %swap3A_2033 = tpu.vector_load %arg5[%swap3A_2031, %swap3A_2032] {strides = array<i32>} : memref<5x128xi32, #tpu.memory_space<vmem>>, vector<1x16xi32>,
        %swap3A_2034 = vector.shape_cast %swap3A_2033 : vector<1x16xi32> to vector<16xi32>
        %swap3A_2035 = vector.shape_cast %add3A_2029 : vector<16xi32> to vector<1x16xi32>
        tpu.vector_store %arg5[%swap3A_2031, %swap3A_2032], %swap3A_2035 {strides = array<i32>} : memref<5x128xi32, #tpu.memory_space<vmem>>, vector<1x16xi32>,
        %get3A_2036 = arith.constant 4 : i32
        %get3A_2037 = arith.index_cast %get3A_2036 : i32 to index
        %get3A_2038 = arith.constant 48 : index
        %get3A_2039 = tpu.vector_load %arg5[%get3A_2037, %get3A_2038] {strides = array<i32>} : memref<5x128xi32, #tpu.memory_space<vmem>>, vector<1x16xi32>,
        %get3A_2040 = vector.shape_cast %get3A_2039 : vector<1x16xi32> to vector<16xi32>
        %mul3A_2041 = arith.constant 2 : i32
        %mul3A_2042 = vector.broadcast %mul3A_2041 : i32 to vector<16xi32>
        %mul3A_2043 = arith.muli %get3A_2040, %mul3A_2042 : vector<16xi32>
        %add3A_2044 = arith.addi %mul3A_2043, %add3A_9 : vector<16xi32>
        %swap3A_2045 = arith.constant 4 : i32
        %swap3A_2046 = arith.index_cast %swap3A_2045 : i32 to index
        %swap3A_2047 = arith.constant 48 : index
        %swap3A_2048 = tpu.vector_load %arg5[%swap3A_2046, %swap3A_2047] {strides = array<i32>} : memref<5x128xi32, #tpu.memory_space<vmem>>, vector<1x16xi32>,
        %swap3A_2049 = vector.shape_cast %swap3A_2048 : vector<1x16xi32> to vector<16xi32>
        %swap3A_2050 = vector.shape_cast %add3A_2044 : vector<16xi32> to vector<1x16xi32>
        tpu.vector_store %arg5[%swap3A_2046, %swap3A_2047], %swap3A_2050 {strides = array<i32>} : memref<5x128xi32, #tpu.memory_space<vmem>>, vector<1x16xi32>,
        %get3A_2051 = arith.constant 4 : i32
        %get3A_2052 = arith.index_cast %get3A_2051 : i32 to index
        %get3A_2053 = arith.constant 64 : index
        %get3A_2054 = tpu.vector_load %arg5[%get3A_2052, %get3A_2053] {strides = array<i32>} : memref<5x128xi32, #tpu.memory_space<vmem>>, vector<1x16xi32>,
        %get3A_2055 = vector.shape_cast %get3A_2054 : vector<1x16xi32> to vector<16xi32>
        %mul3A_2056 = arith.constant 2 : i32
        %mul3A_2057 = vector.broadcast %mul3A_2056 : i32 to vector<16xi32>
        %mul3A_2058 = arith.muli %get3A_2055, %mul3A_2057 : vector<16xi32>
        %add3A_2059 = arith.addi %mul3A_2058, %add3A_9 : vector<16xi32>
        %swap3A_2060 = arith.constant 4 : i32
        %swap3A_2061 = arith.index_cast %swap3A_2060 : i32 to index
        %swap3A_2062 = arith.constant 64 : index
        %swap3A_2063 = tpu.vector_load %arg5[%swap3A_2061, %swap3A_2062] {strides = array<i32>} : memref<5x128xi32, #tpu.memory_space<vmem>>, vector<1x16xi32>,
        %swap3A_2064 = vector.shape_cast %swap3A_2063 : vector<1x16xi32> to vector<16xi32>
        %swap3A_2065 = vector.shape_cast %add3A_2059 : vector<16xi32> to vector<1x16xi32>
        tpu.vector_store %arg5[%swap3A_2061, %swap3A_2062], %swap3A_2065 {strides = array<i32>} : memref<5x128xi32, #tpu.memory_space<vmem>>, vector<1x16xi32>,
        %get3A_2066 = arith.constant 4 : i32
        %get3A_2067 = arith.index_cast %get3A_2066 : i32 to index
        %get3A_2068 = arith.constant 80 : index
        %get3A_2069 = tpu.vector_load %arg5[%get3A_2067, %get3A_2068] {strides = array<i32>} : memref<5x128xi32, #tpu.memory_space<vmem>>, vector<1x16xi32>,
        %get3A_2070 = vector.shape_cast %get3A_2069 : vector<1x16xi32> to vector<16xi32>
        %mul3A_2071 = arith.constant 2 : i32
        %mul3A_2072 = vector.broadcast %mul3A_2071 : i32 to vector<16xi32>
        %mul3A_2073 = arith.muli %get3A_2070, %mul3A_2072 : vector<16xi32>
        %add3A_2074 = arith.addi %mul3A_2073, %add3A_9 : vector<16xi32>
        %swap3A_2075 = arith.constant 4 : i32
        %swap3A_2076 = arith.index_cast %swap3A_2075 : i32 to index
        %swap3A_2077 = arith.constant 80 : index
        %swap3A_2078 = tpu.vector_load %arg5[%swap3A_2076, %swap3A_2077] {strides = array<i32>} : memref<5x128xi32, #tpu.memory_space<vmem>>, vector<1x16xi32>,
        %swap3A_2079 = vector.shape_cast %swap3A_2078 : vector<1x16xi32> to vector<16xi32>
        %swap3A_2080 = vector.shape_cast %add3A_2074 : vector<16xi32> to vector<1x16xi32>
        tpu.vector_store %arg5[%swap3A_2076, %swap3A_2077], %swap3A_2080 {strides = array<i32>} : memref<5x128xi32, #tpu.memory_space<vmem>>, vector<1x16xi32>,
        %get3A_2081 = arith.constant 4 : i32
        %get3A_2082 = arith.index_cast %get3A_2081 : i32 to index
        %get3A_2083 = arith.constant 96 : index
        %get3A_2084 = tpu.vector_load %arg5[%get3A_2082, %get3A_2083] {strides = array<i32>} : memref<5x128xi32, #tpu.memory_space<vmem>>, vector<1x16xi32>,
        %get3A_2085 = vector.shape_cast %get3A_2084 : vector<1x16xi32> to vector<16xi32>
        %mul3A_2086 = arith.constant 2 : i32
        %mul3A_2087 = vector.broadcast %mul3A_2086 : i32 to vector<16xi32>
        %mul3A_2088 = arith.muli %get3A_2085, %mul3A_2087 : vector<16xi32>
        %add3A_2089 = arith.addi %mul3A_2088, %add3A_9 : vector<16xi32>
        %swap3A_2090 = arith.constant 4 : i32
        %swap3A_2091 = arith.index_cast %swap3A_2090 : i32 to index
        %swap3A_2092 = arith.constant 96 : index
        %swap3A_2093 = tpu.vector_load %arg5[%swap3A_2091, %swap3A_2092] {strides = array<i32>} : memref<5x128xi32, #tpu.memory_space<vmem>>, vector<1x16xi32>,
        %swap3A_2094 = vector.shape_cast %swap3A_2093 : vector<1x16xi32> to vector<16xi32>
        %swap3A_2095 = vector.shape_cast %add3A_2089 : vector<16xi32> to vector<1x16xi32>
        tpu.vector_store %arg5[%swap3A_2091, %swap3A_2092], %swap3A_2095 {strides = array<i32>} : memref<5x128xi32, #tpu.memory_space<vmem>>, vector<1x16xi32>,
        %get3A_2096 = arith.constant 4 : i32
        %get3A_2097 = arith.index_cast %get3A_2096 : i32 to index
        %get3A_2098 = arith.constant 112 : index
        %get3A_2099 = tpu.vector_load %arg5[%get3A_2097, %get3A_2098] {strides = array<i32>} : memref<5x128xi32, #tpu.memory_space<vmem>>, vector<1x16xi32>,
        %get3A_2100 = vector.shape_cast %get3A_2099 : vector<1x16xi32> to vector<16xi32>
        %mul3A_2101 = arith.constant 2 : i32
        %mul3A_2102 = vector.broadcast %mul3A_2101 : i32 to vector<16xi32>
        %mul3A_2103 = arith.muli %get3A_2100, %mul3A_2102 : vector<16xi32>
        %add3A_2104 = arith.addi %mul3A_2103, %add3A_9 : vector<16xi32>
        %swap3A_2105 = arith.constant 4 : i32
        %swap3A_2106 = arith.index_cast %swap3A_2105 : i32 to index
        %swap3A_2107 = arith.constant 112 : index
        %swap3A_2108 = tpu.vector_load %arg5[%swap3A_2106, %swap3A_2107] {strides = array<i32>} : memref<5x128xi32, #tpu.memory_space<vmem>>, vector<1x16xi32>,
        %swap3A_2109 = vector.shape_cast %swap3A_2108 : vector<1x16xi32> to vector<16xi32>
        %swap3A_2110 = vector.shape_cast %add3A_2104 : vector<16xi32> to vector<1x16xi32>
        tpu.vector_store %arg5[%swap3A_2106, %swap3A_2107], %swap3A_2110 {strides = array<i32>} : memref<5x128xi32, #tpu.memory_space<vmem>>, vector<1x16xi32>,
        %dma_start3A_2111 = arith.constant 0 : i32
        %dma_start3A_2112 = arith.constant 0 : i32
        %dma_start3A_2113 = arith.constant 0 : i32
        %dma_start3A_2114 = tpu.memref_slice %arg7[%dma_start3A_2112, %dma_start3A_2113] : memref<640x64xf32, #tpu.memory_space<vmem>> -> memref<128x64xf32, #tpu.memory_space<vmem>>
        %dma_start3A_2115 = arith.constant 0 : i32
        %dma_start3A_2116 = tpu.memref_slice %arg5[%dma_start3A_2111, %dma_start3A_2115] : memref<5x128xi32, #tpu.memory_space<vmem>> -> memref<1x128xi32, #tpu.memory_space<vmem>>
        %dma_start3A_2117 = tpu.memref_squeeze %dma_start3A_2116 : memref<1x128xi32, #tpu.memory_space<vmem>> -> memref<128xi32, #tpu.memory_space<vmem>>
        %dma_start3A_2118 = arith.constant 0 : i32
        %dma_start3A_2119 = arith.constant 0 : i32
        %dma_start3A_2120 = tpu.memref_slice %arg3[%dma_start3A_2118, %dma_start3A_2119] : memref<131072x64xf32, #tpu.memory_space<hbm>> -> memref<131072x64xf32, #tpu.memory_space<hbm>>
        tpu.enqueue_indirect_dma source(%dma_start3A_2120 : memref<131072x64xf32, #tpu.memory_space<hbm>>) target(%dma_start3A_2114 : memref<128x64xf32, #tpu.memory_space<vmem>>) offsets(%dma_start3A_2117 : memref<128xi32, #tpu.memory_space<vmem>>) semaphore(%arg9 : memref<!tpu.dma_semaphore, #tpu.memory_space<semaphore_mem>>)
        %dma_start3A_2121 = arith.constant 1 : i32
        %dma_start3A_2122 = arith.constant 128 : i32
        %dma_start3A_2123 = arith.constant 0 : i32
        %dma_start3A_2124 = tpu.memref_slice %arg7[%dma_start3A_2122, %dma_start3A_2123] : memref<640x64xf32, #tpu.memory_space<vmem>> -> memref<128x64xf32, #tpu.memory_space<vmem>>
        %dma_start3A_2125 = arith.constant 0 : i32
        %dma_start3A_2126 = tpu.memref_slice %arg5[%dma_start3A_2121, %dma_start3A_2125] : memref<5x128xi32, #tpu.memory_space<vmem>> -> memref<1x128xi32, #tpu.memory_space<vmem>>
        %dma_start3A_2127 = tpu.memref_squeeze %dma_start3A_2126 : memref<1x128xi32, #tpu.memory_space<vmem>> -> memref<128xi32, #tpu.memory_space<vmem>>
        %dma_start3A_2128 = arith.constant 0 : i32
        %dma_start3A_2129 = arith.constant 0 : i32
        %dma_start3A_2130 = tpu.memref_slice %arg3[%dma_start3A_2128, %dma_start3A_2129] : memref<131072x64xf32, #tpu.memory_space<hbm>> -> memref<131072x64xf32, #tpu.memory_space<hbm>>
        tpu.enqueue_indirect_dma source(%dma_start3A_2130 : memref<131072x64xf32, #tpu.memory_space<hbm>>) target(%dma_start3A_2124 : memref<128x64xf32, #tpu.memory_space<vmem>>) offsets(%dma_start3A_2127 : memref<128xi32, #tpu.memory_space<vmem>>) semaphore(%arg9 : memref<!tpu.dma_semaphore, #tpu.memory_space<semaphore_mem>>)
        %dma_start3A_2131 = arith.constant 2 : i32
        %dma_start3A_2132 = arith.constant 256 : i32
        %dma_start3A_2133 = arith.constant 0 : i32
        %dma_start3A_2134 = tpu.memref_slice %arg7[%dma_start3A_2132, %dma_start3A_2133] : memref<640x64xf32, #tpu.memory_space<vmem>> -> memref<128x64xf32, #tpu.memory_space<vmem>>
        %dma_start3A_2135 = arith.constant 0 : i32
        %dma_start3A_2136 = tpu.memref_slice %arg5[%dma_start3A_2131, %dma_start3A_2135] : memref<5x128xi32, #tpu.memory_space<vmem>> -> memref<1x128xi32, #tpu.memory_space<vmem>>
        %dma_start3A_2137 = tpu.memref_squeeze %dma_start3A_2136 : memref<1x128xi32, #tpu.memory_space<vmem>> -> memref<128xi32, #tpu.memory_space<vmem>>
        %dma_start3A_2138 = arith.constant 0 : i32
        %dma_start3A_2139 = arith.constant 0 : i32
        %dma_start3A_2140 = tpu.memref_slice %arg3[%dma_start3A_2138, %dma_start3A_2139] : memref<131072x64xf32, #tpu.memory_space<hbm>> -> memref<131072x64xf32, #tpu.memory_space<hbm>>
        tpu.enqueue_indirect_dma source(%dma_start3A_2140 : memref<131072x64xf32, #tpu.memory_space<hbm>>) target(%dma_start3A_2134 : memref<128x64xf32, #tpu.memory_space<vmem>>) offsets(%dma_start3A_2137 : memref<128xi32, #tpu.memory_space<vmem>>) semaphore(%arg9 : memref<!tpu.dma_semaphore, #tpu.memory_space<semaphore_mem>>)
        %dma_start3A_2141 = arith.constant 3 : i32
        %dma_start3A_2142 = arith.constant 384 : i32
        %dma_start3A_2143 = arith.constant 0 : i32
        %dma_start3A_2144 = tpu.memref_slice %arg7[%dma_start3A_2142, %dma_start3A_2143] : memref<640x64xf32, #tpu.memory_space<vmem>> -> memref<128x64xf32, #tpu.memory_space<vmem>>
        %dma_start3A_2145 = arith.constant 0 : i32
        %dma_start3A_2146 = tpu.memref_slice %arg5[%dma_start3A_2141, %dma_start3A_2145] : memref<5x128xi32, #tpu.memory_space<vmem>> -> memref<1x128xi32, #tpu.memory_space<vmem>>
        %dma_start3A_2147 = tpu.memref_squeeze %dma_start3A_2146 : memref<1x128xi32, #tpu.memory_space<vmem>> -> memref<128xi32, #tpu.memory_space<vmem>>
        %dma_start3A_2148 = arith.constant 0 : i32
        %dma_start3A_2149 = arith.constant 0 : i32
        %dma_start3A_2150 = tpu.memref_slice %arg3[%dma_start3A_2148, %dma_start3A_2149] : memref<131072x64xf32, #tpu.memory_space<hbm>> -> memref<131072x64xf32, #tpu.memory_space<hbm>>
        tpu.enqueue_indirect_dma source(%dma_start3A_2150 : memref<131072x64xf32, #tpu.memory_space<hbm>>) target(%dma_start3A_2144 : memref<128x64xf32, #tpu.memory_space<vmem>>) offsets(%dma_start3A_2147 : memref<128xi32, #tpu.memory_space<vmem>>) semaphore(%arg9 : memref<!tpu.dma_semaphore, #tpu.memory_space<semaphore_mem>>)
        %dma_start3A_2151 = arith.constant 4 : i32
        %dma_start3A_2152 = arith.constant 512 : i32
        %dma_start3A_2153 = arith.constant 0 : i32
        %dma_start3A_2154 = tpu.memref_slice %arg7[%dma_start3A_2152, %dma_start3A_2153] : memref<640x64xf32, #tpu.memory_space<vmem>> -> memref<128x64xf32, #tpu.memory_space<vmem>>
        %dma_start3A_2155 = arith.constant 0 : i32
        %dma_start3A_2156 = tpu.memref_slice %arg5[%dma_start3A_2151, %dma_start3A_2155] : memref<5x128xi32, #tpu.memory_space<vmem>> -> memref<1x128xi32, #tpu.memory_space<vmem>>
        %dma_start3A_2157 = tpu.memref_squeeze %dma_start3A_2156 : memref<1x128xi32, #tpu.memory_space<vmem>> -> memref<128xi32, #tpu.memory_space<vmem>>
        %dma_start3A_2158 = arith.constant 0 : i32
        %dma_start3A_2159 = arith.constant 0 : i32
        %dma_start3A_2160 = tpu.memref_slice %arg3[%dma_start3A_2158, %dma_start3A_2159] : memref<131072x64xf32, #tpu.memory_space<hbm>> -> memref<131072x64xf32, #tpu.memory_space<hbm>>
        tpu.enqueue_indirect_dma source(%dma_start3A_2160 : memref<131072x64xf32, #tpu.memory_space<hbm>>) target(%dma_start3A_2154 : memref<128x64xf32, #tpu.memory_space<vmem>>) offsets(%dma_start3A_2157 : memref<128xi32, #tpu.memory_space<vmem>>) semaphore(%arg9 : memref<!tpu.dma_semaphore, #tpu.memory_space<semaphore_mem>>)
      } else {
      }
      %dma_wait3A_1424 = arith.constant 0 : i32
      %dma_wait3A_1425 = arith.constant 0 : i32
      %dma_wait3A_1426 = arith.constant 0 : i32
      %dma_wait3A_1427 = tpu.memref_slice %arg8[%dma_wait3A_1425, %dma_wait3A_1426] : memref<640x64xf32, #tpu.memory_space<vmem>> -> memref<128x64xf32, #tpu.memory_space<vmem>>
      %dma_wait3A_1428 = arith.constant 0 : i32
      %dma_wait3A_1429 = tpu.memref_slice %arg6[%dma_wait3A_1424, %dma_wait3A_1428] : memref<5x128xi32, #tpu.memory_space<vmem>> -> memref<1x128xi32, #tpu.memory_space<vmem>>
      %dma_wait3A_1430 = tpu.memref_squeeze %dma_wait3A_1429 : memref<1x128xi32, #tpu.memory_space<vmem>> -> memref<128xi32, #tpu.memory_space<vmem>>
      %dma_wait3A_1431 = arith.constant 0 : i32
      %dma_wait3A_1432 = arith.constant 0 : i32
      %dma_wait3A_1433 = tpu.memref_slice %arg3[%dma_wait3A_1431, %dma_wait3A_1432] : memref<131072x64xf32, #tpu.memory_space<hbm>> -> memref<131072x64xf32, #tpu.memory_space<hbm>>
      tpu.wait_indirect_dma semaphore(%arg10 : memref<!tpu.dma_semaphore, #tpu.memory_space<semaphore_mem>>) src(%dma_wait3A_1433 : memref<131072x64xf32, #tpu.memory_space<hbm>>) dst(%dma_wait3A_1427 : memref<128x64xf32, #tpu.memory_space<vmem>>)
      %dma_wait3A_1434 = arith.constant 1 : i32
      %dma_wait3A_1435 = arith.constant 128 : i32
      %dma_wait3A_1436 = arith.constant 0 : i32
      %dma_wait3A_1437 = tpu.memref_slice %arg8[%dma_wait3A_1435, %dma_wait3A_1436] : memref<640x64xf32, #tpu.memory_space<vmem>> -> memref<128x64xf32, #tpu.memory_space<vmem>>
      %dma_wait3A_1438 = arith.constant 0 : i32
      %dma_wait3A_1439 = tpu.memref_slice %arg6[%dma_wait3A_1434, %dma_wait3A_1438] : memref<5x128xi32, #tpu.memory_space<vmem>> -> memref<1x128xi32, #tpu.memory_space<vmem>>
      %dma_wait3A_1440 = tpu.memref_squeeze %dma_wait3A_1439 : memref<1x128xi32, #tpu.memory_space<vmem>> -> memref<128xi32, #tpu.memory_space<vmem>>
      %dma_wait3A_1441 = arith.constant 0 : i32
      %dma_wait3A_1442 = arith.constant 0 : i32
      %dma_wait3A_1443 = tpu.memref_slice %arg3[%dma_wait3A_1441, %dma_wait3A_1442] : memref<131072x64xf32, #tpu.memory_space<hbm>> -> memref<131072x64xf32, #tpu.memory_space<hbm>>
      tpu.wait_indirect_dma semaphore(%arg10 : memref<!tpu.dma_semaphore, #tpu.memory_space<semaphore_mem>>) src(%dma_wait3A_1443 : memref<131072x64xf32, #tpu.memory_space<hbm>>) dst(%dma_wait3A_1437 : memref<128x64xf32, #tpu.memory_space<vmem>>)
      %dma_wait3A_1444 = arith.constant 2 : i32
      %dma_wait3A_1445 = arith.constant 256 : i32
      %dma_wait3A_1446 = arith.constant 0 : i32
      %dma_wait3A_1447 = tpu.memref_slice %arg8[%dma_wait3A_1445, %dma_wait3A_1446] : memref<640x64xf32, #tpu.memory_space<vmem>> -> memref<128x64xf32, #tpu.memory_space<vmem>>
      %dma_wait3A_1448 = arith.constant 0 : i32
      %dma_wait3A_1449 = tpu.memref_slice %arg6[%dma_wait3A_1444, %dma_wait3A_1448] : memref<5x128xi32, #tpu.memory_space<vmem>> -> memref<1x128xi32, #tpu.memory_space<vmem>>
      %dma_wait3A_1450 = tpu.memref_squeeze %dma_wait3A_1449 : memref<1x128xi32, #tpu.memory_space<vmem>> -> memref<128xi32, #tpu.memory_space<vmem>>
      %dma_wait3A_1451 = arith.constant 0 : i32
      %dma_wait3A_1452 = arith.constant 0 : i32
      %dma_wait3A_1453 = tpu.memref_slice %arg3[%dma_wait3A_1451, %dma_wait3A_1452] : memref<131072x64xf32, #tpu.memory_space<hbm>> -> memref<131072x64xf32, #tpu.memory_space<hbm>>
      tpu.wait_indirect_dma semaphore(%arg10 : memref<!tpu.dma_semaphore, #tpu.memory_space<semaphore_mem>>) src(%dma_wait3A_1453 : memref<131072x64xf32, #tpu.memory_space<hbm>>) dst(%dma_wait3A_1447 : memref<128x64xf32, #tpu.memory_space<vmem>>)
      %dma_wait3A_1454 = arith.constant 3 : i32
      %dma_wait3A_1455 = arith.constant 384 : i32
      %dma_wait3A_1456 = arith.constant 0 : i32
      %dma_wait3A_1457 = tpu.memref_slice %arg8[%dma_wait3A_1455, %dma_wait3A_1456] : memref<640x64xf32, #tpu.memory_space<vmem>> -> memref<128x64xf32, #tpu.memory_space<vmem>>
      %dma_wait3A_1458 = arith.constant 0 : i32
      %dma_wait3A_1459 = tpu.memref_slice %arg6[%dma_wait3A_1454, %dma_wait3A_1458] : memref<5x128xi32, #tpu.memory_space<vmem>> -> memref<1x128xi32, #tpu.memory_space<vmem>>
      %dma_wait3A_1460 = tpu.memref_squeeze %dma_wait3A_1459 : memref<1x128xi32, #tpu.memory_space<vmem>> -> memref<128xi32, #tpu.memory_space<vmem>>
      %dma_wait3A_1461 = arith.constant 0 : i32
      %dma_wait3A_1462 = arith.constant 0 : i32
      %dma_wait3A_1463 = tpu.memref_slice %arg3[%dma_wait3A_1461, %dma_wait3A_1462] : memref<131072x64xf32, #tpu.memory_space<hbm>> -> memref<131072x64xf32, #tpu.memory_space<hbm>>
      tpu.wait_indirect_dma semaphore(%arg10 : memref<!tpu.dma_semaphore, #tpu.memory_space<semaphore_mem>>) src(%dma_wait3A_1463 : memref<131072x64xf32, #tpu.memory_space<hbm>>) dst(%dma_wait3A_1457 : memref<128x64xf32, #tpu.memory_space<vmem>>)
      %dma_wait3A_1464 = arith.constant 4 : i32
      %dma_wait3A_1465 = arith.constant 512 : i32
      %dma_wait3A_1466 = arith.constant 0 : i32
      %dma_wait3A_1467 = tpu.memref_slice %arg8[%dma_wait3A_1465, %dma_wait3A_1466] : memref<640x64xf32, #tpu.memory_space<vmem>> -> memref<128x64xf32, #tpu.memory_space<vmem>>
      %dma_wait3A_1468 = arith.constant 0 : i32
      %dma_wait3A_1469 = tpu.memref_slice %arg6[%dma_wait3A_1464, %dma_wait3A_1468] : memref<5x128xi32, #tpu.memory_space<vmem>> -> memref<1x128xi32, #tpu.memory_space<vmem>>
      %dma_wait3A_1470 = tpu.memref_squeeze %dma_wait3A_1469 : memref<1x128xi32, #tpu.memory_space<vmem>> -> memref<128xi32, #tpu.memory_space<vmem>>
      %dma_wait3A_1471 = arith.constant 0 : i32
      %dma_wait3A_1472 = arith.constant 0 : i32
      %dma_wait3A_1473 = tpu.memref_slice %arg3[%dma_wait3A_1471, %dma_wait3A_1472] : memref<131072x64xf32, #tpu.memory_space<hbm>> -> memref<131072x64xf32, #tpu.memory_space<hbm>>
      tpu.wait_indirect_dma semaphore(%arg10 : memref<!tpu.dma_semaphore, #tpu.memory_space<semaphore_mem>>) src(%dma_wait3A_1473 : memref<131072x64xf32, #tpu.memory_space<hbm>>) dst(%dma_wait3A_1467 : memref<128x64xf32, #tpu.memory_space<vmem>>)
      %add3A_1474 = arith.constant 1 : i32
      %add3A_1475 = arith.addi %add3A_685, %add3A_1474 : i32
      %mul3A_1476 = arith.constant 640 : i32
      %mul3A_1477 = arith.muli %add3A_1475, %mul3A_1476 : i32
      %add3A_1478 = arith.addi %mul3A_2, %mul3A_1477 : i32
      %multiple_of3A_1479 = tpu.assume_multiple %add3A_1478, 640 : i32
      "tpu.region"() ({
        %run_scoped3A = tpu.sem_alloc : memref<!tpu.dma_semaphore, #tpu.memory_space<semaphore_mem>>
        %dma_start3A_1480 = arith.constant 0 : i32
        %dma_start3A_1481 = tpu.memref_slice %arg4[%multiple_of3A_1479, %dma_start3A_1480] : memref<819200x64xf32, #tpu.memory_space<hbm>> -> memref<640x64xf32, #tpu.memory_space<hbm>>
        %dma_start3A_1482 = arith.constant 0 : i32
        %dma_start3A_1483 = tpu.memref_slice %arg4[%multiple_of3A_1479, %dma_start3A_1482] : memref<819200x64xf32, #tpu.memory_space<hbm>> -> memref<640x64xf32, #tpu.memory_space<hbm>>
        tpu.enqueue_dma source(%arg8 : memref<640x64xf32, #tpu.memory_space<vmem>>) target(%dma_start3A_1483 : memref<640x64xf32, #tpu.memory_space<hbm>>) target_semaphore(%run_scoped3A : memref<!tpu.dma_semaphore, #tpu.memory_space<semaphore_mem>>)
        %dma_wait3A_1484 = arith.constant 0 : i32
        %dma_wait3A_1485 = tpu.memref_slice %arg4[%multiple_of3A_1479, %dma_wait3A_1484] : memref<819200x64xf32, #tpu.memory_space<hbm>> -> memref<640x64xf32, #tpu.memory_space<hbm>>
        %dma_wait3A_1486 = arith.constant 0 : i32
        %dma_wait3A_1487 = tpu.memref_slice %arg4[%multiple_of3A_1479, %dma_wait3A_1486] : memref<819200x64xf32, #tpu.memory_space<hbm>> -> memref<640x64xf32, #tpu.memory_space<hbm>>
        tpu.wait_dma2 semaphore(%run_scoped3A : memref<!tpu.dma_semaphore, #tpu.memory_space<semaphore_mem>>) src(%arg8 : memref<640x64xf32, #tpu.memory_space<vmem>>) dst(%dma_wait3A_1487 : memref<640x64xf32, #tpu.memory_space<hbm>>)
        tpu.yield
      }) : () -> ()
    }
    %scan3A_680 = arith.constant 20 : i32
    return
  }
}

module attributes {stable_mosaic.version = 14 : i64} {
  func.func @_expand_body(%arg0: i32, %arg1: memref<1x8192x64xf32, #tpu.memory_space<vmem>>, %arg2: memref<16x64xf32, #tpu.memory_space<vmem>>, %arg3: memref<8192x128xf32, #tpu.memory_space<vmem>>) attributes {dimension_semantics = [#tpu.dimension_semantics<arbitrary>], iteration_bounds = array<i64: 8>, scalar_prefetch = 0 : i64, scratch_operands = 0 : i64, tpu.core_type = #tpu.core_type<tc>, window_params = [{transform_indices = @transform_0, window_bounds = array<i64: 1, 8192, 64>}, {pipeline_mode = #tpu.pipeline_mode<synchronous>, transform_indices = @transform_1, window_bounds = array<i64: 16, 64>}, {transform_indices = @transform_2, window_bounds = array<i64: 8192, 128>}]} {
    %get3A = arith.constant 0 : index
    %get3A_0 = arith.constant 0 : index
    %get3A_1 = arith.constant 0 : index
    %get3A_2 = vector.load %arg1[%get3A, %get3A_0, %get3A_1] : memref<1x8192x64xf32, #tpu.memory_space<vmem>>, vector<1x8192x64xf32>
    %get3A_3 = vector.shape_cast %get3A_2 : vector<1x8192x64xf32> to vector<8192x64xf32>
    %get3A_4 = arith.index_cast %arg0 : i32 to index
    %get3A_5 = arith.constant 0 : index
    %get3A_6 = vector.load %arg2[%get3A_4, %get3A_5] : memref<16x64xf32, #tpu.memory_space<vmem>>, vector<1x64xf32>
    %add3A = arith.constant 8 : i32
    %add3A_7 = arith.addi %add3A, %arg0 : i32
    %get3A_8 = arith.index_cast %add3A_7 : i32 to index
    %get3A_9 = arith.constant 0 : index
    %get3A_10 = vector.load %arg2[%get3A_8, %get3A_9] : memref<16x64xf32, #tpu.memory_space<vmem>>, vector<1x64xf32>
    %add3A_11 = vector.broadcast %get3A_6 : vector<1x64xf32> to vector<8192x64xf32>
    %add3A_12 = arith.addf %get3A_3, %add3A_11 : vector<8192x64xf32>
    %add3A_13 = vector.broadcast %get3A_10 : vector<1x64xf32> to vector<8192x64xf32>
    %add3A_14 = arith.addf %get3A_3, %add3A_13 : vector<8192x64xf32>
    %concatenate3A = tpu.concatenate %add3A_12, %add3A_14 in 1 : vector<8192x64xf32>, vector<8192x64xf32> -> vector<8192x128xf32>
    %swap3A = arith.constant 0 : index
    %swap3A_15 = arith.constant 0 : index
    %swap3A_16 = vector.load %arg3[%swap3A, %swap3A_15] : memref<8192x128xf32, #tpu.memory_space<vmem>>, vector<8192x128xf32>
    tpu.vector_store %arg3[%swap3A, %swap3A_15], %concatenate3A {strides = array<i32>} : memref<8192x128xf32, #tpu.memory_space<vmem>>, vector<8192x128xf32>,
    return
  }
  func.func @transform_0(%arg0: i32) -> (i32, i32, i32) {
    %c0_i32 = arith.constant 0 : i32
    %c0_i32_0 = arith.constant 0 : i32
    %c0_i32_1 = arith.constant 0 : i32
    return %arg0, %c0_i32, %c0_i32_0 : i32, i32, i32
  }
  func.func @transform_1(%arg0: i32) -> (i32, i32) {
    %c0_i32 = arith.constant 0 : i32
    %c0_i32_0 = arith.constant 0 : i32
    %c0_i32_1 = arith.constant 0 : i32
    return %c0_i32, %c0_i32_0 : i32, i32
  }
  func.func @transform_2(%arg0: i32) -> (i32, i32) {
    %c0_i32 = arith.constant 0 : i32
    %c0_i32_0 = arith.constant 0 : i32
    return %arg0, %c0_i32 : i32, i32
  }
}

</mosaic_0001>

<sc_bundles>
// kernel: kernel.4.cloned.1.call-start
scs
__scs_entry_jumppad:
0x0: {  	(pc) =	sbr.rel $0x88, $3  }
0x1: {  	(tag) =	ssettag $0x0;
	lr =	simm.s32 $0x1  }
0x2: {  	[smem:$0x3F9E] =	sst lr;
	_ =	strace $0xD0000000  }
0x3: {  	_ = 	snop  }
0x4: {  	_ = 	snop  }
0x5: {  	_ = 	snop  }
0x6: {  	_ = 	snop  }
0x7: {  	_ = 	snop  }
__scs_overlays_trampoline_lowered:
0x8: {  	[smem:$0x3FAD] =	sst s0  }
0x9: {  	[smem:$0x3FAE] =	sst s1  }
0xa: {  	[smem:$0x3FAF] =	sst s2  }
0xb: {  	[smem:$0x3FB0] =	sst s3  }
0xc: {  	[smem:$0x3FB1] =	sst s4  }
0xd: {  	[smem:$0x3FB2] =	sst s5  }
0xe: {  	[smem:$0x3FB3] =	sst s6  }
0xf: {  	[smem:$0x3FB4] =	sst s7  }
0x10: {  	[smem:$0x3FB5] =	sst s8  }
0x11: {  	[smem:$0x3FB6] =	sst s9;
	s0 =	simm.s32 @!p0 $0x0  }
0x12: {  	s1 =	sld [smem:$0x3F9C];
	s0 =	simm.s32 @p0 $0x1  }
0x13: {  	[smem:$0x3FB7] =	sst s0;
	s0 =	simm.s32 @!p1 $0x0  }
0x14: {  	s2 =	sld [smem:$0x3F9B];
	s0 =	simm.s32 @p1 $0x1  }
0x15: {  	[smem:$0x3FB8] =	sst s0;
	s0 =	simm.s32 @!p2 $0x0  }
0x16: {  	s3 =	sld [smem:$0x3FDB];
	s0 =	simm.s32 @p2 $0x1  }
0x17: {  	s4 =	simm.s32 $0x1BF5;
	[smem:$0x3FBA] =	sst s0  }
0x18: {  	s0 =	sld [smem:$0x3F9D];
	_ =	swait.ge [sflag:s4], $0x0  }
0x19: {  	s7 =	sld [smem:$0x3F9E]  }
0x1a: {  	s8 =	sadd.s32 $0xFFFFE003, lr  }
0x1b: {  	s9 =	sadd.s32 $0xFFFFFEF7, lr;
	s5 =	simm.s32 $0xFFFFFFFF;
	p2 =	slt.u32 s8, $0xFFFFF086  }
0x1c: {  	p1 =	slt.u32 s9, $0xF7A;
	s5 =	simm.s32 @!p2 $0x0  }
0x1d: {  	s5 =	simm.s32 @p1 $0x1;
	p0 =	seq.s32 s7, s2  }
0x1e: {  	s7 =	smul.u32 @!p0 $0xF7A, s2;
	p2 =	seq.s32 @!p0 s5, $0x0  }
0x1f: {  	s9 =	smul.u32 $0xF7A, s1;
	s8 =	simm.s32 @!p0 $0x1BF5;
	p2 =	por !p2, p0  }
0x20: {  	[sflag:s8] =	ssyncset.s32 @!p0 $0xFFFFF086;
	s6 =	sadd.s32 @!p0 s3, s7;
	s7 =	simm.s32 @!p0 $0x108  }
0x21: {  	s3 =	sadd.s32 s3, s9;
	s6 =	sadd.s32 @!p0 $0x88, s6;
	s7 =	simm.s32 @p2 $0x1082  }
0x22: {  	[simem:s7], [sflag:s8] =	dma.local @!p0 [hbm:s6], $0xF7A  }
0x23: {  	s9 =	sor.u32 $0xD0000000, s2;
	s6 =	simm.s32 $0x108;
	_ =	swait.ge @!p0 [sflag:s8], $0x0  }
0x24: {  	s3 =	sadd.s32 $0x88, s3;
	s6 =	simm.s32 @!p1 $0x1082;
	[sflag:s4] =	ssyncset.s32 $0xFFFFF086  }
0x25: {  	[simem:s6], [sflag:s4] =	dma.local [hbm:s3], $0xF7A  }
0x26: {  	[smem:$0x3F9E] =	sst s1;
	(tag) =	ssettag s2;
	_ =	strace s9  }
0x27: {  	s1 =	sld [smem:$0x3FAE]  }
0x28: {  	s2 =	sld [smem:$0x3FAF]  }
0x29: {  	s4 =	sld [smem:$0x3FB1]  }
0x2a: {  	p0 =	seq.s32 s5, $0x0;
	s5 =	sld [smem:$0x3FB2]  }
0x2b: {  	s6 =	sld [smem:$0x3FB3]  }
0x2c: {  	s7 =	sld [smem:$0x3FB4]  }
0x2d: {  	s3 =	simm.s32 $0x108;
	s8 =	sld [smem:$0x3FB5]  }
0x2e: {  	s3 =	simm.s32 @!p0 $0x1082;
	s9 =	sld [smem:$0x3FB6]  }
0x2f: {  	lr =	sadd.s32 s0, s3;
	s0 =	sld [smem:$0x3FAD]  }
0x30: {  	s3 =	sld [smem:$0x3FB0]  }
0x31: {  	[smem:$0x3FB9] =	sst s10  }
0x32: {  	s10 =	sld [smem:$0x3FB7];
	_ =	sdelay $0x3  }
0x33: {  	p0 =	seq.s32 s10, $0x1;
	s10 =	sld [smem:$0x3FB9];
	_ =	sdelay $0x3  }
0x34: {  	[smem:$0x3FB9] =	sst s10  }
0x35: {  	s10 =	sld [smem:$0x3FB8];
	_ =	sdelay $0x3  }
0x36: {  	p1 =	seq.s32 s10, $0x1;
	s10 =	sld [smem:$0x3FB9];
	_ =	sdelay $0x3  }
0x37: {  	[smem:$0x3FB9] =	sst s10  }
0x38: {  	s10 =	sld [smem:$0x3FBA]  }
0x39: {  	_ = 	snop;
	(pc) =	sbr.ind lr, $3  }
0x3a: {  	_ = 	snop  }
0x3b: {  	_ = 	snop  }
0x3c: {  	p2 =	seq.s32 s10, $0x1;
	s10 =	sld [smem:$0x3FB9]  }
0x3d: {  	_ =	shalt  }
0x3e: {  	_ =	shalt  }
0x3f: {  	_ =	shalt  }
0x40: {  	_ =	shalt  }
0x41: {  	_ =	shalt  }
0x42: {  	_ =	shalt  }
0x43: {  	_ =	shalt  }
0x44: {  	_ =	shalt  }
0x45: {  	_ =	shalt  }
0x46: {  	_ =	shalt  }
0x47: {  	_ =	shalt  }
0x48: {  	_ =	shalt  }
0x49: {  	_ =	shalt  }
0x4a: {  	_ =	shalt  }
0x4b: {  	_ =	shalt  }
0x4c: {  	_ =	shalt  }
0x4d: {  	_ =	shalt  }
0x4e: {  	_ =	shalt  }
0x4f: {  	_ =	shalt  }
0x50: {  	_ =	shalt  }
0x51: {  	_ =	shalt  }
0x52: {  	_ =	shalt  }
0x53: {  	_ =	shalt  }
0x54: {  	_ =	shalt  }
0x55: {  	_ =	shalt  }
0x56: {  	_ =	shalt  }
0x57: {  	_ =	shalt  }
0x58: {  	_ =	shalt  }
0x59: {  	_ =	shalt  }
0x5a: {  	_ =	shalt  }
0x5b: {  	_ =	shalt  }
0x5c: {  	_ =	shalt  }
0x5d: {  	_ =	shalt  }
0x5e: {  	_ =	shalt  }
0x5f: {  	_ =	shalt  }
0x60: {  	_ =	shalt  }
0x61: {  	_ =	shalt  }
0x62: {  	_ =	shalt  }
0x63: {  	_ =	shalt  }
0x64: {  	_ =	shalt  }
0x65: {  	_ =	shalt  }
0x66: {  	_ =	shalt  }
0x67: {  	_ =	shalt  }
0x68: {  	_ =	shalt  }
0x69: {  	_ =	shalt  }
0x6a: {  	_ =	shalt  }
0x6b: {  	_ =	shalt  }
0x6c: {  	_ =	shalt  }
0x6d: {  	_ =	shalt  }
0x6e: {  	_ =	shalt  }
0x6f: {  	_ =	shalt  }
0x70: {  	_ =	shalt  }
0x71: {  	_ =	shalt  }
0x72: {  	_ =	shalt  }
0x73: {  	_ =	shalt  }
0x74: {  	_ =	shalt  }
0x75: {  	_ =	shalt  }
0x76: {  	_ =	shalt  }
0x77: {  	_ =	shalt  }
0x78: {  	_ =	shalt  }
0x79: {  	_ =	shalt  }
0x7a: {  	_ =	shalt  }
0x7b: {  	_ =	shalt  }
0x7c: {  	_ =	shalt  }
0x7d: {  	_ =	shalt  }
0x7e: {  	_ =	shalt  }
0x7f: {  	_ =	shalt  }
0x80: {  	_ =	shalt  }
0x81: {  	_ =	shalt  }
0x82: {  	_ =	shalt  }
0x83: {  	_ =	shalt  }
0x84: {  	_ =	shalt  }
0x85: {  	_ =	shalt  }
0x86: {  	_ =	shalt  }
0x87: {  	_ =	shalt  }
.Lfunc_end0:
.L_simem_size_0:
called_computation.1_lowered:
.L_overlay_start_0:
0x88: {  	s2 =	sld [smem:$0x3FD9]  }
0x89: {  	s3 =	sld [smem:$0x3FFE];
	_ =	sdelay $0x1  }
0x8a: {  	s1 =	srdreg.scid  }
0x8b: {  	s0 =	sand.u32 $0x1, s1  }
0x8c: {  	s17 =	sshll.u32 s0, $0xA;
	s2 =	sadd.s32 s3, s2  }
0x8d: {  	s2 =	sadd.s32 s2, s17  }
0x8e: {  	[smem:$0x3FC5] =	sst s2  }
0x8f: {  	_ = 	snop  }
0x90: {  	s2 =	sld [smem:$0x3FD0];
	(tm) =	ssettm $0x1  }
0x91: {  	s18 =	sld [smem:$0x3FFB];
	_ =	sdelay $0x3  }
0x92: {  	_ =	strace s18  }
0x93: {  	s3 =	sld [smem:$0x3FFC];
	_ =	sdelay $0x3  }
0x94: {  	_ =	strace s3  }
0x95: {  	s3 =	sld [smem:$0x3FFD];
	_ =	sdelay $0x3  }
0x96: {  	_ =	strace s3  }
0x97: {  	_ =	strace $0x8FFFFFFF  }
0x98: {  	s19 =	sld [smem:$0x3FDB];
	_ =	sdelay $0x1  }
0x99: {  	s4 =	simm.s32 $_scs_section_size  }
0x9a: {  	s5 =	simm.s32 $_size__tile_overlayer_lowered;
	s6 =	simm.s32 $_tile_overlayer_lowered  }
0x9b: {  	s22 =	simm.s32 $0x1BFF;
	s21 =	sshll.u32 s6, $0x1;
	s3 =	sadd.s32 s4, s19  }
0x9c: {  	s7 =	simm.s32 $0x0;
	s20 =	sshll.u32 s5, $0x1;
	s5 =	sadd.s32 s21, s3  }
0x9d: {  	[timem:s7], [sflag:s22] =	dma.local [hbm:s5], s20  }
0x9e: {  	_ =	swait.ge [sflag:s22], s20  }
0x9f: {  	s4 =	ssub.s32 $0x0, s20;
	[sflag:s22] =	ssyncset.done $0x0  }
0xa0: {  	[sflag:s22] =	ssyncadd.s32 s4;
	_ =	sdelay $0x1  }
0xa1: {  	s23 =	simm.s32 $0x1B8B  }
0xa2: {  	_ =	swait.ge [sflag:s23], $0x1  }
0xa3: {  	[sflag:s23] =	ssyncset.done $0x0  }
0xa4: {  	s25 =	simm.s32 $0x1B8E;
	s24 =	sld [smem:$0x3FFE];
	[sflag:s23] =	ssyncadd.s32 $0xFFFFFFFF  }
0xa5: {  	s26 =	simm.s32 $execute0_lowered;
	[smem:$0x3FD2] =	sst s25  }
0xa6: {  	s5 =	sshll.u32 s26, $0x1;
	_ =	strace $0x80000046;
	[dreg:$0x1] =	wrdreg $0xFFFFFFFF  }
0xa7: {  	s28 =	simm.s32 $_size_execute0_lowered;
	s3 =	sadd.s32 s3, s5;
	[dreg:$0x0] =	wrdreg $0x0  }
0xa8: {  	s5 =	sshll.u32 s28, $0x1;
	[dreg:$0x2] =	wrdreg s3  }
0xa9: {  	[dreg:$0x3] =	wrdreg s5  }
0xaa: {  	[dreg:$0x4] =	wrdreg $0xC0  }
0xab: {  	_ =	task [dreg:s7], $0x5FFFF  }
0xac: {  	[dreg:$0x1] =	wrdreg $0xFFFFFFFF  }
0xad: {  	[dreg:$0x0] =	wrdreg $0x60  }
0xae: {  	[dreg:$0x2] =	wrdreg s24  }
0xaf: {  	[dreg:$0x3] =	wrdreg s2  }
0xb0: {  	[dreg:$0x4] =	wrdreg $0x9  }
0xb1: {  	_ =	task.clear_ibuf [dreg:s7], $0x5FFFF;
	_ =	strace $0x90000046  }
0xb2: {  	s29 =	simm.s32 $0x9;
	_ =	strace $0x80000048  }
0xb3: {  	_ =	swait.ge [sflag:s29], $0x1  }
0xb4: {  	[sflag:s29] =	ssyncadd.s32 $0xFFFFFFFF  }
0xb5: {  	_ =	strace $0x90000048  }
0xb6: {  	_ =	sfence  }
0xb7: {  	s30 =	sld [smem:$0x0];
	_ =	sdelay $0x2  }
0xb8: {  	s31 =	sshll.u32 s1, $0xD;
	s1 =	sshrl.u32 s1, $0x2  }
0xb9: {  	s3 =	sand.u32 $0x4000, s31;
	s1 =	sadd.s32 s1, s30  }
0xba: {  	s0 =	sor.u32 s3, s0;
	s1 =	sshll.u32 s1, $0x11  }
0xbb: {  	s0 =	sor.u32 s1, s0  }
0xbc: {  	s0 =	sadd.s32 $0x8F2B, s0  }
0xbd: {  	[sflag:s0] =	ssyncadd.remote.s32 $0x1  }
0xbe: {  	_ =	sfence.sel $0xFFFF  }
0xbf: {  	[dreg:$0x0] =	wrdreg $0xFFFFFFFF;
	(pc) =	sbr.abs _section_cstart, $3  }
0xc0: {  	[dreg:$0x1] =	wrdreg $0xFFFFFFFF  }
0xc1: {  	_ =	task.clear_ibuf [dreg:s7], $0x2FFFF;
	_ =	strace $0x9FFFFFFF  }
0xc2: {  	(tm) =	ssettm $0x7FFFFFFF  }
0xc3: {  	_ =	shalt  }
tec
execute0_lowered:
.L_overlay_start_1:
0x0: {  	(tag) =	ssettag $0x1  }
0x1: {  	s0 =	rddreg [dreg:$0x0]  }
0x2: {  	s1 =	srdreg.scid;
	s11 =	stileid.u32  }
0x3: {  	s5 =	rddreg [dreg:$0x1];
	s2 =	simm.s32 $0x0;
	s12 =	simm.s32 $0x80  }
0x4: {  	s13 =	simm.s32 $0x500;
	s14 =	simm.s32 $0x2500;
	s15 =	simm.s32 $0x100  }
0x5: {  	s16 =	simm.s32 $0x4500;
	s17 =	simm.s32 $0x180;
	s18 =	simm.s32 $0x6500  }
0x6: {  	v0 =	vimm.s32 $0x1C001;
	vm0 =	vcmask $0x300;
	s19 =	simm.s32 $0x200;
	s20 =	simm.s32 $0x8500;
	s28 =	simm.s32 $0x400  }
0x7: {  	vm14 =	vcmask $0x704;
	s29 =	simm.s32 $0x10500;
	s30 =	simm.s32 $0x480;
	s31 =	simm.s32 $0x12500;
	v0 =	vsel vm0, $0x0, v0  }
0x8: {  	vm15 =	vcmask $0xB08;
	s1 =	sand.u32 $0x1, s1;
	s3 =	sshll.u32 s11, $0x1;
	s8 =	smul.u32 $0xC800, s11;
	v0 =	vsel vm14, $0x4000, v0  }
0x9: {  	vm4 =	vcmask $0xF0C;
	[smem:$0x7FF] =	sst s2;
	s4 =	sadd.s32 $0x119A00, s0;
	s24 =	smul.u32 $0x64000, s11;
	v0 =	vsel vm15, $0x8000, v0  }
0xa: {  	vm5 =	vcmask $0x1310;
	s11 =	simm.s32 $0x3;
	s3 =	sor.u32 s1, s3;
	s10 =	smul.u32 $0x6400, s1;
	v0 =	vsel vm4, $0xC000, v0  }
0xb: {  	vm6 =	vcmask $0x1714;
	_ =	strace $0x80000047;
	s7 =	ssub.s32 $0x2, s1;
	s1 =	smul.u32 $0x32000, s1;
	v0 =	vsel vm5, $0x10000, v0  }
0xc: {  	vm7 =	vcmask $0x1B18;
	s6 =	smul.u32 $0x6400, s3;
	s3 =	sadd.s32 $0x100A00, s0;
	s9 =	sshrl.u32 s7, $0x1;
	v0 =	vsel vm6, $0x14000, v0  }
0xd: {  	vm8 =	vcmask $0x1F1C;
	s26 =	sadd.s32 s24, s5;
	s24 =	simm.s32 $0xC500;
	s21 =	ssub.s32 s7, s9;
	v0 =	vsel vm7, $0x18000, v0  }
0xe: {  	vm9 =	vcmask $0x2320;
	s22 =	sadd.s32 s10, s8;
	s10 =	sadd.s32 s1, s26;
	s26 =	simm.s32 $0xE500;
	v0 =	vsel vm8, $0x1C000, v0  }
0xf: {  	vm10 =	vcmask $0x2724;
	s1 =	simm.s32 $0x1;
	s6 =	sshrl.u32 s6, $0x3;
	s0 =	smax.u32 s21, $0x1;
	v0 =	vsel vm9, $0x1, v0  }
0x10: {  	vm11 =	vcmask $0x2B28;
	s23 =	sadd.s32 $0x500, s22;
	s21 =	simm.s32 $0x280;
	[dreg:$0x4] =	wrdreg s0;
	v0 =	vsel vm10, $0x4001, v0  }
.Ltmp0:
0x11: {  	vm12 =	vcmask $0x2F2C;
	s6 =	sadd.s32 s3, s6;
	[dreg:$0x5] =	wrdreg s23;
	v0 =	vsel vm11, $0x8001, v0;
	(pc) =	sbr.rel .LBB2_1-.Ltmp0, $4  }
0x12: {  	vm13 =	vcmask $0x3330;
	s0 =	sor.u32 $0x280, s22;
	s22 =	simm.s32 $0xA500;
	s23 =	simm.s32 $0x300;
	v0 =	vsel vm12, $0xC001, v0  }
0x13: {  	vm14 =	vcmask $0x3734;
	[dreg:$0x3] =	wrdreg s6;
	s25 =	sshll.u32 s0, $0x3;
	s0 =	sshrl.u32 s0, $0x3;
	v0 =	vsel vm13, $0x10001, v0  }
0x14: {  	vm15 =	vcmask $0x3B38;
	s6 =	simm.s32 $0x0;
	s8 =	sadd.s32 s25, s5;
	s0 =	sadd.s32 s0, s3;
	v0 =	vsel vm14, $0x14001, v0  }
0x15: {  	s25 =	simm.s32 $0x380;
	[dreg:$0x6] =	wrdreg s0;
	s0 =	simm.s32 $0x2;
	v0 =	vsel vm15, $0x18001, v0  }
.LBB2_5:
0x16: {  	s6 =	rddreg [dreg:$0x7]  }
0x17: {  	s5 =	rddreg [dreg:$0x4];
	s6 =	sadd.s32 $0x1, s6  }
0x18: {  	p0 =	sne.s32 s6, s5  }
.Ltmp1:
0x19: {  	_ = 	snop;
	(pc) =	sbr.rel @!p0 .LBB2_6-.Ltmp1, $1  }
0x1a: {  	_ =	sdelay $0x3  }
.LBB2_1:
0x1b: {  	[dreg:$0x7] =	wrdreg s6  }
0x1c: {  	s5 =	rddreg [dreg:$0x3]  }
0x1d: {  	[tilespmem:s2], [sflag:$0x3] =	stream.linear.gather [hbm4b:s5+s2], $0x280, $0x38;
	[tilespmem:$0x14500] =	vst v63  }
0x1e: {  	_ =	swait.ge [sflag:s11], $0x280  }
0x1f: {  	[sflag:s11] =	ssyncset.done $0x0  }
0x20: {  	[sflag:s11] =	ssyncadd.s32 $0xFFFFFD80  }
0x21: {  	v1 =	vld [tilespmem:$0x0]  }
0x22: {  	v2 =	vld [tilespmem:$0x10]  }
0x23: {  	v3 =	vld [tilespmem:$0x20]  }
0x24: {  	v4 =	vld [tilespmem:$0x30]  }
0x25: {  	v5 =	vld [tilespmem:$0x40]  }
0x26: {  	v6 =	vld [tilespmem:$0x50];
	v1 =	vshll.u32 v1, $0x1  }
0x27: {  	v7 =	vld [tilespmem:$0x60];
	v2 =	vshll.u32 v2, $0x1;
	v1 =	vadd.s32 v0, v1  }
0x28: {  	[tilespmem:$0x0] =	vst v1;
	v1 =	vadd.s32 v0, v2;
	v2 =	vshll.u32 v3, $0x1;
	v3 =	vld [tilespmem:$0x70]  }
0x29: {  	v38 =	vld [tilespmem:$0x80];
	[tilespmem:$0x10] =	vst v1;
	v1 =	vadd.s32 v0, v2;
	v2 =	vshll.u32 v4, $0x1  }
0x2a: {  	v39 =	vld [tilespmem:$0x90];
	[tilespmem:$0x20] =	vst v1;
	v1 =	vadd.s32 v0, v2;
	v2 =	vshll.u32 v5, $0x1  }
0x2b: {  	v40 =	vld [tilespmem:$0xA0];
	[tilespmem:$0x30] =	vst v1;
	v1 =	vadd.s32 v0, v2;
	v2 =	vshll.u32 v6, $0x1  }
0x2c: {  	v41 =	vld [tilespmem:$0xB0];
	[tilespmem:$0x40] =	vst v1;
	v1 =	vadd.s32 v0, v2;
	v2 =	vshll.u32 v7, $0x1  }
0x2d: {  	[tilespmem:$0x50] =	vst v1;
	v1 =	vadd.s32 v0, v2;
	v2 =	vshll.u32 v3, $0x1;
	v3 =	vld [tilespmem:$0xC0]  }
0x2e: {  	v42 =	vld [tilespmem:$0xD0];
	[tilespmem:$0x60] =	vst v1;
	v1 =	vadd.s32 v0, v2;
	v2 =	vshll.u32 v38, $0x1  }
0x2f: {  	v43 =	vld [tilespmem:$0xE0];
	[tilespmem:$0x70] =	vst v1;
	v1 =	vadd.s32 v0, v2;
	v2 =	vshll.u32 v39, $0x1  }
0x30: {  	v44 =	vld [tilespmem:$0xF0];
	[tilespmem:$0x80] =	vst v1;
	v1 =	vadd.s32 v0, v2;
	v2 =	vshll.u32 v40, $0x1  }
0x31: {  	v45 =	vld [tilespmem:$0x100];
	[tilespmem:$0x90] =	vst v1;
	v1 =	vadd.s32 v0, v2;
	v2 =	vshll.u32 v41, $0x1  }
0x32: {  	[tilespmem:$0xA0] =	vst v1;
	v1 =	vadd.s32 v0, v2;
	v2 =	vshll.u32 v3, $0x1;
	v3 =	vld [tilespmem:$0x110]  }
0x33: {  	v46 =	vld [tilespmem:$0x120];
	[tilespmem:$0xB0] =	vst v1;
	v1 =	vadd.s32 v0, v2;
	v2 =	vshll.u32 v42, $0x1  }
0x34: {  	v47 =	vld [tilespmem:$0x130];
	[tilespmem:$0xC0] =	vst v1;
	v1 =	vadd.s32 v0, v2;
	v2 =	vshll.u32 v43, $0x1  }
0x35: {  	v48 =	vld [tilespmem:$0x140];
	[tilespmem:$0xD0] =	vst v1;
	v1 =	vadd.s32 v0, v2;
	v2 =	vshll.u32 v44, $0x1  }
0x36: {  	v49 =	vld [tilespmem:$0x150];
	[tilespmem:$0xE0] =	vst v1;
	v1 =	vadd.s32 v0, v2;
	v2 =	vshll.u32 v45, $0x1  }
0x37: {  	[tilespmem:$0xF0] =	vst v1;
	v1 =	vadd.s32 v0, v2;
	v2 =	vshll.u32 v3, $0x1;
	v3 =	vld [tilespmem:$0x160]  }
0x38: {  	v50 =	vld [tilespmem:$0x170];
	[tilespmem:$0x100] =	vst v1;
	v1 =	vadd.s32 v0, v2;
	v2 =	vshll.u32 v46, $0x1  }
0x39: {  	v51 =	vld [tilespmem:$0x180];
	[tilespmem:$0x110] =	vst v1;
	v1 =	vadd.s32 v0, v2;
	v2 =	vshll.u32 v47, $0x1  }
0x3a: {  	v52 =	vld [tilespmem:$0x190];
	[tilespmem:$0x120] =	vst v1;
	v1 =	vadd.s32 v0, v2;
	v2 =	vshll.u32 v48, $0x1  }
0x3b: {  	v53 =	vld [tilespmem:$0x1A0];
	[tilespmem:$0x130] =	vst v1;
	v1 =	vadd.s32 v0, v2;
	v2 =	vshll.u32 v49, $0x1  }
0x3c: {  	[tilespmem:$0x140] =	vst v1;
	v1 =	vadd.s32 v0, v2;
	v2 =	vshll.u32 v3, $0x1;
	v3 =	vld [tilespmem:$0x1B0]  }
0x3d: {  	v54 =	vld [tilespmem:$0x1C0];
	[tilespmem:$0x150] =	vst v1;
	v1 =	vadd.s32 v0, v2;
	v2 =	vshll.u32 v50, $0x1  }
0x3e: {  	v55 =	vld [tilespmem:$0x1D0];
	[tilespmem:$0x160] =	vst v1;
	v1 =	vadd.s32 v0, v2;
	v2 =	vshll.u32 v51, $0x1  }
0x3f: {  	v56 =	vld [tilespmem:$0x1E0];
	[tilespmem:$0x170] =	vst v1;
	v1 =	vadd.s32 v0, v2;
	v2 =	vshll.u32 v52, $0x1  }
0x40: {  	v57 =	vld [tilespmem:$0x1F0];
	[tilespmem:$0x180] =	vst v1;
	v1 =	vadd.s32 v0, v2;
	v2 =	vshll.u32 v53, $0x1  }
0x41: {  	[tilespmem:$0x190] =	vst v1;
	v1 =	vadd.s32 v0, v2;
	v2 =	vshll.u32 v3, $0x1;
	v3 =	vld [tilespmem:$0x200]  }
0x42: {  	v58 =	vld [tilespmem:$0x210];
	[tilespmem:$0x1A0] =	vst v1;
	v1 =	vadd.s32 v0, v2;
	v2 =	vshll.u32 v54, $0x1  }
0x43: {  	v59 =	vld [tilespmem:$0x220];
	[tilespmem:$0x1B0] =	vst v1;
	v1 =	vadd.s32 v0, v2;
	v2 =	vshll.u32 v55, $0x1  }
0x44: {  	v60 =	vld [tilespmem:$0x230];
	[tilespmem:$0x1C0] =	vst v1;
	v1 =	vadd.s32 v0, v2;
	v2 =	vshll.u32 v56, $0x1  }
0x45: {  	v61 =	vld [tilespmem:$0x240];
	[tilespmem:$0x1D0] =	vst v1;
	v1 =	vadd.s32 v0, v2;
	v2 =	vshll.u32 v57, $0x1  }
0x46: {  	[tilespmem:$0x1E0] =	vst v1;
	v1 =	vadd.s32 v0, v2;
	v2 =	vshll.u32 v3, $0x1;
	v3 =	vld [tilespmem:$0x250]  }
0x47: {  	v62 =	vld [tilespmem:$0x260];
	[tilespmem:$0x1F0] =	vst v1;
	v1 =	vadd.s32 v0, v2;
	v2 =	vshll.u32 v58, $0x1  }
0x48: {  	v63 =	vld [tilespmem:$0x270];
	[tilespmem:$0x200] =	vst v1;
	v1 =	vadd.s32 v0, v2;
	v2 =	vshll.u32 v59, $0x1  }
0x49: {  	[tilespmem:$0x210] =	vst v1;
	v1 =	vadd.s32 v0, v2;
	v2 =	vshll.u32 v60, $0x1  }
0x4a: {  	[tilespmem:$0x220] =	vst v1;
	v1 =	vadd.s32 v0, v2;
	v2 =	vshll.u32 v61, $0x1  }
0x4b: {  	[tilespmem:$0x230] =	vst v1;
	v1 =	vadd.s32 v0, v2;
	v2 =	vshll.u32 v3, $0x1  }
0x4c: {  	[tilespmem:$0x240] =	vst v1;
	v1 =	vadd.s32 v0, v2;
	v2 =	vshll.u32 v62, $0x1  }
0x4d: {  	[tilespmem:$0x250] =	vst v1;
	v1 =	vadd.s32 v0, v2;
	v2 =	vshll.u32 v63, $0x1  }
0x4e: {  	[tilespmem:$0x260] =	vst v1;
	v1 =	vadd.s32 v0, v2  }
0x4f: {  	[tilespmem:$0x270] =	vst v1  }
0x50: {  	[tilespmem:s13], [sflag:$0x1] =	stream.indirect.gather [hbm4b:s4+s12], $0x40, s2, s12, $0xb8;
	[tilespmem:$0x14500] =	vst v63  }
0x51: {  	_ = 	snop  }
0x52: {  	[tilespmem:s14], [sflag:$0x1] =	stream.indirect.gather [hbm4b:s4+s12], $0x40, s12, s12, $0xb8;
	[tilespmem:$0x14500] =	vst v63  }
0x53: {  	_ = 	snop  }
0x54: {  	[tilespmem:s16], [sflag:$0x1] =	stream.indirect.gather [hbm4b:s4+s12], $0x40, s15, s12, $0xb8;
	[tilespmem:$0x14500] =	vst v63  }
.Ltmp2:
0x55: {  	_ = 	snop;
	(pc) =	sbr.rel .LBB2_2-.Ltmp2, $4  }
0x56: {  	s9 =	rddreg [dreg:$0x6]  }
0x57: {  	[tilespmem:s18], [sflag:$0x1] =	stream.indirect.gather [hbm4b:s4+s12], $0x40, s17, s12, $0xb8;
	[tilespmem:$0x14500] =	vst v63  }
0x58: {  	s6 =	simm.s32 $0x0;
	s7 =	rddreg [dreg:$0x5]  }
0x59: {  	[tilespmem:s20], [sflag:$0x1] =	stream.indirect.gather [hbm4b:s4+s12], $0x40, s19, s12, $0xb8;
	[tilespmem:$0x14500] =	vst v63  }
.LBB2_4:
0x5a: {  	_ =	swait.ge [sflag:s0], $0x2000  }
0x5b: {  	[sflag:s0] =	ssyncset.done $0x0  }
0x5c: {  	[sflag:s0] =	ssyncadd.s32 $0xFFFFE000  }
0x5d: {  	_ =	swait.ge [sflag:s0], $0x2000  }
0x5e: {  	[sflag:s0] =	ssyncset.done $0x0  }
0x5f: {  	[sflag:s0] =	ssyncadd.s32 $0xFFFFE000  }
0x60: {  	_ =	swait.ge [sflag:s0], $0x2000  }
0x61: {  	[sflag:s0] =	ssyncset.done $0x0  }
0x62: {  	[sflag:s0] =	ssyncadd.s32 $0xFFFFE000  }
0x63: {  	_ =	swait.ge [sflag:s0], $0x2000  }
0x64: {  	[sflag:s0] =	ssyncset.done $0x0  }
0x65: {  	[sflag:s0] =	ssyncadd.s32 $0xFFFFE000  }
0x66: {  	s5 =	sadd.s32 s6, s8;
	s6 =	sadd.s32 $0x2800, s6;
	_ =	swait.ge [sflag:s0], $0x2000  }
0x67: {  	p0 =	sne.s32 s6, $0x32000;
	[sflag:s0] =	ssyncset.done $0x0  }
.Ltmp3:
0x68: {  	[sflag:s0] =	ssyncadd.s32 $0xFFFFE000;
	(pc) =	sbr.rel @!p0 .LBB2_5-.Ltmp3, $4  }
0x69: {  	[hbm4b:s5+s2] =	stream.linear.scatter [tilespmem:s22], [sflag:$0x3], $0xA000, $0x38;
	[tilespmem:$0x14500] =	vst v63  }
0x6a: {  	_ =	swait.ge [sflag:s11], $0xA000  }
0x6b: {  	[sflag:s11] =	ssyncset.done $0x0  }
0x6c: {  	s7 =	sadd.s32 $0x500, s7;
	s9 =	sadd.s32 $0xA0, s9;
	[sflag:s11] =	ssyncadd.s32 $0xFFFF6000  }
.LBB2_2:
0x6d: {  	[tilespmem:s21], [sflag:$0x3] =	stream.linear.gather [hbm4b:s9+s2], $0x280, $0x38;
	[tilespmem:$0x14500] =	vst v63  }
0x6e: {  	_ =	swait.ge [sflag:s11], $0x280  }
0x6f: {  	[sflag:s11] =	ssyncset.done $0x0  }
0x70: {  	[sflag:s11] =	ssyncadd.s32 $0xFFFFFD80  }
0x71: {  	v1 =	vld [tilespmem:$0x280]  }
0x72: {  	v2 =	vld [tilespmem:$0x290]  }
0x73: {  	v3 =	vld [tilespmem:$0x2A0]  }
0x74: {  	v4 =	vld [tilespmem:$0x2B0]  }
0x75: {  	v5 =	vld [tilespmem:$0x2C0]  }
0x76: {  	v6 =	vld [tilespmem:$0x2D0];
	v1 =	vshll.u32 v1, $0x1  }
0x77: {  	v7 =	vld [tilespmem:$0x2E0];
	v2 =	vshll.u32 v2, $0x1;
	v1 =	vadd.s32 v0, v1  }
0x78: {  	[tilespmem:$0x280] =	vst v1;
	v1 =	vadd.s32 v0, v2;
	v2 =	vshll.u32 v3, $0x1;
	v3 =	vld [tilespmem:$0x2F0]  }
0x79: {  	v38 =	vld [tilespmem:$0x300];
	[tilespmem:$0x290] =	vst v1;
	v1 =	vadd.s32 v0, v2;
	v2 =	vshll.u32 v4, $0x1  }
0x7a: {  	v39 =	vld [tilespmem:$0x310];
	[tilespmem:$0x2A0] =	vst v1;
	v1 =	vadd.s32 v0, v2;
	v2 =	vshll.u32 v5, $0x1  }
0x7b: {  	v40 =	vld [tilespmem:$0x320];
	[tilespmem:$0x2B0] =	vst v1;
	v1 =	vadd.s32 v0, v2;
	v2 =	vshll.u32 v6, $0x1  }
0x7c: {  	v41 =	vld [tilespmem:$0x330];
	[tilespmem:$0x2C0] =	vst v1;
	v1 =	vadd.s32 v0, v2;
	v2 =	vshll.u32 v7, $0x1  }
0x7d: {  	[tilespmem:$0x2D0] =	vst v1;
	v1 =	vadd.s32 v0, v2;
	v2 =	vshll.u32 v3, $0x1;
	v3 =	vld [tilespmem:$0x340]  }
0x7e: {  	v42 =	vld [tilespmem:$0x350];
	[tilespmem:$0x2E0] =	vst v1;
	v1 =	vadd.s32 v0, v2;
	v2 =	vshll.u32 v38, $0x1  }
0x7f: {  	v43 =	vld [tilespmem:$0x360];
	[tilespmem:$0x2F0] =	vst v1;
	v1 =	vadd.s32 v0, v2;
	v2 =	vshll.u32 v39, $0x1  }
0x80: {  	v44 =	vld [tilespmem:$0x370];
	[tilespmem:$0x300] =	vst v1;
	v1 =	vadd.s32 v0, v2;
	v2 =	vshll.u32 v40, $0x1  }
0x81: {  	v45 =	vld [tilespmem:$0x380];
	[tilespmem:$0x310] =	vst v1;
	v1 =	vadd.s32 v0, v2;
	v2 =	vshll.u32 v41, $0x1  }
0x82: {  	[tilespmem:$0x320] =	vst v1;
	v1 =	vadd.s32 v0, v2;
	v2 =	vshll.u32 v3, $0x1;
	v3 =	vld [tilespmem:$0x390]  }
0x83: {  	v46 =	vld [tilespmem:$0x3A0];
	[tilespmem:$0x330] =	vst v1;
	v1 =	vadd.s32 v0, v2;
	v2 =	vshll.u32 v42, $0x1  }
0x84: {  	v47 =	vld [tilespmem:$0x3B0];
	[tilespmem:$0x340] =	vst v1;
	v1 =	vadd.s32 v0, v2;
	v2 =	vshll.u32 v43, $0x1  }
0x85: {  	v48 =	vld [tilespmem:$0x3C0];
	[tilespmem:$0x350] =	vst v1;
	v1 =	vadd.s32 v0, v2;
	v2 =	vshll.u32 v44, $0x1  }
0x86: {  	v49 =	vld [tilespmem:$0x3D0];
	[tilespmem:$0x360] =	vst v1;
	v1 =	vadd.s32 v0, v2;
	v2 =	vshll.u32 v45, $0x1  }
0x87: {  	[tilespmem:$0x370] =	vst v1;
	v1 =	vadd.s32 v0, v2;
	v2 =	vshll.u32 v3, $0x1;
	v3 =	vld [tilespmem:$0x3E0]  }
0x88: {  	v50 =	vld [tilespmem:$0x3F0];
	[tilespmem:$0x380] =	vst v1;
	v1 =	vadd.s32 v0, v2;
	v2 =	vshll.u32 v46, $0x1  }
0x89: {  	v51 =	vld [tilespmem:$0x400];
	[tilespmem:$0x390] =	vst v1;
	v1 =	vadd.s32 v0, v2;
	v2 =	vshll.u32 v47, $0x1  }
0x8a: {  	v52 =	vld [tilespmem:$0x410];
	[tilespmem:$0x3A0] =	vst v1;
	v1 =	vadd.s32 v0, v2;
	v2 =	vshll.u32 v48, $0x1  }
0x8b: {  	v53 =	vld [tilespmem:$0x420];
	[tilespmem:$0x3B0] =	vst v1;
	v1 =	vadd.s32 v0, v2;
	v2 =	vshll.u32 v49, $0x1  }
0x8c: {  	[tilespmem:$0x3C0] =	vst v1;
	v1 =	vadd.s32 v0, v2;
	v2 =	vshll.u32 v3, $0x1;
	v3 =	vld [tilespmem:$0x430]  }
0x8d: {  	v54 =	vld [tilespmem:$0x440];
	[tilespmem:$0x3D0] =	vst v1;
	v1 =	vadd.s32 v0, v2;
	v2 =	vshll.u32 v50, $0x1  }
0x8e: {  	v55 =	vld [tilespmem:$0x450];
	[tilespmem:$0x3E0] =	vst v1;
	v1 =	vadd.s32 v0, v2;
	v2 =	vshll.u32 v51, $0x1  }
0x8f: {  	v56 =	vld [tilespmem:$0x460];
	[tilespmem:$0x3F0] =	vst v1;
	v1 =	vadd.s32 v0, v2;
	v2 =	vshll.u32 v52, $0x1  }
0x90: {  	v57 =	vld [tilespmem:$0x470];
	[tilespmem:$0x400] =	vst v1;
	v1 =	vadd.s32 v0, v2;
	v2 =	vshll.u32 v53, $0x1  }
0x91: {  	[tilespmem:$0x410] =	vst v1;
	v1 =	vadd.s32 v0, v2;
	v2 =	vshll.u32 v3, $0x1;
	v3 =	vld [tilespmem:$0x480]  }
0x92: {  	v58 =	vld [tilespmem:$0x490];
	[tilespmem:$0x420] =	vst v1;
	v1 =	vadd.s32 v0, v2;
	v2 =	vshll.u32 v54, $0x1  }
0x93: {  	v59 =	vld [tilespmem:$0x4A0];
	[tilespmem:$0x430] =	vst v1;
	v1 =	vadd.s32 v0, v2;
	v2 =	vshll.u32 v55, $0x1  }
0x94: {  	v60 =	vld [tilespmem:$0x4B0];
	[tilespmem:$0x440] =	vst v1;
	v1 =	vadd.s32 v0, v2;
	v2 =	vshll.u32 v56, $0x1  }
0x95: {  	v61 =	vld [tilespmem:$0x4C0];
	[tilespmem:$0x450] =	vst v1;
	v1 =	vadd.s32 v0, v2;
	v2 =	vshll.u32 v57, $0x1  }
0x96: {  	[tilespmem:$0x460] =	vst v1;
	v1 =	vadd.s32 v0, v2;
	v2 =	vshll.u32 v3, $0x1;
	v3 =	vld [tilespmem:$0x4D0]  }
0x97: {  	v62 =	vld [tilespmem:$0x4E0];
	[tilespmem:$0x470] =	vst v1;
	v1 =	vadd.s32 v0, v2;
	v2 =	vshll.u32 v58, $0x1  }
0x98: {  	v63 =	vld [tilespmem:$0x4F0];
	[tilespmem:$0x480] =	vst v1;
	v1 =	vadd.s32 v0, v2;
	v2 =	vshll.u32 v59, $0x1  }
0x99: {  	[tilespmem:$0x490] =	vst v1;
	v1 =	vadd.s32 v0, v2;
	v2 =	vshll.u32 v60, $0x1  }
0x9a: {  	[tilespmem:$0x4A0] =	vst v1;
	v1 =	vadd.s32 v0, v2;
	v2 =	vshll.u32 v61, $0x1  }
0x9b: {  	[tilespmem:$0x4B0] =	vst v1;
	v1 =	vadd.s32 v0, v2;
	v2 =	vshll.u32 v3, $0x1  }
0x9c: {  	[tilespmem:$0x4C0] =	vst v1;
	v1 =	vadd.s32 v0, v2;
	v2 =	vshll.u32 v62, $0x1  }
0x9d: {  	[tilespmem:$0x4D0] =	vst v1;
	v1 =	vadd.s32 v0, v2;
	v2 =	vshll.u32 v63, $0x1  }
0x9e: {  	[tilespmem:$0x4E0] =	vst v1;
	v1 =	vadd.s32 v0, v2  }
0x9f: {  	[tilespmem:$0x4F0] =	vst v1  }
0xa0: {  	[tilespmem:s22], [sflag:$0x2] =	stream.indirect.gather [hbm4b:s4+s12], $0x40, s21, s12, $0xb8;
	[tilespmem:$0x14500] =	vst v63  }
0xa1: {  	_ = 	snop  }
0xa2: {  	[tilespmem:s24], [sflag:$0x2] =	stream.indirect.gather [hbm4b:s4+s12], $0x40, s23, s12, $0xb8;
	[tilespmem:$0x14500] =	vst v63  }
0xa3: {  	_ = 	snop  }
0xa4: {  	[tilespmem:s26], [sflag:$0x2] =	stream.indirect.gather [hbm4b:s4+s12], $0x40, s25, s12, $0xb8;
	[tilespmem:$0x14500] =	vst v63  }
0xa5: {  	_ = 	snop  }
0xa6: {  	[tilespmem:s29], [sflag:$0x2] =	stream.indirect.gather [hbm4b:s4+s12], $0x40, s28, s12, $0xb8;
	[tilespmem:$0x14500] =	vst v63  }
0xa7: {  	_ = 	snop  }
0xa8: {  	[tilespmem:s31], [sflag:$0x2] =	stream.indirect.gather [hbm4b:s4+s12], $0x40, s30, s12, $0xb8;
	[tilespmem:$0x14500] =	vst v63  }
0xa9: {  	_ =	swait.ge [sflag:s1], $0x2000  }
0xaa: {  	[sflag:s1] =	ssyncset.done $0x0  }
0xab: {  	[sflag:s1] =	ssyncadd.s32 $0xFFFFE000  }
0xac: {  	_ =	swait.ge [sflag:s1], $0x2000  }
0xad: {  	[sflag:s1] =	ssyncset.done $0x0  }
0xae: {  	[sflag:s1] =	ssyncadd.s32 $0xFFFFE000  }
0xaf: {  	_ =	swait.ge [sflag:s1], $0x2000  }
0xb0: {  	[sflag:s1] =	ssyncset.done $0x0  }
0xb1: {  	[sflag:s1] =	ssyncadd.s32 $0xFFFFE000  }
0xb2: {  	_ =	swait.ge [sflag:s1], $0x2000  }
0xb3: {  	[sflag:s1] =	ssyncset.done $0x0  }
0xb4: {  	[sflag:s1] =	ssyncadd.s32 $0xFFFFE000  }
0xb5: {  	_ =	swait.ge [sflag:s1], $0x2000  }
0xb6: {  	p0 =	seq.s32 s6, $0x2F800;
	[sflag:s1] =	ssyncset.done $0x0  }
.Ltmp4:
0xb7: {  	s5 =	sadd.s32 s6, s10;
	[sflag:s1] =	ssyncadd.s32 $0xFFFFE000;
	(pc) =	sbr.rel @p0 .LBB2_4-.Ltmp4, $4  }
0xb8: {  	[hbm4b:s5+s2] =	stream.linear.scatter [tilespmem:s13], [sflag:$0x3], $0xA000, $0x38;
	[tilespmem:$0x14500] =	vst v63  }
0xb9: {  	_ =	swait.ge [sflag:s11], $0xA000  }
0xba: {  	[sflag:s11] =	ssyncset.done $0x0  }
0xbb: {  	[sflag:s11] =	ssyncadd.s32 $0xFFFF6000  }
0xbc: {  	s5 =	sshrl.u32 s7, $0x3  }
0xbd: {  	s5 =	sadd.s32 s3, s5  }
0xbe: {  	[tilespmem:s2], [sflag:$0x3] =	stream.linear.gather [hbm4b:s5+s2], $0x280, $0x38;
	[tilespmem:$0x14500] =	vst v63  }
0xbf: {  	_ =	swait.ge [sflag:s11], $0x280  }
0xc0: {  	[sflag:s11] =	ssyncset.done $0x0  }
0xc1: {  	[sflag:s11] =	ssyncadd.s32 $0xFFFFFD80  }
0xc2: {  	v1 =	vld [tilespmem:$0x0]  }
0xc3: {  	v2 =	vld [tilespmem:$0x10]  }
0xc4: {  	v3 =	vld [tilespmem:$0x20]  }
0xc5: {  	v4 =	vld [tilespmem:$0x30]  }
0xc6: {  	v5 =	vld [tilespmem:$0x40]  }
0xc7: {  	v6 =	vld [tilespmem:$0x50];
	v1 =	vshll.u32 v1, $0x1  }
0xc8: {  	v7 =	vld [tilespmem:$0x60];
	v2 =	vshll.u32 v2, $0x1;
	v1 =	vadd.s32 v0, v1  }
0xc9: {  	[tilespmem:$0x0] =	vst v1;
	v1 =	vadd.s32 v0, v2;
	v2 =	vshll.u32 v3, $0x1;
	v3 =	vld [tilespmem:$0x70]  }
0xca: {  	v38 =	vld [tilespmem:$0x80];
	[tilespmem:$0x10] =	vst v1;
	v1 =	vadd.s32 v0, v2;
	v2 =	vshll.u32 v4, $0x1  }
0xcb: {  	v39 =	vld [tilespmem:$0x90];
	[tilespmem:$0x20] =	vst v1;
	v1 =	vadd.s32 v0, v2;
	v2 =	vshll.u32 v5, $0x1  }
0xcc: {  	v40 =	vld [tilespmem:$0xA0];
	[tilespmem:$0x30] =	vst v1;
	v1 =	vadd.s32 v0, v2;
	v2 =	vshll.u32 v6, $0x1  }
0xcd: {  	v41 =	vld [tilespmem:$0xB0];
	[tilespmem:$0x40] =	vst v1;
	v1 =	vadd.s32 v0, v2;
	v2 =	vshll.u32 v7, $0x1  }
0xce: {  	[tilespmem:$0x50] =	vst v1;
	v1 =	vadd.s32 v0, v2;
	v2 =	vshll.u32 v3, $0x1;
	v3 =	vld [tilespmem:$0xC0]  }
0xcf: {  	v42 =	vld [tilespmem:$0xD0];
	[tilespmem:$0x60] =	vst v1;
	v1 =	vadd.s32 v0, v2;
	v2 =	vshll.u32 v38, $0x1  }
0xd0: {  	v43 =	vld [tilespmem:$0xE0];
	[tilespmem:$0x70] =	vst v1;
	v1 =	vadd.s32 v0, v2;
	v2 =	vshll.u32 v39, $0x1  }
0xd1: {  	v44 =	vld [tilespmem:$0xF0];
	[tilespmem:$0x80] =	vst v1;
	v1 =	vadd.s32 v0, v2;
	v2 =	vshll.u32 v40, $0x1  }
0xd2: {  	v45 =	vld [tilespmem:$0x100];
	[tilespmem:$0x90] =	vst v1;
	v1 =	vadd.s32 v0, v2;
	v2 =	vshll.u32 v41, $0x1  }
0xd3: {  	[tilespmem:$0xA0] =	vst v1;
	v1 =	vadd.s32 v0, v2;
	v2 =	vshll.u32 v3, $0x1;
	v3 =	vld [tilespmem:$0x110]  }
0xd4: {  	v46 =	vld [tilespmem:$0x120];
	[tilespmem:$0xB0] =	vst v1;
	v1 =	vadd.s32 v0, v2;
	v2 =	vshll.u32 v42, $0x1  }
0xd5: {  	v47 =	vld [tilespmem:$0x130];
	[tilespmem:$0xC0] =	vst v1;
	v1 =	vadd.s32 v0, v2;
	v2 =	vshll.u32 v43, $0x1  }
0xd6: {  	v48 =	vld [tilespmem:$0x140];
	[tilespmem:$0xD0] =	vst v1;
	v1 =	vadd.s32 v0, v2;
	v2 =	vshll.u32 v44, $0x1  }
0xd7: {  	v49 =	vld [tilespmem:$0x150];
	[tilespmem:$0xE0] =	vst v1;
	v1 =	vadd.s32 v0, v2;
	v2 =	vshll.u32 v45, $0x1  }
0xd8: {  	[tilespmem:$0xF0] =	vst v1;
	v1 =	vadd.s32 v0, v2;
	v2 =	vshll.u32 v3, $0x1;
	v3 =	vld [tilespmem:$0x160]  }
0xd9: {  	v50 =	vld [tilespmem:$0x170];
	[tilespmem:$0x100] =	vst v1;
	v1 =	vadd.s32 v0, v2;
	v2 =	vshll.u32 v46, $0x1  }
0xda: {  	v51 =	vld [tilespmem:$0x180];
	[tilespmem:$0x110] =	vst v1;
	v1 =	vadd.s32 v0, v2;
	v2 =	vshll.u32 v47, $0x1  }
0xdb: {  	v52 =	vld [tilespmem:$0x190];
	[tilespmem:$0x120] =	vst v1;
	v1 =	vadd.s32 v0, v2;
	v2 =	vshll.u32 v48, $0x1  }
0xdc: {  	v53 =	vld [tilespmem:$0x1A0];
	[tilespmem:$0x130] =	vst v1;
	v1 =	vadd.s32 v0, v2;
	v2 =	vshll.u32 v49, $0x1  }
0xdd: {  	[tilespmem:$0x140] =	vst v1;
	v1 =	vadd.s32 v0, v2;
	v2 =	vshll.u32 v3, $0x1;
	v3 =	vld [tilespmem:$0x1B0]  }
0xde: {  	v54 =	vld [tilespmem:$0x1C0];
	[tilespmem:$0x150] =	vst v1;
	v1 =	vadd.s32 v0, v2;
	v2 =	vshll.u32 v50, $0x1  }
0xdf: {  	v55 =	vld [tilespmem:$0x1D0];
	[tilespmem:$0x160] =	vst v1;
	v1 =	vadd.s32 v0, v2;
	v2 =	vshll.u32 v51, $0x1  }
0xe0: {  	v56 =	vld [tilespmem:$0x1E0];
	[tilespmem:$0x170] =	vst v1;
	v1 =	vadd.s32 v0, v2;
	v2 =	vshll.u32 v52, $0x1  }
0xe1: {  	v57 =	vld [tilespmem:$0x1F0];
	[tilespmem:$0x180] =	vst v1;
	v1 =	vadd.s32 v0, v2;
	v2 =	vshll.u32 v53, $0x1  }
0xe2: {  	[tilespmem:$0x190] =	vst v1;
	v1 =	vadd.s32 v0, v2;
	v2 =	vshll.u32 v3, $0x1;
	v3 =	vld [tilespmem:$0x200]  }
0xe3: {  	v58 =	vld [tilespmem:$0x210];
	[tilespmem:$0x1A0] =	vst v1;
	v1 =	vadd.s32 v0, v2;
	v2 =	vshll.u32 v54, $0x1  }
0xe4: {  	v59 =	vld [tilespmem:$0x220];
	[tilespmem:$0x1B0] =	vst v1;
	v1 =	vadd.s32 v0, v2;
	v2 =	vshll.u32 v55, $0x1  }
0xe5: {  	v60 =	vld [tilespmem:$0x230];
	[tilespmem:$0x1C0] =	vst v1;
	v1 =	vadd.s32 v0, v2;
	v2 =	vshll.u32 v56, $0x1  }
0xe6: {  	v61 =	vld [tilespmem:$0x240];
	[tilespmem:$0x1D0] =	vst v1;
	v1 =	vadd.s32 v0, v2;
	v2 =	vshll.u32 v57, $0x1  }
0xe7: {  	[tilespmem:$0x1E0] =	vst v1;
	v1 =	vadd.s32 v0, v2;
	v2 =	vshll.u32 v3, $0x1;
	v3 =	vld [tilespmem:$0x250]  }
0xe8: {  	v62 =	vld [tilespmem:$0x260];
	[tilespmem:$0x1F0] =	vst v1;
	v1 =	vadd.s32 v0, v2;
	v2 =	vshll.u32 v58, $0x1  }
0xe9: {  	v63 =	vld [tilespmem:$0x270];
	[tilespmem:$0x200] =	vst v1;
	v1 =	vadd.s32 v0, v2;
	v2 =	vshll.u32 v59, $0x1  }
0xea: {  	[tilespmem:$0x210] =	vst v1;
	v1 =	vadd.s32 v0, v2;
	v2 =	vshll.u32 v60, $0x1  }
0xeb: {  	[tilespmem:$0x220] =	vst v1;
	v1 =	vadd.s32 v0, v2;
	v2 =	vshll.u32 v61, $0x1  }
0xec: {  	[tilespmem:$0x230] =	vst v1;
	v1 =	vadd.s32 v0, v2;
	v2 =	vshll.u32 v3, $0x1  }
0xed: {  	[tilespmem:$0x240] =	vst v1;
	v1 =	vadd.s32 v0, v2;
	v2 =	vshll.u32 v62, $0x1  }
0xee: {  	[tilespmem:$0x250] =	vst v1;
	v1 =	vadd.s32 v0, v2;
	v2 =	vshll.u32 v63, $0x1  }
0xef: {  	[tilespmem:$0x260] =	vst v1;
	v1 =	vadd.s32 v0, v2  }
0xf0: {  	[tilespmem:$0x270] =	vst v1  }
0xf1: {  	[tilespmem:s13], [sflag:$0x1] =	stream.indirect.gather [hbm4b:s4+s12], $0x40, s2, s12, $0xb8;
	[tilespmem:$0x14500] =	vst v63  }
0xf2: {  	_ = 	snop  }
0xf3: {  	[tilespmem:s14], [sflag:$0x1] =	stream.indirect.gather [hbm4b:s4+s12], $0x40, s12, s12, $0xb8;
	[tilespmem:$0x14500] =	vst v63  }
0xf4: {  	_ = 	snop  }
0xf5: {  	[tilespmem:s16], [sflag:$0x1] =	stream.indirect.gather [hbm4b:s4+s12], $0x40, s15, s12, $0xb8;
	[tilespmem:$0x14500] =	vst v63  }
.Ltmp5:
0xf6: {  	_ = 	snop;
	(pc) =	sbr.rel .LBB2_4-.Ltmp5, $4  }
0xf7: {  	_ = 	snop  }
0xf8: {  	[tilespmem:s18], [sflag:$0x1] =	stream.indirect.gather [hbm4b:s4+s12], $0x40, s17, s12, $0xb8;
	[tilespmem:$0x14500] =	vst v63  }
0xf9: {  	_ = 	snop  }
0xfa: {  	[tilespmem:s20], [sflag:$0x1] =	stream.indirect.gather [hbm4b:s4+s12], $0x40, s19, s12, $0xb8;
	[tilespmem:$0x14500] =	vst v63  }
.LBB2_6:
0xfb: {  	_ =	sfence.sel $0x180000  }
0xfc: {  	[bflag:$0x0] =	sbarrier.arrive $0xFFFF  }
0xfd: {  	_ =	strace $0x90000047  }
0xfe: {  	s0 =	stileid.u32;
	[bflag:$0x2] =	sbarrier.arrive $0xFFFF  }
0xff: {  	p0 =	sne.s32 s0, $0x0;
	s0 =	rddreg [dreg:$0x2]  }
0x100: {  	s0 =	sadd.s32 @!p0 $0x100000, s0  }
0x101: {  	[sflag:s0] =	ssyncadd.tile.s32 @!p0 $0x1;
	_ =	shalt  }
.Lfunc_end2:
_tile_overlayer_lowered:
.L_overlay_start_2:
0x102: {  	(tag) =	ssettag $0x2  }
0x103: {  	s0 =	rddreg [dreg:$0x0];
	s2 =	stileid.u32  }
0x104: {  	s1 =	rddreg [dreg:$0x1];
	p0 =	sne.s32 s2, $0x0  }
0x105: {  	s3 =	rddreg [dreg:$0x2];
	[bflag:$0x3] =	sbarrier.arrive $0xFFFF;
	s2 =	simm.s32 @!p0 $0x1C03  }
0x106: {  	[timem:s3], [sflag:s2] =	dma.local @!p0 [hbm:s0], s1  }
0x107: {  	s0 =	simm.s32 @!p0 $0x3  }
0x108: {  	_ =	swait.ge @!p0 [sflag:s0], s1  }
0x109: {  	s1 =	ssub.s32 @!p0 $0x0, s1;
	[sflag:s0] =	ssyncset.done @!p0 $0x0  }
0x10a: {  	[sflag:s0] =	ssyncadd.s32 @!p0 s1  }
0x10b: {  	[bflag:$0x3] =	sbarrier.arrive $0xFFFF  }
0x10c: {  	_ =	shalt  }

// kernel: sparse-core-data-format-call.cloned.1.call-start
scs
called_computation_lowered:
.L_overlay_start_0:
0x0: {  	s2 =	sld [smem:$0x3FD9]  }
0x1: {  	s3 =	sld [smem:$0x3FFE];
	_ =	sdelay $0x1  }
0x2: {  	s1 =	srdreg.scid  }
0x3: {  	s0 =	sand.u32 $0x1, s1  }
0x4: {  	s18 =	sshll.u32 s0, $0xA;
	s2 =	sadd.s32 s3, s2  }
0x5: {  	s2 =	sadd.s32 s2, s18  }
0x6: {  	[smem:$0x3FC5] =	sst s2  }
0x7: {  	_ = 	snop  }
0x8: {  	s2 =	sld [smem:$0x3FD0];
	(tm) =	ssettm $0x1  }
0x9: {  	s19 =	sld [smem:$0x3FFB];
	_ =	sdelay $0x3  }
0xa: {  	_ =	strace s19  }
0xb: {  	s3 =	sld [smem:$0x3FFC];
	_ =	sdelay $0x3  }
0xc: {  	_ =	strace s3  }
0xd: {  	s3 =	sld [smem:$0x3FFD];
	_ =	sdelay $0x3  }
0xe: {  	_ =	strace s3  }
0xf: {  	_ =	strace $0x8FFFFFFF  }
0x10: {  	s20 =	sld [smem:$0x3FDB];
	_ =	sdelay $0x1  }
0x11: {  	s4 =	simm.s32 $_scs_section_size  }
0x12: {  	s5 =	simm.s32 $_size__tile_overlayer_lowered;
	s6 =	simm.s32 $_tile_overlayer_lowered  }
0x13: {  	s23 =	simm.s32 $0x1BFF;
	s22 =	sshll.u32 s6, $0x1;
	s3 =	sadd.s32 s4, s20  }
0x14: {  	s7 =	simm.s32 $0x0;
	s21 =	sshll.u32 s5, $0x1;
	s5 =	sadd.s32 s22, s3  }
0x15: {  	[timem:s7], [sflag:s23] =	dma.local [hbm:s5], s21  }
0x16: {  	_ =	swait.ge [sflag:s23], s21  }
0x17: {  	s4 =	ssub.s32 $0x0, s21;
	[sflag:s23] =	ssyncset.done $0x0  }
0x18: {  	[sflag:s23] =	ssyncadd.s32 s4;
	_ =	sdelay $0x1  }
0x19: {  	s24 =	simm.s32 $0x1B8B  }
0x1a: {  	_ =	swait.ge [sflag:s24], $0x1  }
0x1b: {  	[sflag:s24] =	ssyncset.done $0x0  }
0x1c: {  	s26 =	simm.s32 $0x1B8E;
	s25 =	sld [smem:$0x3FFE];
	[sflag:s24] =	ssyncadd.s32 $0xFFFFFFFF  }
0x1d: {  	s27 =	simm.s32 $execute0_lowered;
	[smem:$0x3FD2] =	sst s26  }
0x1e: {  	s5 =	sshll.u32 s27, $0x1;
	_ =	strace $0x80000049;
	[dreg:$0x1] =	wrdreg $0xFFFFFFFF  }
0x1f: {  	s28 =	simm.s32 $_size_execute0_lowered;
	s3 =	sadd.s32 s3, s5;
	[dreg:$0x0] =	wrdreg $0x0  }
0x20: {  	s5 =	sshll.u32 s28, $0x1;
	[dreg:$0x2] =	wrdreg s3  }
0x21: {  	[dreg:$0x3] =	wrdreg s5  }
0x22: {  	[dreg:$0x4] =	wrdreg $0xC0  }
0x23: {  	_ =	task [dreg:s7], $0x5FFFF  }
0x24: {  	[dreg:$0x1] =	wrdreg $0xFFFFFFFF  }
0x25: {  	[dreg:$0x0] =	wrdreg $0x60  }
0x26: {  	[dreg:$0x2] =	wrdreg s25  }
0x27: {  	[dreg:$0x3] =	wrdreg s2  }
0x28: {  	[dreg:$0x4] =	wrdreg $0x9  }
0x29: {  	_ =	task.clear_ibuf [dreg:s7], $0x5FFFF;
	_ =	strace $0x90000049  }
0x2a: {  	s29 =	simm.s32 $0x9;
	_ =	strace $0x8000004B  }
0x2b: {  	_ =	swait.ge [sflag:s29], $0x1  }
0x2c: {  	[sflag:s29] =	ssyncadd.s32 $0xFFFFFFFF  }
0x2d: {  	_ =	strace $0x9000004B  }
0x2e: {  	_ =	sfence  }
0x2f: {  	s30 =	sld [smem:$0x0];
	_ =	sdelay $0x2  }
0x30: {  	s31 =	sshll.u32 s1, $0xD;
	s1 =	sshrl.u32 s1, $0x2  }
0x31: {  	s3 =	sand.u32 $0x4000, s31;
	s1 =	sadd.s32 s1, s30  }
0x32: {  	s0 =	sor.u32 s3, s0;
	s1 =	sshll.u32 s1, $0x11  }
0x33: {  	s0 =	sor.u32 s1, s0  }
0x34: {  	s0 =	sadd.s32 $0x8F2B, s0  }
0x35: {  	[sflag:s0] =	ssyncadd.remote.s32 $0x1  }
0x36: {  	_ =	sfence.sel $0xFFFF  }
0x37: {  	[dreg:$0x0] =	wrdreg $0xFFFFFFFF;
	(pc) =	sbr.abs _section_cstart, $3  }
0x38: {  	[dreg:$0x1] =	wrdreg $0xFFFFFFFF  }
0x39: {  	_ =	task.clear_ibuf [dreg:s7], $0x2FFFF;
	_ =	strace $0x9FFFFFFF  }
0x3a: {  	(tm) =	ssettm $0x7FFFFFFF  }
0x3b: {  	_ =	shalt  }
tec
execute0_lowered:
.L_overlay_start_1:
0x0: {  	(tag) =	ssettag $0x1  }
0x1: {  	s0 =	stileid.u32;
	s1 =	srdreg.scid  }
0x2: {  	s2 =	sshll.u32 s0, $0x7;
	s3 =	sshll.u32 s0, $0x4;
	s4 =	sshll.u32 s1, $0x8  }
0x3: {  	s7 =	rddreg [dreg:$0x0];
	s1 =	sand.u32 $0x380, s2;
	s29 =	sor.u32 s3, s4  }
0x4: {  	s8 =	simm.s32 $0x2;
	s2 =	sand.u32 $0x180, s29;
	s30 =	ssub.s32 $0x400, s1  }
0x5: {  	s15 =	simm.s32 $0x0;
	s31 =	sand.u32 $0x380, s30;
	s5 =	ssub.s32 $0x400, s2  }
0x6: {  	s4 =	simm.s32 $0x1;
	p0 =	sne.s32 s31, $0x0;
	s6 =	sand.u32 $0x180, s5  }
0x7: {  	s4 =	simm.s32 @!p0 $0x0;
	p0 =	sne.s32 s6, $0x0;
	s6 =	simm.s32 $0x1  }
0x8: {  	s3 =	sshrl.u32 s30, $0xA;
	s5 =	sshrl.u32 s5, $0x9;
	s6 =	simm.s32 @!p0 $0x0  }
0x9: {  	s9 =	simm.s32 $0x2000;
	s3 =	sadd.s32 s4, s3;
	s5 =	sadd.s32 s6, s5  }
0xa: {  	s10 =	simm.s32 $0x0;
	s16 =	simm.s32 $0x0;
	s6 =	smul.u32 s5, s3  }
.Ltmp0:
0xb: {  	s17 =	simm.s32 $0x0;
	s4 =	rddreg [dreg:$0x1];
	(pc) =	sbr.rel .LBB1_1-.Ltmp0, $4  }
0xc: {  	s12 =	simm.s32 $0x0;
	s14 =	simm.s32 $0x0;
	s3 =	rddreg [dreg:$0x2]  }
0xd: {  	_ =	strace $0x8000004A;
	s5 =	simm.s32 $0x1;
	s6 =	smul.u32 $0x32, s6  }
0xe: {  	s7 =	sadd.s32 $0xA00, s7;
	s13 =	smov.u32 s1;
	[sflag:s5] =	ssyncpa.u1 $0x0  }
0xf: {  	s11 =	smov.u32 s2;
	[sflag:s8] =	ssyncpa.u1 $0x0;
	s8 =	sor.u32 $0x1, s6  }
.LBB1_4:
0x10: {  	_ =	sdelay $0x3  }
0x11: {  	[tilespmem:v0+s20+$0xFFFFFFD0 ss:$0x1] =	vst.idx.msk $0xffff, v6  }
0x12: {  	v56 =	vld.idx.msk [tilespmem:v1+s19+$0x0 ss:$0x1], $0xffff;
	[tilespmem:v0+s20+$0xFFFFFFE0 ss:$0x1] =	vst.idx.msk $0xffff, v4  }
0x13: {  	v57 =	vld.idx.msk [tilespmem:v1+s19+$0xFFFFFF90 ss:$0x1], $0xffff;
	[tilespmem:v0+s20+$0xFFFFFFF0 ss:$0x1] =	vst.idx.msk $0xffff, v2  }
0x14: {  	v58 =	vld.idx.msk [tilespmem:v1+s19+$0xFFFFFFA0 ss:$0x1], $0xffff;
	[tilespmem:v0+s20+$0x0 ss:$0x1] =	vst.idx.msk $0xffff, v3  }
0x15: {  	v59 =	vld.idx.msk [tilespmem:v1+s19+$0xFFFFFFB0 ss:$0x1], $0xffff;
	[tilespmem:v0+s20+$0x10 ss:$0x1] =	vst.idx.msk $0xffff, v5  }
0x16: {  	v60 =	vld.idx.msk [tilespmem:v1+s19+$0xFFFFFFC0 ss:$0x1], $0xffff;
	[tilespmem:v0+s20+$0x20 ss:$0x1] =	vst.idx.msk $0xffff, v7  }
0x17: {  	v61 =	vld.idx.msk [tilespmem:v1+s19+$0xFFFFFFD0 ss:$0x1], $0xffff;
	[tilespmem:v0+s19+$0x30 ss:$0x1] =	vst.idx.msk $0xffff, v56  }
0x18: {  	v62 =	vld.idx.msk [tilespmem:v1+s19+$0xFFFFFFE0 ss:$0x1], $0xffff;
	[tilespmem:v0+s19+$0xFFFFFFC0 ss:$0x1] =	vst.idx.msk $0xffff, v57  }
0x19: {  	v63 =	vld.idx.msk [tilespmem:v1+s19+$0xFFFFFFF0 ss:$0x1], $0xffff;
	s17 =	sshll.u32 s17, $0x7;
	[tilespmem:v0+s19+$0xFFFFFFD0 ss:$0x1] =	vst.idx.msk $0xffff, v58  }
0x1a: {  	s30 =	sand.u32 $0x78, s15;
	s16 =	sshll.u32 s16, $0x11;
	s21 =	sand.u32 $0x380, s17;
	[tilespmem:v0+s19+$0xFFFFFFE0 ss:$0x1] =	vst.idx.msk $0xffff, v59  }
0x1b: {  	s31 =	sand.u32 $0x7, s15;
	s17 =	sand.u32 $0x1FC00, s17;
	s20 =	sor.u32 s21, s30;
	[tilespmem:v0+s19+$0xFFFFFFF0 ss:$0x1] =	vst.idx.msk $0xffff, v60  }
0x1c: {  	s16 =	sadd.s32 s4, s16;
	s17 =	sadd.s32 s15, s17;
	s20 =	sshrl.u32 s20, $0x3;
	[tilespmem:v0+s19+$0x0 ss:$0x1] =	vst.idx.msk $0xffff, v61  }
0x1d: {  	s15 =	sshll.u32 s31, $0x12;
	s17 =	sand.u32 $0x1FF80, s17;
	s16 =	sadd.s32 s20, s16;
	[tilespmem:v0+s19+$0x10 ss:$0x1] =	vst.idx.msk $0xffff, v62  }
0x1e: {  	s15 =	sor.u32 $0x400, s15;
	[tilespmem:v0+s19+$0x20 ss:$0x1] =	vst.idx.msk $0xffff, v63;
	s16 =	sadd.s32 s17, s16  }
0x1f: {  	[hbm4b:s16+s15] =	stream.strided.scatter [tilespmem:s18], [sflag:$0x2], $0x4000, s9, s15, $0x38;
	[tilespmem:$0x10000] =	vst v63  }
.LBB1_5:
0x20: {  	s18 =	sadd.s32 $0x200, s11  }
0x21: {  	s15 =	simm.s32 $0x1;
	p1 =	sgt.s32 s18, $0x3FF  }
0x22: {  	s15 =	simm.s32 @!p1 $0x0  }
0x23: {  	s19 =	sadd.s32 s15, s12  }
0x24: {  	s21 =	smov.u32 s13;
	s15 =	sadd.s32 $0x400, s13;
	p2 =	sgt.s32 s19, $0x31  }
0x25: {  	s21 =	smov.u32 @p2 s15  }
0x26: {  	p0 =	slt.u32 s14, $0x2;
	s18 =	smov.u32 @p1 s2;
	p1 =	sgt.s32 s21, $0x3FF  }
0x27: {  	s20 =	simm.s32 @!p0 $0x2;
	s21 =	smov.u32 @p1 s1;
	p1 =	sne.s32 s14, s8  }
.Ltmp1:
0x28: {  	_ =	swait.ge @!p0 [sflag:s20], $0x4000;
	(pc) =	sbr.rel @!p1 .LBB1_6-.Ltmp1, $4  }
0x29: {  	s16 =	smov.u32 s12;
	[sflag:s20] =	ssyncset.done @!p0 $0x0  }
0x2a: {  	s17 =	smov.u32 s13;
	s10 =	sadd.s32 $0x4000, s10;
	[sflag:s20] =	ssyncadd.s32 @!p0 $0xFFFFC000  }
0x2b: {  	s19 =	simm.s32 @p2 $0x0;
	s15 =	smov.u32 s11;
	s11 =	smov.u32 s18  }
0x2c: {  	s12 =	smov.u32 s19;
	s14 =	sadd.s32 $0x1, s14;
	s13 =	smov.u32 s21  }
.LBB1_1:
0x2d: {  	p0 =	sge.u32 s14, s6  }
0x2e: {  	s18 =	sshll.u32 @!p0 s12, $0xA  }
0x2f: {  	s19 =	sshll.u32 @!p0 s11, $0x3;
	s18 =	sand.u32 @!p0 $0xFFFFE000, s18  }
0x30: {  	s18 =	sadd.s32 @!p0 s18, s19  }
0x31: {  	s18 =	sshrl.u32 @!p0 s18, $0xA  }
0x32: {  	s19 =	smulhi.u32 @!p0 $0x4924925, s18  }
0x33: {  	s20 =	sshll.u32 @!p0 s12, $0x7;
	s22 =	smul.u32 @!p0 $0x1C00, s13  }
0x34: {  	s21 =	sand.u32 @!p0 $0x78, s11;
	s20 =	sand.u32 @!p0 $0x380, s20;
	s19 =	smul.u32 @!p0 $0x38, s19  }
0x35: {  	s31 =	sadd.s32 $0xFFFFFFFF, s14;
	s20 =	sor.u32 @!p0 s21, s20;
	s21 =	sadd.s32 @!p0 s7, s22  }
0x36: {  	s20 =	sshrl.u32 @!p0 s20, $0x3;
	s18 =	ssub.s32 @!p0 s18, s19;
	s19 =	sxor.u32 @!p0 $0xFFFFFFFF, s14  }
0x37: {  	s20 =	sadd.s32 @!p0 s20, s21;
	s21 =	sand.u32 @!p0 $0x7, s11;
	s19 =	sshll.u32 @!p0 s19, $0xE  }
0x38: {  	s21 =	sshll.u32 @!p0 s21, $0x12;
	s18 =	sshll.u32 @!p0 s18, $0x7;
	s19 =	sand.u32 @!p0 $0x4000, s19  }
0x39: {  	s18 =	sadd.s32 @!p0 s18, s20;
	s20 =	sor.u32 @!p0 $0x80, s21;
	s21 =	simm.s32 @!p0 $0xE000  }
0x3a: {  	[tilespmem:s19], [sflag:$0x1] =	stream.strided.gather @!p0 [hbm4b:s18+s20], $0x4000, s21, s20, $0x38;
	[tilespmem:$0x10000] =	vst v63  }
0x3b: {  	p0 =	sge.u32 s31, s6  }
.Ltmp2:
0x3c: {  	_ = 	snop;
	(pc) =	sbr.rel @p0 .LBB1_5-.Ltmp2, $1  }
0x3d: {  	_ =	sdelay $0x3  }
0x3e: {  	s18 =	sand.u32 $0x4000, s10  }
0x3f: {  	s19 =	sor.u32 $0x70, s18  }
0x40: {  	v1 =	vmov s19;
	_ =	sdelay $0x1  }
0x41: {  	_ =	swait.ge [sflag:s5], $0x4000  }
0x42: {  	[sflag:s5] =	ssyncset.done $0x0  }
0x43: {  	s20 =	simm.s32 $0x0;
	[sflag:s5] =	ssyncadd.s32 $0xFFFFC000  }
0x44: {  	s18 =	sor.u32 $0x8040, s18;
	v7 =	vld.idx.msk [tilespmem:v1+s20+$0x0 ss:$0x1], $0xffff  }
0x45: {  	v0 =	vmov s18;
	v8 =	vld.idx.msk [tilespmem:v1+s20+$0xFFFFFF90 ss:$0x1], $0xffff  }
0x46: {  	v6 =	vld.idx.msk [tilespmem:v1+s20+$0xFFFFFFA0 ss:$0x1], $0xffff  }
0x47: {  	v4 =	vld.idx.msk [tilespmem:v1+s20+$0xFFFFFFB0 ss:$0x1], $0xffff  }
0x48: {  	v2 =	vld.idx.msk [tilespmem:v1+s20+$0xFFFFFFC0 ss:$0x1], $0xffff  }
0x49: {  	s31 =	sshll.u32 s14, $0xE;
	v3 =	vld.idx.msk [tilespmem:v1+s20+$0xFFFFFFD0 ss:$0x1], $0xffff  }
0x4a: {  	s18 =	sand.u32 $0x4000, s31;
	v5 =	vld.idx.msk [tilespmem:v1+s20+$0xFFFFFFE0 ss:$0x1], $0xffff;
	[tilespmem:v0+s20+$0x30 ss:$0x1] =	vst.idx.msk $0xffff, v7  }
0x4b: {  	s21 =	simm.s32 $0x400;
	s19 =	simm.s32 $0x80;
	s18 =	sor.u32 $0x8000, s18;
	[tilespmem:v0+s20+$0xFFFFFFC0 ss:$0x1] =	vst.idx.msk $0xffff, v8;
	v7 =	vld.idx.msk [tilespmem:v1+s20+$0xFFFFFFF0 ss:$0x1], $0xffff  }
.LBB1_3:
0x4c: {  	p0 =	sne.s32 s21, $0xFE00;
	v8 =	vld.idx.msk [tilespmem:v1+s19+$0x0 ss:$0x1], $0xffff;
	[tilespmem:v0+s20+$0xFFFFFFD0 ss:$0x1] =	vst.idx.msk $0xffff, v6  }
0x4d: {  	v9 =	vld.idx.msk [tilespmem:v1+s19+$0xFFFFFF90 ss:$0x1], $0xffff;
	[tilespmem:v0+s20+$0xFFFFFFE0 ss:$0x1] =	vst.idx.msk $0xffff, v4  }
0x4e: {  	v6 =	vld.idx.msk [tilespmem:v1+s19+$0xFFFFFFA0 ss:$0x1], $0xffff;
	[tilespmem:v0+s20+$0xFFFFFFF0 ss:$0x1] =	vst.idx.msk $0xffff, v2  }
.Ltmp3:
0x4f: {  	v4 =	vld.idx.msk [tilespmem:v1+s19+$0xFFFFFFB0 ss:$0x1], $0xffff;
	[tilespmem:v0+s20+$0x0 ss:$0x1] =	vst.idx.msk $0xffff, v3;
	(pc) =	sbr.rel @p0 .LBB1_3-.Ltmp3, $4  }
0x50: {  	v2 =	vld.idx.msk [tilespmem:v1+s19+$0xFFFFFFC0 ss:$0x1], $0xffff;
	[tilespmem:v0+s20+$0x10 ss:$0x1] =	vst.idx.msk $0xffff, v5  }
0x51: {  	v3 =	vld.idx.msk [tilespmem:v1+s19+$0xFFFFFFD0 ss:$0x1], $0xffff;
	[tilespmem:v0+s20+$0x20 ss:$0x1] =	vst.idx.msk $0xffff, v7;
	s20 =	smov.u32 s19  }
0x52: {  	v5 =	vld.idx.msk [tilespmem:v1+s20+$0xFFFFFFE0 ss:$0x1], $0xffff;
	[tilespmem:v0+s20+$0x30 ss:$0x1] =	vst.idx.msk $0xffff, v8  }
0x53: {  	s19 =	sshra.s32 s21, $0x2;
	s21 =	sadd.s32 $0x200, s21;
	[tilespmem:v0+s20+$0xFFFFFFC0 ss:$0x1] =	vst.idx.msk $0xffff, v9;
	v7 =	vld.idx.msk [tilespmem:v1+s20+$0xFFFFFFF0 ss:$0x1], $0xffff  }
.Ltmp4:
0x54: {  	_ = 	snop;
	(pc) =	sbr.rel .LBB1_4-.Ltmp4, $1  }
0x55: {  	_ =	sdelay $0x3  }
.LBB1_6:
0x56: {  	_ =	sfence.sel $0x180000  }
0x57: {  	s1 =	simm.s32 $0x1;
	[bflag:$0x0] =	sbarrier.arrive $0xFFFF  }
0x58: {  	s31 =	simm.s32 $0x2;
	[sflag:s1] =	ssyncpa.u1 $0x1  }
0x59: {  	[sflag:s31] =	ssyncpa.u1 $0x1  }
0x5a: {  	p0 =	sne.s32 s0, $0x0;
	_ =	strace $0x9000004A  }
0x5b: {  	s0 =	sadd.s32 @!p0 $0x100000, s3;
	[bflag:$0x2] =	sbarrier.arrive $0xFFFF  }
0x5c: {  	[sflag:s0] =	ssyncadd.tile.s32 @!p0 $0x1;
	_ =	shalt  }
.Lfunc_end1:
_tile_overlayer_lowered:
.L_overlay_start_2:
0x5d: {  	(tag) =	ssettag $0x2  }
0x5e: {  	s0 =	rddreg [dreg:$0x0];
	s2 =	stileid.u32  }
0x5f: {  	s1 =	rddreg [dreg:$0x1];
	p0 =	sne.s32 s2, $0x0  }
0x60: {  	s3 =	rddreg [dreg:$0x2];
	[bflag:$0x3] =	sbarrier.arrive $0xFFFF;
	s2 =	simm.s32 @!p0 $0x1C01  }
0x61: {  	[timem:s3], [sflag:s2] =	dma.local @!p0 [hbm:s0], s1  }
0x62: {  	s0 =	simm.s32 @!p0 $0x1  }
0x63: {  	_ =	swait.ge @!p0 [sflag:s0], s1  }
0x64: {  	s1 =	ssub.s32 @!p0 $0x0, s1;
	[sflag:s0] =	ssyncset.done @!p0 $0x0  }
0x65: {  	[sflag:s0] =	ssyncadd.s32 @!p0 s1  }
0x66: {  	[bflag:$0x3] =	sbarrier.arrive $0xFFFF  }
0x67: {  	_ =	shalt  }

</sc_bundles>
